<compile_context>
chip_gen: v7x
topology: tpu7x:2x2x1
jax: 0.10.2.dev20260603
libtpu: 0.0.44.dev20260713+nightly
codegen_flags: <defaults>
</compile_context>

<pallas_src>
import functools

import jax
import jax.numpy as jnp
from jax import lax
from jax.experimental import pallas as pl
from jax.experimental.pallas import tpu as pltpu
from jax.experimental.pallas import tpu_sc as plsc

BATCH = 16384
FIELDS = 26
EMB_DIM = 32
LANES = 16

NUM_CORES = 2
NUM_SUBCORES = 16
NUM_WORKERS = NUM_CORES * NUM_SUBCORES
NB = BATCH // NUM_WORKERS


@jax.jit
def _sc_gather(d, table):
    mesh = plsc.VectorSubcoreMesh(core_axis_name="c", subcore_axis_name="s")

    @functools.partial(
        pl.kernel,
        mesh=mesh,
        out_type=jax.ShapeDtypeStruct((BATCH, 32, 128), jnp.float32),
        scratch_types=[
            pltpu.VMEM((NB, FIELDS), jnp.int32),
            pltpu.VMEM((FIELDS * NB,), jnp.int32),
            pltpu.VMEM((2, NB, 1, EMB_DIM), jnp.float32),
            pltpu.SemaphoreType.DMA,
            pltpu.SemaphoreType.DMA,
        ],
        compiler_params=pltpu.CompilerParams(
            use_tc_tiling_on_sc=False, needs_layout_passes=False
        ),
    )
    def k(table_hbm, idx_hbm, out_hbm, idx2d, idx1d, rows_v, sem0, sem1):
        wid = lax.axis_index("s") * NUM_CORES + lax.axis_index("c")
        b0 = wid * NB

        pltpu.sync_copy(idx_hbm.at[pl.ds(b0, NB), :], idx2d)

        lane = lax.iota(jnp.int32, LANES)
        lo_tgt = lane * NB
        hi_tgt = (lane + 10) * NB

        def body(j, _):
            row = idx2d.at[j]
            plsc.store_scatter(idx1d, [lo_tgt + j], row[pl.ds(0, LANES)])
            plsc.store_scatter(idx1d, [hi_tgt + j], row[pl.ds(10, LANES)])
            return ()

        lax.fori_loop(0, NB, body, (), unroll=8)

        sems = (sem0, sem1)
        descs = [None, None]
        for f in range(FIELDS + 1):
            if f < FIELDS:
                p = f % 2
                descs[p] = pltpu.async_copy(
                    table_hbm.at[idx1d.at[pl.ds(f * NB, NB)]],
                    rows_v.at[p, :, 0, :],
                    sems[p],
                )
            if f >= 1:
                q = (f - 1) % 2
                descs[q].wait()
                pltpu.sync_copy(
                    rows_v.at[q],
                    out_hbm.at[
                        pl.ds(b0, NB), pl.ds(f - 1, 1), pl.ds(0, EMB_DIM)
                    ],
                )

    return k(table, d)


def kernel(d, embedding):
    out = _sc_gather(d.astype(jnp.int32), embedding)
    return out[:, :FIELDS, :EMB_DIM]

# --- scband reference (transcript-rebuilt; emitter-appended) ---
"""Pipeline reference for scband-context-embedding-model-78640851190451 (READ-ONLY COPY).

The authoritative reference and input builder live on the scoring server;
editing this copy changes nothing except your own understanding.
"""

import jax, jax.numpy as jnp
import numpy as np

NUM_CONTEXTS = 1000000
EMB_DIM = 32
BATCH = 16384
FIELDS = 26

def setup_inputs(seed: int = 0) -> dict:
    key = jax.random.key(seed)
    k_idx, k_emb = jax.random.split(key)
    d = jax.random.randint(k_idx, (BATCH, FIELDS), 0, NUM_CONTEXTS, dtype=jnp.int64)
    # nn.Embedding default init: N(0, 1)
    embedding = jax.random.normal(k_emb, (NUM_CONTEXTS, EMB_DIM), dtype=jnp.float32)
    return {"d": d, "embedding": embedding}

def reference(d, embedding):
    # ContextEmbeddingModel.forward: self.embedding(d)
    return jnp.take(embedding, d, axis=0)

if __name__ == "__main__":
    import jax
    _d = setup_inputs()
    print(jax.jit(kernel)(*tuple(_d.values())))

</pallas_src>

<mosaic_0001>
#map = affine_map<(d0, d1) -> (0, 0)>
#map1 = affine_map<(d0, d1) -> (0, 0, 0)>
module attributes {stable_mosaic.version = 14 : i64} {
  func.func @k(%arg0: i32, %arg1: i32, %arg2: memref<1000000x32xf32, #tpu.memory_space<hbm>>, %arg3: memref<16384x26xi32, #tpu.memory_space<hbm>>, %arg4: memref<16384x32x128xf32, #tpu.memory_space<hbm>>, %arg5: memref<512x26xi32, #tpu.memory_space<vmem>>, %arg6: memref<13312xi32, #tpu.memory_space<vmem>>, %arg7: memref<2x512x1x32xf32, #tpu.memory_space<vmem>>, %arg8: memref<!tpu.dma_semaphore, #tpu.memory_space<semaphore_mem>>, %arg9: memref<!tpu.dma_semaphore, #tpu.memory_space<semaphore_mem>>) attributes {dimension_semantics = [#tpu.dimension_semantics<core_parallel>, #tpu.dimension_semantics<subcore_parallel>], iteration_bounds = array<i64: 2, 16>, scalar_prefetch = 0 : i64, scratch_operands = 5 : i64, tpu.core_type = #tpu.core_type<sc_vector_subcore>, window_params = [{transform_indices = #map}, {transform_indices = #map}, {transform_indices = #map1}]} {
    %mul3A = arith.constant 2 : i32
    %mul3A_0 = arith.muli %arg1, %mul3A : i32
    %add3A = arith.addi %mul3A_0, %arg0 : i32
    %mul3A_1 = arith.constant 512 : i32
    %mul3A_2 = arith.muli %add3A, %mul3A_1 : i32
    "tpu.region"() ({
      %run_scoped3A_611 = tpu.sem_alloc : memref<!tpu.dma_semaphore, #tpu.memory_space<semaphore_mem>>
      %dma_start3A_612 = arith.constant 0 : i32
      %dma_start3A_613 = tpu.memref_slice %arg3[%mul3A_2, %dma_start3A_612] : memref<16384x26xi32, #tpu.memory_space<hbm>> -> memref<512x26xi32, #tpu.memory_space<hbm>>
      %dma_start3A_614 = arith.constant 0 : i32
      %dma_start3A_615 = tpu.memref_slice %arg3[%mul3A_2, %dma_start3A_614] : memref<16384x26xi32, #tpu.memory_space<hbm>> -> memref<512x26xi32, #tpu.memory_space<hbm>>
      tpu.enqueue_dma source(%dma_start3A_615 : memref<512x26xi32, #tpu.memory_space<hbm>>) target(%arg5 : memref<512x26xi32, #tpu.memory_space<vmem>>) target_semaphore(%run_scoped3A_611 : memref<!tpu.dma_semaphore, #tpu.memory_space<semaphore_mem>>)
      %dma_wait3A_616 = arith.constant 0 : i32
      %dma_wait3A_617 = tpu.memref_slice %arg3[%mul3A_2, %dma_wait3A_616] : memref<16384x26xi32, #tpu.memory_space<hbm>> -> memref<512x26xi32, #tpu.memory_space<hbm>>
      %dma_wait3A_618 = arith.constant 0 : i32
      %dma_wait3A_619 = tpu.memref_slice %arg3[%mul3A_2, %dma_wait3A_618] : memref<16384x26xi32, #tpu.memory_space<hbm>> -> memref<512x26xi32, #tpu.memory_space<hbm>>
      tpu.wait_dma2 semaphore(%run_scoped3A_611 : memref<!tpu.dma_semaphore, #tpu.memory_space<semaphore_mem>>) src(%dma_wait3A_619 : memref<512x26xi32, #tpu.memory_space<hbm>>) dst(%arg5 : memref<512x26xi32, #tpu.memory_space<vmem>>)
      tpu.yield
    }) : () -> ()
    %iota3A = tpu.iota {dimensions = array<i32: 0>} : vector<16xi32>
    %mul3A_3 = arith.constant 512 : i32
    %mul3A_4 = vector.broadcast %mul3A_3 : i32 to vector<16xi32>
    %mul3A_5 = arith.muli %iota3A, %mul3A_4 : vector<16xi32>
    %add3A_6 = arith.constant 10 : i32
    %add3A_7 = vector.broadcast %add3A_6 : i32 to vector<16xi32>
    %add3A_8 = arith.addi %iota3A, %add3A_7 : vector<16xi32>
    %mul3A_9 = arith.constant 512 : i32
    %mul3A_10 = vector.broadcast %mul3A_9 : i32 to vector<16xi32>
    %mul3A_11 = arith.muli %add3A_8, %mul3A_10 : vector<16xi32>
    %scan3A = arith.constant 0 : i32
    %scan3A_12 = arith.constant 512 : i32
    %scan3A_13 = arith.addi %scan3A, %scan3A_12 : i32
    %scan3A_14 = arith.constant 8 : i32
    scf.for %scan3A_611 = %scan3A to %scan3A_13 step %scan3A_14  : i32 {
      %add3A_612 = vector.broadcast %scan3A_611 : i32 to vector<16xi32>
      %add3A_613 = arith.addi %mul3A_5, %add3A_612 : vector<16xi32>
      %get3A = arith.constant 0 : i32
      %get3A_614 = tpu.memref_slice %arg5[%scan3A_611, %get3A] : memref<512x26xi32, #tpu.memory_space<vmem>> -> memref<1x26xi32, #tpu.memory_space<vmem>>
      %get3A_615 = tpu.memref_squeeze %get3A_614 : memref<1x26xi32, #tpu.memory_space<vmem>> -> memref<26xi32, #tpu.memory_space<vmem>>
      %get3A_616 = arith.constant 0 : index
      %get3A_617 = tpu.vector_load %get3A_615[%get3A_616] {strides = array<i32>} : memref<26xi32, #tpu.memory_space<vmem>>, vector<16xi32>,
      tpu.vector_store_idx %arg6[%add3A_613], %get3A_617 : memref<13312xi32, #tpu.memory_space<vmem>>[vector<16xi32>], vector<16xi32>,
      %add3A_618 = vector.broadcast %scan3A_611 : i32 to vector<16xi32>
      %add3A_619 = arith.addi %mul3A_11, %add3A_618 : vector<16xi32>
      %get3A_620 = arith.constant 0 : i32
      %get3A_621 = tpu.memref_slice %arg5[%scan3A_611, %get3A_620] : memref<512x26xi32, #tpu.memory_space<vmem>> -> memref<1x26xi32, #tpu.memory_space<vmem>>
      %get3A_622 = tpu.memref_squeeze %get3A_621 : memref<1x26xi32, #tpu.memory_space<vmem>> -> memref<26xi32, #tpu.memory_space<vmem>>
      %get3A_623 = arith.constant 10 : index
      %get3A_624 = tpu.vector_load %get3A_622[%get3A_623] {strides = array<i32>} : memref<26xi32, #tpu.memory_space<vmem>>, vector<16xi32>,
      tpu.vector_store_idx %arg6[%add3A_619], %get3A_624 : memref<13312xi32, #tpu.memory_space<vmem>>[vector<16xi32>], vector<16xi32>,
      %scan3A_625 = arith.constant 1 : i32
      %scan3A_626 = arith.addi %scan3A_611, %scan3A_625 : i32
      %add3A_627 = vector.broadcast %scan3A_626 : i32 to vector<16xi32>
      %add3A_628 = arith.addi %mul3A_5, %add3A_627 : vector<16xi32>
      %get3A_629 = arith.constant 0 : i32
      %get3A_630 = tpu.memref_slice %arg5[%scan3A_626, %get3A_629] : memref<512x26xi32, #tpu.memory_space<vmem>> -> memref<1x26xi32, #tpu.memory_space<vmem>>
      %get3A_631 = tpu.memref_squeeze %get3A_630 : memref<1x26xi32, #tpu.memory_space<vmem>> -> memref<26xi32, #tpu.memory_space<vmem>>
      %get3A_632 = arith.constant 0 : index
      %get3A_633 = tpu.vector_load %get3A_631[%get3A_632] {strides = array<i32>} : memref<26xi32, #tpu.memory_space<vmem>>, vector<16xi32>,
      tpu.vector_store_idx %arg6[%add3A_628], %get3A_633 : memref<13312xi32, #tpu.memory_space<vmem>>[vector<16xi32>], vector<16xi32>,
      %add3A_634 = vector.broadcast %scan3A_626 : i32 to vector<16xi32>
      %add3A_635 = arith.addi %mul3A_11, %add3A_634 : vector<16xi32>
      %get3A_636 = arith.constant 0 : i32
      %get3A_637 = tpu.memref_slice %arg5[%scan3A_626, %get3A_636] : memref<512x26xi32, #tpu.memory_space<vmem>> -> memref<1x26xi32, #tpu.memory_space<vmem>>
      %get3A_638 = tpu.memref_squeeze %get3A_637 : memref<1x26xi32, #tpu.memory_space<vmem>> -> memref<26xi32, #tpu.memory_space<vmem>>
      %get3A_639 = arith.constant 10 : index
      %get3A_640 = tpu.vector_load %get3A_638[%get3A_639] {strides = array<i32>} : memref<26xi32, #tpu.memory_space<vmem>>, vector<16xi32>,
      tpu.vector_store_idx %arg6[%add3A_635], %get3A_640 : memref<13312xi32, #tpu.memory_space<vmem>>[vector<16xi32>], vector<16xi32>,
      %scan3A_641 = arith.constant 2 : i32
      %scan3A_642 = arith.addi %scan3A_611, %scan3A_641 : i32
      %add3A_643 = vector.broadcast %scan3A_642 : i32 to vector<16xi32>
      %add3A_644 = arith.addi %mul3A_5, %add3A_643 : vector<16xi32>
      %get3A_645 = arith.constant 0 : i32
      %get3A_646 = tpu.memref_slice %arg5[%scan3A_642, %get3A_645] : memref<512x26xi32, #tpu.memory_space<vmem>> -> memref<1x26xi32, #tpu.memory_space<vmem>>
      %get3A_647 = tpu.memref_squeeze %get3A_646 : memref<1x26xi32, #tpu.memory_space<vmem>> -> memref<26xi32, #tpu.memory_space<vmem>>
      %get3A_648 = arith.constant 0 : index
      %get3A_649 = tpu.vector_load %get3A_647[%get3A_648] {strides = array<i32>} : memref<26xi32, #tpu.memory_space<vmem>>, vector<16xi32>,
      tpu.vector_store_idx %arg6[%add3A_644], %get3A_649 : memref<13312xi32, #tpu.memory_space<vmem>>[vector<16xi32>], vector<16xi32>,
      %add3A_650 = vector.broadcast %scan3A_642 : i32 to vector<16xi32>
      %add3A_651 = arith.addi %mul3A_11, %add3A_650 : vector<16xi32>
      %get3A_652 = arith.constant 0 : i32
      %get3A_653 = tpu.memref_slice %arg5[%scan3A_642, %get3A_652] : memref<512x26xi32, #tpu.memory_space<vmem>> -> memref<1x26xi32, #tpu.memory_space<vmem>>
      %get3A_654 = tpu.memref_squeeze %get3A_653 : memref<1x26xi32, #tpu.memory_space<vmem>> -> memref<26xi32, #tpu.memory_space<vmem>>
      %get3A_655 = arith.constant 10 : index
      %get3A_656 = tpu.vector_load %get3A_654[%get3A_655] {strides = array<i32>} : memref<26xi32, #tpu.memory_space<vmem>>, vector<16xi32>,
      tpu.vector_store_idx %arg6[%add3A_651], %get3A_656 : memref<13312xi32, #tpu.memory_space<vmem>>[vector<16xi32>], vector<16xi32>,
      %scan3A_657 = arith.constant 3 : i32
      %scan3A_658 = arith.addi %scan3A_611, %scan3A_657 : i32
      %add3A_659 = vector.broadcast %scan3A_658 : i32 to vector<16xi32>
      %add3A_660 = arith.addi %mul3A_5, %add3A_659 : vector<16xi32>
      %get3A_661 = arith.constant 0 : i32
      %get3A_662 = tpu.memref_slice %arg5[%scan3A_658, %get3A_661] : memref<512x26xi32, #tpu.memory_space<vmem>> -> memref<1x26xi32, #tpu.memory_space<vmem>>
      %get3A_663 = tpu.memref_squeeze %get3A_662 : memref<1x26xi32, #tpu.memory_space<vmem>> -> memref<26xi32, #tpu.memory_space<vmem>>
      %get3A_664 = arith.constant 0 : index
      %get3A_665 = tpu.vector_load %get3A_663[%get3A_664] {strides = array<i32>} : memref<26xi32, #tpu.memory_space<vmem>>, vector<16xi32>,
      tpu.vector_store_idx %arg6[%add3A_660], %get3A_665 : memref<13312xi32, #tpu.memory_space<vmem>>[vector<16xi32>], vector<16xi32>,
      %add3A_666 = vector.broadcast %scan3A_658 : i32 to vector<16xi32>
      %add3A_667 = arith.addi %mul3A_11, %add3A_666 : vector<16xi32>
      %get3A_668 = arith.constant 0 : i32
      %get3A_669 = tpu.memref_slice %arg5[%scan3A_658, %get3A_668] : memref<512x26xi32, #tpu.memory_space<vmem>> -> memref<1x26xi32, #tpu.memory_space<vmem>>
      %get3A_670 = tpu.memref_squeeze %get3A_669 : memref<1x26xi32, #tpu.memory_space<vmem>> -> memref<26xi32, #tpu.memory_space<vmem>>
      %get3A_671 = arith.constant 10 : index
      %get3A_672 = tpu.vector_load %get3A_670[%get3A_671] {strides = array<i32>} : memref<26xi32, #tpu.memory_space<vmem>>, vector<16xi32>,
      tpu.vector_store_idx %arg6[%add3A_667], %get3A_672 : memref<13312xi32, #tpu.memory_space<vmem>>[vector<16xi32>], vector<16xi32>,
      %scan3A_673 = arith.constant 4 : i32
      %scan3A_674 = arith.addi %scan3A_611, %scan3A_673 : i32
      %add3A_675 = vector.broadcast %scan3A_674 : i32 to vector<16xi32>
      %add3A_676 = arith.addi %mul3A_5, %add3A_675 : vector<16xi32>
      %get3A_677 = arith.constant 0 : i32
      %get3A_678 = tpu.memref_slice %arg5[%scan3A_674, %get3A_677] : memref<512x26xi32, #tpu.memory_space<vmem>> -> memref<1x26xi32, #tpu.memory_space<vmem>>
      %get3A_679 = tpu.memref_squeeze %get3A_678 : memref<1x26xi32, #tpu.memory_space<vmem>> -> memref<26xi32, #tpu.memory_space<vmem>>
      %get3A_680 = arith.constant 0 : index
      %get3A_681 = tpu.vector_load %get3A_679[%get3A_680] {strides = array<i32>} : memref<26xi32, #tpu.memory_space<vmem>>, vector<16xi32>,
      tpu.vector_store_idx %arg6[%add3A_676], %get3A_681 : memref<13312xi32, #tpu.memory_space<vmem>>[vector<16xi32>], vector<16xi32>,
      %add3A_682 = vector.broadcast %scan3A_674 : i32 to vector<16xi32>
      %add3A_683 = arith.addi %mul3A_11, %add3A_682 : vector<16xi32>
      %get3A_684 = arith.constant 0 : i32
      %get3A_685 = tpu.memref_slice %arg5[%scan3A_674, %get3A_684] : memref<512x26xi32, #tpu.memory_space<vmem>> -> memref<1x26xi32, #tpu.memory_space<vmem>>
      %get3A_686 = tpu.memref_squeeze %get3A_685 : memref<1x26xi32, #tpu.memory_space<vmem>> -> memref<26xi32, #tpu.memory_space<vmem>>
      %get3A_687 = arith.constant 10 : index
      %get3A_688 = tpu.vector_load %get3A_686[%get3A_687] {strides = array<i32>} : memref<26xi32, #tpu.memory_space<vmem>>, vector<16xi32>,
      tpu.vector_store_idx %arg6[%add3A_683], %get3A_688 : memref<13312xi32, #tpu.memory_space<vmem>>[vector<16xi32>], vector<16xi32>,
      %scan3A_689 = arith.constant 5 : i32
      %scan3A_690 = arith.addi %scan3A_611, %scan3A_689 : i32
      %add3A_691 = vector.broadcast %scan3A_690 : i32 to vector<16xi32>
      %add3A_692 = arith.addi %mul3A_5, %add3A_691 : vector<16xi32>
      %get3A_693 = arith.constant 0 : i32
      %get3A_694 = tpu.memref_slice %arg5[%scan3A_690, %get3A_693] : memref<512x26xi32, #tpu.memory_space<vmem>> -> memref<1x26xi32, #tpu.memory_space<vmem>>
      %get3A_695 = tpu.memref_squeeze %get3A_694 : memref<1x26xi32, #tpu.memory_space<vmem>> -> memref<26xi32, #tpu.memory_space<vmem>>
      %get3A_696 = arith.constant 0 : index
      %get3A_697 = tpu.vector_load %get3A_695[%get3A_696] {strides = array<i32>} : memref<26xi32, #tpu.memory_space<vmem>>, vector<16xi32>,
      tpu.vector_store_idx %arg6[%add3A_692], %get3A_697 : memref<13312xi32, #tpu.memory_space<vmem>>[vector<16xi32>], vector<16xi32>,
      %add3A_698 = vector.broadcast %scan3A_690 : i32 to vector<16xi32>
      %add3A_699 = arith.addi %mul3A_11, %add3A_698 : vector<16xi32>
      %get3A_700 = arith.constant 0 : i32
      %get3A_701 = tpu.memref_slice %arg5[%scan3A_690, %get3A_700] : memref<512x26xi32, #tpu.memory_space<vmem>> -> memref<1x26xi32, #tpu.memory_space<vmem>>
      %get3A_702 = tpu.memref_squeeze %get3A_701 : memref<1x26xi32, #tpu.memory_space<vmem>> -> memref<26xi32, #tpu.memory_space<vmem>>
      %get3A_703 = arith.constant 10 : index
      %get3A_704 = tpu.vector_load %get3A_702[%get3A_703] {strides = array<i32>} : memref<26xi32, #tpu.memory_space<vmem>>, vector<16xi32>,
      tpu.vector_store_idx %arg6[%add3A_699], %get3A_704 : memref<13312xi32, #tpu.memory_space<vmem>>[vector<16xi32>], vector<16xi32>,
      %scan3A_705 = arith.constant 6 : i32
      %scan3A_706 = arith.addi %scan3A_611, %scan3A_705 : i32
      %add3A_707 = vector.broadcast %scan3A_706 : i32 to vector<16xi32>
      %add3A_708 = arith.addi %mul3A_5, %add3A_707 : vector<16xi32>
      %get3A_709 = arith.constant 0 : i32
      %get3A_710 = tpu.memref_slice %arg5[%scan3A_706, %get3A_709] : memref<512x26xi32, #tpu.memory_space<vmem>> -> memref<1x26xi32, #tpu.memory_space<vmem>>
      %get3A_711 = tpu.memref_squeeze %get3A_710 : memref<1x26xi32, #tpu.memory_space<vmem>> -> memref<26xi32, #tpu.memory_space<vmem>>
      %get3A_712 = arith.constant 0 : index
      %get3A_713 = tpu.vector_load %get3A_711[%get3A_712] {strides = array<i32>} : memref<26xi32, #tpu.memory_space<vmem>>, vector<16xi32>,
      tpu.vector_store_idx %arg6[%add3A_708], %get3A_713 : memref<13312xi32, #tpu.memory_space<vmem>>[vector<16xi32>], vector<16xi32>,
      %add3A_714 = vector.broadcast %scan3A_706 : i32 to vector<16xi32>
      %add3A_715 = arith.addi %mul3A_11, %add3A_714 : vector<16xi32>
      %get3A_716 = arith.constant 0 : i32
      %get3A_717 = tpu.memref_slice %arg5[%scan3A_706, %get3A_716] : memref<512x26xi32, #tpu.memory_space<vmem>> -> memref<1x26xi32, #tpu.memory_space<vmem>>
      %get3A_718 = tpu.memref_squeeze %get3A_717 : memref<1x26xi32, #tpu.memory_space<vmem>> -> memref<26xi32, #tpu.memory_space<vmem>>
      %get3A_719 = arith.constant 10 : index
      %get3A_720 = tpu.vector_load %get3A_718[%get3A_719] {strides = array<i32>} : memref<26xi32, #tpu.memory_space<vmem>>, vector<16xi32>,
      tpu.vector_store_idx %arg6[%add3A_715], %get3A_720 : memref<13312xi32, #tpu.memory_space<vmem>>[vector<16xi32>], vector<16xi32>,
      %scan3A_721 = arith.constant 7 : i32
      %scan3A_722 = arith.addi %scan3A_611, %scan3A_721 : i32
      %add3A_723 = vector.broadcast %scan3A_722 : i32 to vector<16xi32>
      %add3A_724 = arith.addi %mul3A_5, %add3A_723 : vector<16xi32>
      %get3A_725 = arith.constant 0 : i32
      %get3A_726 = tpu.memref_slice %arg5[%scan3A_722, %get3A_725] : memref<512x26xi32, #tpu.memory_space<vmem>> -> memref<1x26xi32, #tpu.memory_space<vmem>>
      %get3A_727 = tpu.memref_squeeze %get3A_726 : memref<1x26xi32, #tpu.memory_space<vmem>> -> memref<26xi32, #tpu.memory_space<vmem>>
      %get3A_728 = arith.constant 0 : index
      %get3A_729 = tpu.vector_load %get3A_727[%get3A_728] {strides = array<i32>} : memref<26xi32, #tpu.memory_space<vmem>>, vector<16xi32>,
      tpu.vector_store_idx %arg6[%add3A_724], %get3A_729 : memref<13312xi32, #tpu.memory_space<vmem>>[vector<16xi32>], vector<16xi32>,
      %add3A_730 = vector.broadcast %scan3A_722 : i32 to vector<16xi32>
      %add3A_731 = arith.addi %mul3A_11, %add3A_730 : vector<16xi32>
      %get3A_732 = arith.constant 0 : i32
      %get3A_733 = tpu.memref_slice %arg5[%scan3A_722, %get3A_732] : memref<512x26xi32, #tpu.memory_space<vmem>> -> memref<1x26xi32, #tpu.memory_space<vmem>>
      %get3A_734 = tpu.memref_squeeze %get3A_733 : memref<1x26xi32, #tpu.memory_space<vmem>> -> memref<26xi32, #tpu.memory_space<vmem>>
      %get3A_735 = arith.constant 10 : index
      %get3A_736 = tpu.vector_load %get3A_734[%get3A_735] {strides = array<i32>} : memref<26xi32, #tpu.memory_space<vmem>>, vector<16xi32>,
      tpu.vector_store_idx %arg6[%add3A_731], %get3A_736 : memref<13312xi32, #tpu.memory_space<vmem>>[vector<16xi32>], vector<16xi32>,
    }
    %scan3A_15 = arith.constant 512 : i32
    %dma_start3A = arith.constant 0 : i32
    %dma_start3A_16 = arith.constant 0 : i32
    %dma_start3A_17 = arith.constant 0 : i32
    %dma_start3A_18 = arith.constant 0 : i32
    %dma_start3A_19 = tpu.memref_slice %arg7[%dma_start3A, %dma_start3A_17, %dma_start3A_16, %dma_start3A_18] : memref<2x512x1x32xf32, #tpu.memory_space<vmem>> -> memref<1x512x1x32xf32, #tpu.memory_space<vmem>>
    %dma_start3A_20 = tpu.memref_squeeze %dma_start3A_19 : memref<1x512x1x32xf32, #tpu.memory_space<vmem>> -> memref<512x32xf32, #tpu.memory_space<vmem>>
    %dma_start3A_21 = arith.constant 0 : i32
    %dma_start3A_22 = tpu.memref_slice %arg6[%dma_start3A_21] : memref<13312xi32, #tpu.memory_space<vmem>> -> memref<512xi32, #tpu.memory_space<vmem>>
    %dma_start3A_23 = arith.constant 0 : i32
    %dma_start3A_24 = arith.constant 0 : i32
    %dma_start3A_25 = tpu.memref_slice %arg2[%dma_start3A_23, %dma_start3A_24] : memref<1000000x32xf32, #tpu.memory_space<hbm>> -> memref<1000000x32xf32, #tpu.memory_space<hbm>>
    tpu.enqueue_indirect_dma source(%dma_start3A_25 : memref<1000000x32xf32, #tpu.memory_space<hbm>>) target(%dma_start3A_20 : memref<512x32xf32, #tpu.memory_space<vmem>>) offsets(%dma_start3A_22 : memref<512xi32, #tpu.memory_space<vmem>>) semaphore(%arg8 : memref<!tpu.dma_semaphore, #tpu.memory_space<semaphore_mem>>)
    %dma_start3A_26 = arith.constant 1 : i32
    %dma_start3A_27 = arith.constant 0 : i32
    %dma_start3A_28 = arith.constant 0 : i32
    %dma_start3A_29 = arith.constant 0 : i32
    %dma_start3A_30 = tpu.memref_slice %arg7[%dma_start3A_26, %dma_start3A_28, %dma_start3A_27, %dma_start3A_29] : memref<2x512x1x32xf32, #tpu.memory_space<vmem>> -> memref<1x512x1x32xf32, #tpu.memory_space<vmem>>
    %dma_start3A_31 = tpu.memref_squeeze %dma_start3A_30 : memref<1x512x1x32xf32, #tpu.memory_space<vmem>> -> memref<512x32xf32, #tpu.memory_space<vmem>>
    %dma_start3A_32 = arith.constant 512 : i32
    %dma_start3A_33 = tpu.memref_slice %arg6[%dma_start3A_32] : memref<13312xi32, #tpu.memory_space<vmem>> -> memref<512xi32, #tpu.memory_space<vmem>>
    %dma_start3A_34 = arith.constant 0 : i32
    %dma_start3A_35 = arith.constant 0 : i32
    %dma_start3A_36 = tpu.memref_slice %arg2[%dma_start3A_34, %dma_start3A_35] : memref<1000000x32xf32, #tpu.memory_space<hbm>> -> memref<1000000x32xf32, #tpu.memory_space<hbm>>
    tpu.enqueue_indirect_dma source(%dma_start3A_36 : memref<1000000x32xf32, #tpu.memory_space<hbm>>) target(%dma_start3A_31 : memref<512x32xf32, #tpu.memory_space<vmem>>) offsets(%dma_start3A_33 : memref<512xi32, #tpu.memory_space<vmem>>) semaphore(%arg9 : memref<!tpu.dma_semaphore, #tpu.memory_space<semaphore_mem>>)
    %dma_wait3A = arith.constant 0 : i32
    %dma_wait3A_37 = arith.constant 0 : i32
    %dma_wait3A_38 = arith.constant 0 : i32
    %dma_wait3A_39 = arith.constant 0 : i32
    %dma_wait3A_40 = tpu.memref_slice %arg7[%dma_wait3A, %dma_wait3A_38, %dma_wait3A_37, %dma_wait3A_39] : memref<2x512x1x32xf32, #tpu.memory_space<vmem>> -> memref<1x512x1x32xf32, #tpu.memory_space<vmem>>
    %dma_wait3A_41 = tpu.memref_squeeze %dma_wait3A_40 : memref<1x512x1x32xf32, #tpu.memory_space<vmem>> -> memref<512x32xf32, #tpu.memory_space<vmem>>
    %dma_wait3A_42 = arith.constant 0 : i32
    %dma_wait3A_43 = tpu.memref_slice %arg6[%dma_wait3A_42] : memref<13312xi32, #tpu.memory_space<vmem>> -> memref<512xi32, #tpu.memory_space<vmem>>
    %dma_wait3A_44 = arith.constant 0 : i32
    %dma_wait3A_45 = arith.constant 0 : i32
    %dma_wait3A_46 = tpu.memref_slice %arg2[%dma_wait3A_44, %dma_wait3A_45] : memref<1000000x32xf32, #tpu.memory_space<hbm>> -> memref<1000000x32xf32, #tpu.memory_space<hbm>>
    tpu.wait_indirect_dma semaphore(%arg8 : memref<!tpu.dma_semaphore, #tpu.memory_space<semaphore_mem>>) src(%dma_wait3A_46 : memref<1000000x32xf32, #tpu.memory_space<hbm>>) dst(%dma_wait3A_41 : memref<512x32xf32, #tpu.memory_space<vmem>>)
    %run_scoped3A = arith.constant 0 : i32
    "tpu.region"() ({
      %run_scoped3A_611 = tpu.sem_alloc : memref<!tpu.dma_semaphore, #tpu.memory_space<semaphore_mem>>
      %dma_start3A_612 = arith.constant 0 : i32
      %dma_start3A_613 = arith.constant 0 : i32
      %dma_start3A_614 = arith.constant 0 : i32
      %dma_start3A_615 = tpu.memref_slice %arg7[%run_scoped3A, %dma_start3A_612, %dma_start3A_613, %dma_start3A_614] : memref<2x512x1x32xf32, #tpu.memory_space<vmem>> -> memref<1x512x1x32xf32, #tpu.memory_space<vmem>>
      %dma_start3A_616 = tpu.memref_squeeze %dma_start3A_615 : memref<1x512x1x32xf32, #tpu.memory_space<vmem>> -> memref<512x1x32xf32, #tpu.memory_space<vmem>>
      %dma_start3A_617 = arith.constant 0 : i32
      %dma_start3A_618 = arith.constant 0 : i32
      %dma_start3A_619 = tpu.memref_slice %arg4[%mul3A_2, %dma_start3A_617, %dma_start3A_618] : memref<16384x32x128xf32, #tpu.memory_space<hbm>> -> memref<512x1x32xf32, #tpu.memory_space<hbm>>
      %dma_start3A_620 = arith.constant 0 : i32
      %dma_start3A_621 = arith.constant 0 : i32
      %dma_start3A_622 = tpu.memref_slice %arg4[%mul3A_2, %dma_start3A_620, %dma_start3A_621] : memref<16384x32x128xf32, #tpu.memory_space<hbm>> -> memref<512x1x32xf32, #tpu.memory_space<hbm>>
      %dma_start3A_623 = arith.constant 0 : i32
      %dma_start3A_624 = arith.constant 0 : i32
      %dma_start3A_625 = arith.constant 0 : i32
      %dma_start3A_626 = tpu.memref_slice %arg7[%run_scoped3A, %dma_start3A_623, %dma_start3A_624, %dma_start3A_625] : memref<2x512x1x32xf32, #tpu.memory_space<vmem>> -> memref<1x512x1x32xf32, #tpu.memory_space<vmem>>
      %dma_start3A_627 = tpu.memref_squeeze %dma_start3A_626 : memref<1x512x1x32xf32, #tpu.memory_space<vmem>> -> memref<512x1x32xf32, #tpu.memory_space<vmem>>
      tpu.enqueue_dma source(%dma_start3A_627 : memref<512x1x32xf32, #tpu.memory_space<vmem>>) target(%dma_start3A_622 : memref<512x1x32xf32, #tpu.memory_space<hbm>>) target_semaphore(%run_scoped3A_611 : memref<!tpu.dma_semaphore, #tpu.memory_space<semaphore_mem>>)
      %dma_wait3A_628 = arith.constant 0 : i32
      %dma_wait3A_629 = arith.constant 0 : i32
      %dma_wait3A_630 = arith.constant 0 : i32
      %dma_wait3A_631 = tpu.memref_slice %arg7[%run_scoped3A, %dma_wait3A_628, %dma_wait3A_629, %dma_wait3A_630] : memref<2x512x1x32xf32, #tpu.memory_space<vmem>> -> memref<1x512x1x32xf32, #tpu.memory_space<vmem>>
      %dma_wait3A_632 = tpu.memref_squeeze %dma_wait3A_631 : memref<1x512x1x32xf32, #tpu.memory_space<vmem>> -> memref<512x1x32xf32, #tpu.memory_space<vmem>>
      %dma_wait3A_633 = arith.constant 0 : i32
      %dma_wait3A_634 = arith.constant 0 : i32
      %dma_wait3A_635 = tpu.memref_slice %arg4[%mul3A_2, %dma_wait3A_633, %dma_wait3A_634] : memref<16384x32x128xf32, #tpu.memory_space<hbm>> -> memref<512x1x32xf32, #tpu.memory_space<hbm>>
      %dma_wait3A_636 = arith.constant 0 : i32
      %dma_wait3A_637 = arith.constant 0 : i32
      %dma_wait3A_638 = tpu.memref_slice %arg4[%mul3A_2, %dma_wait3A_636, %dma_wait3A_637] : memref<16384x32x128xf32, #tpu.memory_space<hbm>> -> memref<512x1x32xf32, #tpu.memory_space<hbm>>
      %dma_wait3A_639 = arith.constant 0 : i32
      %dma_wait3A_640 = arith.constant 0 : i32
      %dma_wait3A_641 = arith.constant 0 : i32
      %dma_wait3A_642 = tpu.memref_slice %arg7[%run_scoped3A, %dma_wait3A_639, %dma_wait3A_640, %dma_wait3A_641] : memref<2x512x1x32xf32, #tpu.memory_space<vmem>> -> memref<1x512x1x32xf32, #tpu.memory_space<vmem>>
      %dma_wait3A_643 = tpu.memref_squeeze %dma_wait3A_642 : memref<1x512x1x32xf32, #tpu.memory_space<vmem>> -> memref<512x1x32xf32, #tpu.memory_space<vmem>>
      tpu.wait_dma2 semaphore(%run_scoped3A_611 : memref<!tpu.dma_semaphore, #tpu.memory_space<semaphore_mem>>) src(%dma_wait3A_643 : memref<512x1x32xf32, #tpu.memory_space<vmem>>) dst(%dma_wait3A_638 : memref<512x1x32xf32, #tpu.memory_space<hbm>>)
      tpu.yield
    }) : () -> ()
    %dma_start3A_47 = arith.constant 0 : i32
    %dma_start3A_48 = arith.constant 0 : i32
    %dma_start3A_49 = arith.constant 0 : i32
    %dma_start3A_50 = arith.constant 0 : i32
    %dma_start3A_51 = tpu.memref_slice %arg7[%dma_start3A_47, %dma_start3A_49, %dma_start3A_48, %dma_start3A_50] : memref<2x512x1x32xf32, #tpu.memory_space<vmem>> -> memref<1x512x1x32xf32, #tpu.memory_space<vmem>>
    %dma_start3A_52 = tpu.memref_squeeze %dma_start3A_51 : memref<1x512x1x32xf32, #tpu.memory_space<vmem>> -> memref<512x32xf32, #tpu.memory_space<vmem>>
    %dma_start3A_53 = arith.constant 1024 : i32
    %dma_start3A_54 = tpu.memref_slice %arg6[%dma_start3A_53] : memref<13312xi32, #tpu.memory_space<vmem>> -> memref<512xi32, #tpu.memory_space<vmem>>
    %dma_start3A_55 = arith.constant 0 : i32
    %dma_start3A_56 = arith.constant 0 : i32
    %dma_start3A_57 = tpu.memref_slice %arg2[%dma_start3A_55, %dma_start3A_56] : memref<1000000x32xf32, #tpu.memory_space<hbm>> -> memref<1000000x32xf32, #tpu.memory_space<hbm>>
    tpu.enqueue_indirect_dma source(%dma_start3A_57 : memref<1000000x32xf32, #tpu.memory_space<hbm>>) target(%dma_start3A_52 : memref<512x32xf32, #tpu.memory_space<vmem>>) offsets(%dma_start3A_54 : memref<512xi32, #tpu.memory_space<vmem>>) semaphore(%arg8 : memref<!tpu.dma_semaphore, #tpu.memory_space<semaphore_mem>>)
    %dma_wait3A_58 = arith.constant 1 : i32
    %dma_wait3A_59 = arith.constant 0 : i32
    %dma_wait3A_60 = arith.constant 0 : i32
    %dma_wait3A_61 = arith.constant 0 : i32
    %dma_wait3A_62 = tpu.memref_slice %arg7[%dma_wait3A_58, %dma_wait3A_60, %dma_wait3A_59, %dma_wait3A_61] : memref<2x512x1x32xf32, #tpu.memory_space<vmem>> -> memref<1x512x1x32xf32, #tpu.memory_space<vmem>>
    %dma_wait3A_63 = tpu.memref_squeeze %dma_wait3A_62 : memref<1x512x1x32xf32, #tpu.memory_space<vmem>> -> memref<512x32xf32, #tpu.memory_space<vmem>>
    %dma_wait3A_64 = arith.constant 512 : i32
    %dma_wait3A_65 = tpu.memref_slice %arg6[%dma_wait3A_64] : memref<13312xi32, #tpu.memory_space<vmem>> -> memref<512xi32, #tpu.memory_space<vmem>>
    %dma_wait3A_66 = arith.constant 0 : i32
    %dma_wait3A_67 = arith.constant 0 : i32
    %dma_wait3A_68 = tpu.memref_slice %arg2[%dma_wait3A_66, %dma_wait3A_67] : memref<1000000x32xf32, #tpu.memory_space<hbm>> -> memref<1000000x32xf32, #tpu.memory_space<hbm>>
    tpu.wait_indirect_dma semaphore(%arg9 : memref<!tpu.dma_semaphore, #tpu.memory_space<semaphore_mem>>) src(%dma_wait3A_68 : memref<1000000x32xf32, #tpu.memory_space<hbm>>) dst(%dma_wait3A_63 : memref<512x32xf32, #tpu.memory_space<vmem>>)
    %run_scoped3A_69 = arith.constant 1 : i32
    "tpu.region"() ({
      %run_scoped3A_611 = tpu.sem_alloc : memref<!tpu.dma_semaphore, #tpu.memory_space<semaphore_mem>>
      %dma_start3A_612 = arith.constant 0 : i32
      %dma_start3A_613 = arith.constant 0 : i32
      %dma_start3A_614 = arith.constant 0 : i32
      %dma_start3A_615 = tpu.memref_slice %arg7[%run_scoped3A_69, %dma_start3A_612, %dma_start3A_613, %dma_start3A_614] : memref<2x512x1x32xf32, #tpu.memory_space<vmem>> -> memref<1x512x1x32xf32, #tpu.memory_space<vmem>>
      %dma_start3A_616 = tpu.memref_squeeze %dma_start3A_615 : memref<1x512x1x32xf32, #tpu.memory_space<vmem>> -> memref<512x1x32xf32, #tpu.memory_space<vmem>>
      %dma_start3A_617 = arith.constant 1 : i32
      %dma_start3A_618 = arith.constant 0 : i32
      %dma_start3A_619 = tpu.memref_slice %arg4[%mul3A_2, %dma_start3A_617, %dma_start3A_618] : memref<16384x32x128xf32, #tpu.memory_space<hbm>> -> memref<512x1x32xf32, #tpu.memory_space<hbm>>
      %dma_start3A_620 = arith.constant 1 : i32
      %dma_start3A_621 = arith.constant 0 : i32
      %dma_start3A_622 = tpu.memref_slice %arg4[%mul3A_2, %dma_start3A_620, %dma_start3A_621] : memref<16384x32x128xf32, #tpu.memory_space<hbm>> -> memref<512x1x32xf32, #tpu.memory_space<hbm>>
      %dma_start3A_623 = arith.constant 0 : i32
      %dma_start3A_624 = arith.constant 0 : i32
      %dma_start3A_625 = arith.constant 0 : i32
      %dma_start3A_626 = tpu.memref_slice %arg7[%run_scoped3A_69, %dma_start3A_623, %dma_start3A_624, %dma_start3A_625] : memref<2x512x1x32xf32, #tpu.memory_space<vmem>> -> memref<1x512x1x32xf32, #tpu.memory_space<vmem>>
      %dma_start3A_627 = tpu.memref_squeeze %dma_start3A_626 : memref<1x512x1x32xf32, #tpu.memory_space<vmem>> -> memref<512x1x32xf32, #tpu.memory_space<vmem>>
      tpu.enqueue_dma source(%dma_start3A_627 : memref<512x1x32xf32, #tpu.memory_space<vmem>>) target(%dma_start3A_622 : memref<512x1x32xf32, #tpu.memory_space<hbm>>) target_semaphore(%run_scoped3A_611 : memref<!tpu.dma_semaphore, #tpu.memory_space<semaphore_mem>>)
      %dma_wait3A_628 = arith.constant 0 : i32
      %dma_wait3A_629 = arith.constant 0 : i32
      %dma_wait3A_630 = arith.constant 0 : i32
      %dma_wait3A_631 = tpu.memref_slice %arg7[%run_scoped3A_69, %dma_wait3A_628, %dma_wait3A_629, %dma_wait3A_630] : memref<2x512x1x32xf32, #tpu.memory_space<vmem>> -> memref<1x512x1x32xf32, #tpu.memory_space<vmem>>
      %dma_wait3A_632 = tpu.memref_squeeze %dma_wait3A_631 : memref<1x512x1x32xf32, #tpu.memory_space<vmem>> -> memref<512x1x32xf32, #tpu.memory_space<vmem>>
      %dma_wait3A_633 = arith.constant 1 : i32
      %dma_wait3A_634 = arith.constant 0 : i32
      %dma_wait3A_635 = tpu.memref_slice %arg4[%mul3A_2, %dma_wait3A_633, %dma_wait3A_634] : memref<16384x32x128xf32, #tpu.memory_space<hbm>> -> memref<512x1x32xf32, #tpu.memory_space<hbm>>
      %dma_wait3A_636 = arith.constant 1 : i32
      %dma_wait3A_637 = arith.constant 0 : i32
      %dma_wait3A_638 = tpu.memref_slice %arg4[%mul3A_2, %dma_wait3A_636, %dma_wait3A_637] : memref<16384x32x128xf32, #tpu.memory_space<hbm>> -> memref<512x1x32xf32, #tpu.memory_space<hbm>>
      %dma_wait3A_639 = arith.constant 0 : i32
      %dma_wait3A_640 = arith.constant 0 : i32
      %dma_wait3A_641 = arith.constant 0 : i32
      %dma_wait3A_642 = tpu.memref_slice %arg7[%run_scoped3A_69, %dma_wait3A_639, %dma_wait3A_640, %dma_wait3A_641] : memref<2x512x1x32xf32, #tpu.memory_space<vmem>> -> memref<1x512x1x32xf32, #tpu.memory_space<vmem>>
      %dma_wait3A_643 = tpu.memref_squeeze %dma_wait3A_642 : memref<1x512x1x32xf32, #tpu.memory_space<vmem>> -> memref<512x1x32xf32, #tpu.memory_space<vmem>>
      tpu.wait_dma2 semaphore(%run_scoped3A_611 : memref<!tpu.dma_semaphore, #tpu.memory_space<semaphore_mem>>) src(%dma_wait3A_643 : memref<512x1x32xf32, #tpu.memory_space<vmem>>) dst(%dma_wait3A_638 : memref<512x1x32xf32, #tpu.memory_space<hbm>>)
      tpu.yield
    }) : () -> ()
    %dma_start3A_70 = arith.constant 1 : i32
    %dma_start3A_71 = arith.constant 0 : i32
    %dma_start3A_72 = arith.constant 0 : i32
    %dma_start3A_73 = arith.constant 0 : i32
    %dma_start3A_74 = tpu.memref_slice %arg7[%dma_start3A_70, %dma_start3A_72, %dma_start3A_71, %dma_start3A_73] : memref<2x512x1x32xf32, #tpu.memory_space<vmem>> -> memref<1x512x1x32xf32, #tpu.memory_space<vmem>>
    %dma_start3A_75 = tpu.memref_squeeze %dma_start3A_74 : memref<1x512x1x32xf32, #tpu.memory_space<vmem>> -> memref<512x32xf32, #tpu.memory_space<vmem>>
    %dma_start3A_76 = arith.constant 1536 : i32
    %dma_start3A_77 = tpu.memref_slice %arg6[%dma_start3A_76] : memref<13312xi32, #tpu.memory_space<vmem>> -> memref<512xi32, #tpu.memory_space<vmem>>
    %dma_start3A_78 = arith.constant 0 : i32
    %dma_start3A_79 = arith.constant 0 : i32
    %dma_start3A_80 = tpu.memref_slice %arg2[%dma_start3A_78, %dma_start3A_79] : memref<1000000x32xf32, #tpu.memory_space<hbm>> -> memref<1000000x32xf32, #tpu.memory_space<hbm>>
    tpu.enqueue_indirect_dma source(%dma_start3A_80 : memref<1000000x32xf32, #tpu.memory_space<hbm>>) target(%dma_start3A_75 : memref<512x32xf32, #tpu.memory_space<vmem>>) offsets(%dma_start3A_77 : memref<512xi32, #tpu.memory_space<vmem>>) semaphore(%arg9 : memref<!tpu.dma_semaphore, #tpu.memory_space<semaphore_mem>>)
    %dma_wait3A_81 = arith.constant 0 : i32
    %dma_wait3A_82 = arith.constant 0 : i32
    %dma_wait3A_83 = arith.constant 0 : i32
    %dma_wait3A_84 = arith.constant 0 : i32
    %dma_wait3A_85 = tpu.memref_slice %arg7[%dma_wait3A_81, %dma_wait3A_83, %dma_wait3A_82, %dma_wait3A_84] : memref<2x512x1x32xf32, #tpu.memory_space<vmem>> -> memref<1x512x1x32xf32, #tpu.memory_space<vmem>>
    %dma_wait3A_86 = tpu.memref_squeeze %dma_wait3A_85 : memref<1x512x1x32xf32, #tpu.memory_space<vmem>> -> memref<512x32xf32, #tpu.memory_space<vmem>>
    %dma_wait3A_87 = arith.constant 1024 : i32
    %dma_wait3A_88 = tpu.memref_slice %arg6[%dma_wait3A_87] : memref<13312xi32, #tpu.memory_space<vmem>> -> memref<512xi32, #tpu.memory_space<vmem>>
    %dma_wait3A_89 = arith.constant 0 : i32
    %dma_wait3A_90 = arith.constant 0 : i32
    %dma_wait3A_91 = tpu.memref_slice %arg2[%dma_wait3A_89, %dma_wait3A_90] : memref<1000000x32xf32, #tpu.memory_space<hbm>> -> memref<1000000x32xf32, #tpu.memory_space<hbm>>
    tpu.wait_indirect_dma semaphore(%arg8 : memref<!tpu.dma_semaphore, #tpu.memory_space<semaphore_mem>>) src(%dma_wait3A_91 : memref<1000000x32xf32, #tpu.memory_space<hbm>>) dst(%dma_wait3A_86 : memref<512x32xf32, #tpu.memory_space<vmem>>)
    %run_scoped3A_92 = arith.constant 0 : i32
    "tpu.region"() ({
      %run_scoped3A_611 = tpu.sem_alloc : memref<!tpu.dma_semaphore, #tpu.memory_space<semaphore_mem>>
      %dma_start3A_612 = arith.constant 0 : i32
      %dma_start3A_613 = arith.constant 0 : i32
      %dma_start3A_614 = arith.constant 0 : i32
      %dma_start3A_615 = tpu.memref_slice %arg7[%run_scoped3A_92, %dma_start3A_612, %dma_start3A_613, %dma_start3A_614] : memref<2x512x1x32xf32, #tpu.memory_space<vmem>> -> memref<1x512x1x32xf32, #tpu.memory_space<vmem>>
      %dma_start3A_616 = tpu.memref_squeeze %dma_start3A_615 : memref<1x512x1x32xf32, #tpu.memory_space<vmem>> -> memref<512x1x32xf32, #tpu.memory_space<vmem>>
      %dma_start3A_617 = arith.constant 2 : i32
      %dma_start3A_618 = arith.constant 0 : i32
      %dma_start3A_619 = tpu.memref_slice %arg4[%mul3A_2, %dma_start3A_617, %dma_start3A_618] : memref<16384x32x128xf32, #tpu.memory_space<hbm>> -> memref<512x1x32xf32, #tpu.memory_space<hbm>>
      %dma_start3A_620 = arith.constant 2 : i32
      %dma_start3A_621 = arith.constant 0 : i32
      %dma_start3A_622 = tpu.memref_slice %arg4[%mul3A_2, %dma_start3A_620, %dma_start3A_621] : memref<16384x32x128xf32, #tpu.memory_space<hbm>> -> memref<512x1x32xf32, #tpu.memory_space<hbm>>
      %dma_start3A_623 = arith.constant 0 : i32
      %dma_start3A_624 = arith.constant 0 : i32
      %dma_start3A_625 = arith.constant 0 : i32
      %dma_start3A_626 = tpu.memref_slice %arg7[%run_scoped3A_92, %dma_start3A_623, %dma_start3A_624, %dma_start3A_625] : memref<2x512x1x32xf32, #tpu.memory_space<vmem>> -> memref<1x512x1x32xf32, #tpu.memory_space<vmem>>
      %dma_start3A_627 = tpu.memref_squeeze %dma_start3A_626 : memref<1x512x1x32xf32, #tpu.memory_space<vmem>> -> memref<512x1x32xf32, #tpu.memory_space<vmem>>
      tpu.enqueue_dma source(%dma_start3A_627 : memref<512x1x32xf32, #tpu.memory_space<vmem>>) target(%dma_start3A_622 : memref<512x1x32xf32, #tpu.memory_space<hbm>>) target_semaphore(%run_scoped3A_611 : memref<!tpu.dma_semaphore, #tpu.memory_space<semaphore_mem>>)
      %dma_wait3A_628 = arith.constant 0 : i32
      %dma_wait3A_629 = arith.constant 0 : i32
      %dma_wait3A_630 = arith.constant 0 : i32
      %dma_wait3A_631 = tpu.memref_slice %arg7[%run_scoped3A_92, %dma_wait3A_628, %dma_wait3A_629, %dma_wait3A_630] : memref<2x512x1x32xf32, #tpu.memory_space<vmem>> -> memref<1x512x1x32xf32, #tpu.memory_space<vmem>>
      %dma_wait3A_632 = tpu.memref_squeeze %dma_wait3A_631 : memref<1x512x1x32xf32, #tpu.memory_space<vmem>> -> memref<512x1x32xf32, #tpu.memory_space<vmem>>
      %dma_wait3A_633 = arith.constant 2 : i32
      %dma_wait3A_634 = arith.constant 0 : i32
      %dma_wait3A_635 = tpu.memref_slice %arg4[%mul3A_2, %dma_wait3A_633, %dma_wait3A_634] : memref<16384x32x128xf32, #tpu.memory_space<hbm>> -> memref<512x1x32xf32, #tpu.memory_space<hbm>>
      %dma_wait3A_636 = arith.constant 2 : i32
      %dma_wait3A_637 = arith.constant 0 : i32
      %dma_wait3A_638 = tpu.memref_slice %arg4[%mul3A_2, %dma_wait3A_636, %dma_wait3A_637] : memref<16384x32x128xf32, #tpu.memory_space<hbm>> -> memref<512x1x32xf32, #tpu.memory_space<hbm>>
      %dma_wait3A_639 = arith.constant 0 : i32
      %dma_wait3A_640 = arith.constant 0 : i32
      %dma_wait3A_641 = arith.constant 0 : i32
      %dma_wait3A_642 = tpu.memref_slice %arg7[%run_scoped3A_92, %dma_wait3A_639, %dma_wait3A_640, %dma_wait3A_641] : memref<2x512x1x32xf32, #tpu.memory_space<vmem>> -> memref<1x512x1x32xf32, #tpu.memory_space<vmem>>
      %dma_wait3A_643 = tpu.memref_squeeze %dma_wait3A_642 : memref<1x512x1x32xf32, #tpu.memory_space<vmem>> -> memref<512x1x32xf32, #tpu.memory_space<vmem>>
      tpu.wait_dma2 semaphore(%run_scoped3A_611 : memref<!tpu.dma_semaphore, #tpu.memory_space<semaphore_mem>>) src(%dma_wait3A_643 : memref<512x1x32xf32, #tpu.memory_space<vmem>>) dst(%dma_wait3A_638 : memref<512x1x32xf32, #tpu.memory_space<hbm>>)
      tpu.yield
    }) : () -> ()
    %dma_start3A_93 = arith.constant 0 : i32
    %dma_start3A_94 = arith.constant 0 : i32
    %dma_start3A_95 = arith.constant 0 : i32
    %dma_start3A_96 = arith.constant 0 : i32
    %dma_start3A_97 = tpu.memref_slice %arg7[%dma_start3A_93, %dma_start3A_95, %dma_start3A_94, %dma_start3A_96] : memref<2x512x1x32xf32, #tpu.memory_space<vmem>> -> memref<1x512x1x32xf32, #tpu.memory_space<vmem>>
    %dma_start3A_98 = tpu.memref_squeeze %dma_start3A_97 : memref<1x512x1x32xf32, #tpu.memory_space<vmem>> -> memref<512x32xf32, #tpu.memory_space<vmem>>
    %dma_start3A_99 = arith.constant 2048 : i32
    %dma_start3A_100 = tpu.memref_slice %arg6[%dma_start3A_99] : memref<13312xi32, #tpu.memory_space<vmem>> -> memref<512xi32, #tpu.memory_space<vmem>>
    %dma_start3A_101 = arith.constant 0 : i32
    %dma_start3A_102 = arith.constant 0 : i32
    %dma_start3A_103 = tpu.memref_slice %arg2[%dma_start3A_101, %dma_start3A_102] : memref<1000000x32xf32, #tpu.memory_space<hbm>> -> memref<1000000x32xf32, #tpu.memory_space<hbm>>
    tpu.enqueue_indirect_dma source(%dma_start3A_103 : memref<1000000x32xf32, #tpu.memory_space<hbm>>) target(%dma_start3A_98 : memref<512x32xf32, #tpu.memory_space<vmem>>) offsets(%dma_start3A_100 : memref<512xi32, #tpu.memory_space<vmem>>) semaphore(%arg8 : memref<!tpu.dma_semaphore, #tpu.memory_space<semaphore_mem>>)
    %dma_wait3A_104 = arith.constant 1 : i32
    %dma_wait3A_105 = arith.constant 0 : i32
    %dma_wait3A_106 = arith.constant 0 : i32
    %dma_wait3A_107 = arith.constant 0 : i32
    %dma_wait3A_108 = tpu.memref_slice %arg7[%dma_wait3A_104, %dma_wait3A_106, %dma_wait3A_105, %dma_wait3A_107] : memref<2x512x1x32xf32, #tpu.memory_space<vmem>> -> memref<1x512x1x32xf32, #tpu.memory_space<vmem>>
    %dma_wait3A_109 = tpu.memref_squeeze %dma_wait3A_108 : memref<1x512x1x32xf32, #tpu.memory_space<vmem>> -> memref<512x32xf32, #tpu.memory_space<vmem>>
    %dma_wait3A_110 = arith.constant 1536 : i32
    %dma_wait3A_111 = tpu.memref_slice %arg6[%dma_wait3A_110] : memref<13312xi32, #tpu.memory_space<vmem>> -> memref<512xi32, #tpu.memory_space<vmem>>
    %dma_wait3A_112 = arith.constant 0 : i32
    %dma_wait3A_113 = arith.constant 0 : i32
    %dma_wait3A_114 = tpu.memref_slice %arg2[%dma_wait3A_112, %dma_wait3A_113] : memref<1000000x32xf32, #tpu.memory_space<hbm>> -> memref<1000000x32xf32, #tpu.memory_space<hbm>>
    tpu.wait_indirect_dma semaphore(%arg9 : memref<!tpu.dma_semaphore, #tpu.memory_space<semaphore_mem>>) src(%dma_wait3A_114 : memref<1000000x32xf32, #tpu.memory_space<hbm>>) dst(%dma_wait3A_109 : memref<512x32xf32, #tpu.memory_space<vmem>>)
    %run_scoped3A_115 = arith.constant 1 : i32
    "tpu.region"() ({
      %run_scoped3A_611 = tpu.sem_alloc : memref<!tpu.dma_semaphore, #tpu.memory_space<semaphore_mem>>
      %dma_start3A_612 = arith.constant 0 : i32
      %dma_start3A_613 = arith.constant 0 : i32
      %dma_start3A_614 = arith.constant 0 : i32
      %dma_start3A_615 = tpu.memref_slice %arg7[%run_scoped3A_115, %dma_start3A_612, %dma_start3A_613, %dma_start3A_614] : memref<2x512x1x32xf32, #tpu.memory_space<vmem>> -> memref<1x512x1x32xf32, #tpu.memory_space<vmem>>
      %dma_start3A_616 = tpu.memref_squeeze %dma_start3A_615 : memref<1x512x1x32xf32, #tpu.memory_space<vmem>> -> memref<512x1x32xf32, #tpu.memory_space<vmem>>
      %dma_start3A_617 = arith.constant 3 : i32
      %dma_start3A_618 = arith.constant 0 : i32
      %dma_start3A_619 = tpu.memref_slice %arg4[%mul3A_2, %dma_start3A_617, %dma_start3A_618] : memref<16384x32x128xf32, #tpu.memory_space<hbm>> -> memref<512x1x32xf32, #tpu.memory_space<hbm>>
      %dma_start3A_620 = arith.constant 3 : i32
      %dma_start3A_621 = arith.constant 0 : i32
      %dma_start3A_622 = tpu.memref_slice %arg4[%mul3A_2, %dma_start3A_620, %dma_start3A_621] : memref<16384x32x128xf32, #tpu.memory_space<hbm>> -> memref<512x1x32xf32, #tpu.memory_space<hbm>>
      %dma_start3A_623 = arith.constant 0 : i32
      %dma_start3A_624 = arith.constant 0 : i32
      %dma_start3A_625 = arith.constant 0 : i32
      %dma_start3A_626 = tpu.memref_slice %arg7[%run_scoped3A_115, %dma_start3A_623, %dma_start3A_624, %dma_start3A_625] : memref<2x512x1x32xf32, #tpu.memory_space<vmem>> -> memref<1x512x1x32xf32, #tpu.memory_space<vmem>>
      %dma_start3A_627 = tpu.memref_squeeze %dma_start3A_626 : memref<1x512x1x32xf32, #tpu.memory_space<vmem>> -> memref<512x1x32xf32, #tpu.memory_space<vmem>>
      tpu.enqueue_dma source(%dma_start3A_627 : memref<512x1x32xf32, #tpu.memory_space<vmem>>) target(%dma_start3A_622 : memref<512x1x32xf32, #tpu.memory_space<hbm>>) target_semaphore(%run_scoped3A_611 : memref<!tpu.dma_semaphore, #tpu.memory_space<semaphore_mem>>)
      %dma_wait3A_628 = arith.constant 0 : i32
      %dma_wait3A_629 = arith.constant 0 : i32
      %dma_wait3A_630 = arith.constant 0 : i32
      %dma_wait3A_631 = tpu.memref_slice %arg7[%run_scoped3A_115, %dma_wait3A_628, %dma_wait3A_629, %dma_wait3A_630] : memref<2x512x1x32xf32, #tpu.memory_space<vmem>> -> memref<1x512x1x32xf32, #tpu.memory_space<vmem>>
      %dma_wait3A_632 = tpu.memref_squeeze %dma_wait3A_631 : memref<1x512x1x32xf32, #tpu.memory_space<vmem>> -> memref<512x1x32xf32, #tpu.memory_space<vmem>>
      %dma_wait3A_633 = arith.constant 3 : i32
      %dma_wait3A_634 = arith.constant 0 : i32
      %dma_wait3A_635 = tpu.memref_slice %arg4[%mul3A_2, %dma_wait3A_633, %dma_wait3A_634] : memref<16384x32x128xf32, #tpu.memory_space<hbm>> -> memref<512x1x32xf32, #tpu.memory_space<hbm>>
      %dma_wait3A_636 = arith.constant 3 : i32
      %dma_wait3A_637 = arith.constant 0 : i32
      %dma_wait3A_638 = tpu.memref_slice %arg4[%mul3A_2, %dma_wait3A_636, %dma_wait3A_637] : memref<16384x32x128xf32, #tpu.memory_space<hbm>> -> memref<512x1x32xf32, #tpu.memory_space<hbm>>
      %dma_wait3A_639 = arith.constant 0 : i32
      %dma_wait3A_640 = arith.constant 0 : i32
      %dma_wait3A_641 = arith.constant 0 : i32
      %dma_wait3A_642 = tpu.memref_slice %arg7[%run_scoped3A_115, %dma_wait3A_639, %dma_wait3A_640, %dma_wait3A_641] : memref<2x512x1x32xf32, #tpu.memory_space<vmem>> -> memref<1x512x1x32xf32, #tpu.memory_space<vmem>>
      %dma_wait3A_643 = tpu.memref_squeeze %dma_wait3A_642 : memref<1x512x1x32xf32, #tpu.memory_space<vmem>> -> memref<512x1x32xf32, #tpu.memory_space<vmem>>
      tpu.wait_dma2 semaphore(%run_scoped3A_611 : memref<!tpu.dma_semaphore, #tpu.memory_space<semaphore_mem>>) src(%dma_wait3A_643 : memref<512x1x32xf32, #tpu.memory_space<vmem>>) dst(%dma_wait3A_638 : memref<512x1x32xf32, #tpu.memory_space<hbm>>)
      tpu.yield
    }) : () -> ()
    %dma_start3A_116 = arith.constant 1 : i32
    %dma_start3A_117 = arith.constant 0 : i32
    %dma_start3A_118 = arith.constant 0 : i32
    %dma_start3A_119 = arith.constant 0 : i32
    %dma_start3A_120 = tpu.memref_slice %arg7[%dma_start3A_116, %dma_start3A_118, %dma_start3A_117, %dma_start3A_119] : memref<2x512x1x32xf32, #tpu.memory_space<vmem>> -> memref<1x512x1x32xf32, #tpu.memory_space<vmem>>
    %dma_start3A_121 = tpu.memref_squeeze %dma_start3A_120 : memref<1x512x1x32xf32, #tpu.memory_space<vmem>> -> memref<512x32xf32, #tpu.memory_space<vmem>>
    %dma_start3A_122 = arith.constant 2560 : i32
    %dma_start3A_123 = tpu.memref_slice %arg6[%dma_start3A_122] : memref<13312xi32, #tpu.memory_space<vmem>> -> memref<512xi32, #tpu.memory_space<vmem>>
    %dma_start3A_124 = arith.constant 0 : i32
    %dma_start3A_125 = arith.constant 0 : i32
    %dma_start3A_126 = tpu.memref_slice %arg2[%dma_start3A_124, %dma_start3A_125] : memref<1000000x32xf32, #tpu.memory_space<hbm>> -> memref<1000000x32xf32, #tpu.memory_space<hbm>>
    tpu.enqueue_indirect_dma source(%dma_start3A_126 : memref<1000000x32xf32, #tpu.memory_space<hbm>>) target(%dma_start3A_121 : memref<512x32xf32, #tpu.memory_space<vmem>>) offsets(%dma_start3A_123 : memref<512xi32, #tpu.memory_space<vmem>>) semaphore(%arg9 : memref<!tpu.dma_semaphore, #tpu.memory_space<semaphore_mem>>)
    %dma_wait3A_127 = arith.constant 0 : i32
    %dma_wait3A_128 = arith.constant 0 : i32
    %dma_wait3A_129 = arith.constant 0 : i32
    %dma_wait3A_130 = arith.constant 0 : i32
    %dma_wait3A_131 = tpu.memref_slice %arg7[%dma_wait3A_127, %dma_wait3A_129, %dma_wait3A_128, %dma_wait3A_130] : memref<2x512x1x32xf32, #tpu.memory_space<vmem>> -> memref<1x512x1x32xf32, #tpu.memory_space<vmem>>
    %dma_wait3A_132 = tpu.memref_squeeze %dma_wait3A_131 : memref<1x512x1x32xf32, #tpu.memory_space<vmem>> -> memref<512x32xf32, #tpu.memory_space<vmem>>
    %dma_wait3A_133 = arith.constant 2048 : i32
    %dma_wait3A_134 = tpu.memref_slice %arg6[%dma_wait3A_133] : memref<13312xi32, #tpu.memory_space<vmem>> -> memref<512xi32, #tpu.memory_space<vmem>>
    %dma_wait3A_135 = arith.constant 0 : i32
    %dma_wait3A_136 = arith.constant 0 : i32
    %dma_wait3A_137 = tpu.memref_slice %arg2[%dma_wait3A_135, %dma_wait3A_136] : memref<1000000x32xf32, #tpu.memory_space<hbm>> -> memref<1000000x32xf32, #tpu.memory_space<hbm>>
    tpu.wait_indirect_dma semaphore(%arg8 : memref<!tpu.dma_semaphore, #tpu.memory_space<semaphore_mem>>) src(%dma_wait3A_137 : memref<1000000x32xf32, #tpu.memory_space<hbm>>) dst(%dma_wait3A_132 : memref<512x32xf32, #tpu.memory_space<vmem>>)
    %run_scoped3A_138 = arith.constant 0 : i32
    "tpu.region"() ({
      %run_scoped3A_611 = tpu.sem_alloc : memref<!tpu.dma_semaphore, #tpu.memory_space<semaphore_mem>>
      %dma_start3A_612 = arith.constant 0 : i32
      %dma_start3A_613 = arith.constant 0 : i32
      %dma_start3A_614 = arith.constant 0 : i32
      %dma_start3A_615 = tpu.memref_slice %arg7[%run_scoped3A_138, %dma_start3A_612, %dma_start3A_613, %dma_start3A_614] : memref<2x512x1x32xf32, #tpu.memory_space<vmem>> -> memref<1x512x1x32xf32, #tpu.memory_space<vmem>>
      %dma_start3A_616 = tpu.memref_squeeze %dma_start3A_615 : memref<1x512x1x32xf32, #tpu.memory_space<vmem>> -> memref<512x1x32xf32, #tpu.memory_space<vmem>>
      %dma_start3A_617 = arith.constant 4 : i32
      %dma_start3A_618 = arith.constant 0 : i32
      %dma_start3A_619 = tpu.memref_slice %arg4[%mul3A_2, %dma_start3A_617, %dma_start3A_618] : memref<16384x32x128xf32, #tpu.memory_space<hbm>> -> memref<512x1x32xf32, #tpu.memory_space<hbm>>
      %dma_start3A_620 = arith.constant 4 : i32
      %dma_start3A_621 = arith.constant 0 : i32
      %dma_start3A_622 = tpu.memref_slice %arg4[%mul3A_2, %dma_start3A_620, %dma_start3A_621] : memref<16384x32x128xf32, #tpu.memory_space<hbm>> -> memref<512x1x32xf32, #tpu.memory_space<hbm>>
      %dma_start3A_623 = arith.constant 0 : i32
      %dma_start3A_624 = arith.constant 0 : i32
      %dma_start3A_625 = arith.constant 0 : i32
      %dma_start3A_626 = tpu.memref_slice %arg7[%run_scoped3A_138, %dma_start3A_623, %dma_start3A_624, %dma_start3A_625] : memref<2x512x1x32xf32, #tpu.memory_space<vmem>> -> memref<1x512x1x32xf32, #tpu.memory_space<vmem>>
      %dma_start3A_627 = tpu.memref_squeeze %dma_start3A_626 : memref<1x512x1x32xf32, #tpu.memory_space<vmem>> -> memref<512x1x32xf32, #tpu.memory_space<vmem>>
      tpu.enqueue_dma source(%dma_start3A_627 : memref<512x1x32xf32, #tpu.memory_space<vmem>>) target(%dma_start3A_622 : memref<512x1x32xf32, #tpu.memory_space<hbm>>) target_semaphore(%run_scoped3A_611 : memref<!tpu.dma_semaphore, #tpu.memory_space<semaphore_mem>>)
      %dma_wait3A_628 = arith.constant 0 : i32
      %dma_wait3A_629 = arith.constant 0 : i32
      %dma_wait3A_630 = arith.constant 0 : i32
      %dma_wait3A_631 = tpu.memref_slice %arg7[%run_scoped3A_138, %dma_wait3A_628, %dma_wait3A_629, %dma_wait3A_630] : memref<2x512x1x32xf32, #tpu.memory_space<vmem>> -> memref<1x512x1x32xf32, #tpu.memory_space<vmem>>
      %dma_wait3A_632 = tpu.memref_squeeze %dma_wait3A_631 : memref<1x512x1x32xf32, #tpu.memory_space<vmem>> -> memref<512x1x32xf32, #tpu.memory_space<vmem>>
      %dma_wait3A_633 = arith.constant 4 : i32
      %dma_wait3A_634 = arith.constant 0 : i32
      %dma_wait3A_635 = tpu.memref_slice %arg4[%mul3A_2, %dma_wait3A_633, %dma_wait3A_634] : memref<16384x32x128xf32, #tpu.memory_space<hbm>> -> memref<512x1x32xf32, #tpu.memory_space<hbm>>
      %dma_wait3A_636 = arith.constant 4 : i32
      %dma_wait3A_637 = arith.constant 0 : i32
      %dma_wait3A_638 = tpu.memref_slice %arg4[%mul3A_2, %dma_wait3A_636, %dma_wait3A_637] : memref<16384x32x128xf32, #tpu.memory_space<hbm>> -> memref<512x1x32xf32, #tpu.memory_space<hbm>>
      %dma_wait3A_639 = arith.constant 0 : i32
      %dma_wait3A_640 = arith.constant 0 : i32
      %dma_wait3A_641 = arith.constant 0 : i32
      %dma_wait3A_642 = tpu.memref_slice %arg7[%run_scoped3A_138, %dma_wait3A_639, %dma_wait3A_640, %dma_wait3A_641] : memref<2x512x1x32xf32, #tpu.memory_space<vmem>> -> memref<1x512x1x32xf32, #tpu.memory_space<vmem>>
      %dma_wait3A_643 = tpu.memref_squeeze %dma_wait3A_642 : memref<1x512x1x32xf32, #tpu.memory_space<vmem>> -> memref<512x1x32xf32, #tpu.memory_space<vmem>>
      tpu.wait_dma2 semaphore(%run_scoped3A_611 : memref<!tpu.dma_semaphore, #tpu.memory_space<semaphore_mem>>) src(%dma_wait3A_643 : memref<512x1x32xf32, #tpu.memory_space<vmem>>) dst(%dma_wait3A_638 : memref<512x1x32xf32, #tpu.memory_space<hbm>>)
      tpu.yield
    }) : () -> ()
    %dma_start3A_139 = arith.constant 0 : i32
    %dma_start3A_140 = arith.constant 0 : i32
    %dma_start3A_141 = arith.constant 0 : i32
    %dma_start3A_142 = arith.constant 0 : i32
    %dma_start3A_143 = tpu.memref_slice %arg7[%dma_start3A_139, %dma_start3A_141, %dma_start3A_140, %dma_start3A_142] : memref<2x512x1x32xf32, #tpu.memory_space<vmem>> -> memref<1x512x1x32xf32, #tpu.memory_space<vmem>>
    %dma_start3A_144 = tpu.memref_squeeze %dma_start3A_143 : memref<1x512x1x32xf32, #tpu.memory_space<vmem>> -> memref<512x32xf32, #tpu.memory_space<vmem>>
    %dma_start3A_145 = arith.constant 3072 : i32
    %dma_start3A_146 = tpu.memref_slice %arg6[%dma_start3A_145] : memref<13312xi32, #tpu.memory_space<vmem>> -> memref<512xi32, #tpu.memory_space<vmem>>
    %dma_start3A_147 = arith.constant 0 : i32
    %dma_start3A_148 = arith.constant 0 : i32
    %dma_start3A_149 = tpu.memref_slice %arg2[%dma_start3A_147, %dma_start3A_148] : memref<1000000x32xf32, #tpu.memory_space<hbm>> -> memref<1000000x32xf32, #tpu.memory_space<hbm>>
    tpu.enqueue_indirect_dma source(%dma_start3A_149 : memref<1000000x32xf32, #tpu.memory_space<hbm>>) target(%dma_start3A_144 : memref<512x32xf32, #tpu.memory_space<vmem>>) offsets(%dma_start3A_146 : memref<512xi32, #tpu.memory_space<vmem>>) semaphore(%arg8 : memref<!tpu.dma_semaphore, #tpu.memory_space<semaphore_mem>>)
    %dma_wait3A_150 = arith.constant 1 : i32
    %dma_wait3A_151 = arith.constant 0 : i32
    %dma_wait3A_152 = arith.constant 0 : i32
    %dma_wait3A_153 = arith.constant 0 : i32
    %dma_wait3A_154 = tpu.memref_slice %arg7[%dma_wait3A_150, %dma_wait3A_152, %dma_wait3A_151, %dma_wait3A_153] : memref<2x512x1x32xf32, #tpu.memory_space<vmem>> -> memref<1x512x1x32xf32, #tpu.memory_space<vmem>>
    %dma_wait3A_155 = tpu.memref_squeeze %dma_wait3A_154 : memref<1x512x1x32xf32, #tpu.memory_space<vmem>> -> memref<512x32xf32, #tpu.memory_space<vmem>>
    %dma_wait3A_156 = arith.constant 2560 : i32
    %dma_wait3A_157 = tpu.memref_slice %arg6[%dma_wait3A_156] : memref<13312xi32, #tpu.memory_space<vmem>> -> memref<512xi32, #tpu.memory_space<vmem>>
    %dma_wait3A_158 = arith.constant 0 : i32
    %dma_wait3A_159 = arith.constant 0 : i32
    %dma_wait3A_160 = tpu.memref_slice %arg2[%dma_wait3A_158, %dma_wait3A_159] : memref<1000000x32xf32, #tpu.memory_space<hbm>> -> memref<1000000x32xf32, #tpu.memory_space<hbm>>
    tpu.wait_indirect_dma semaphore(%arg9 : memref<!tpu.dma_semaphore, #tpu.memory_space<semaphore_mem>>) src(%dma_wait3A_160 : memref<1000000x32xf32, #tpu.memory_space<hbm>>) dst(%dma_wait3A_155 : memref<512x32xf32, #tpu.memory_space<vmem>>)
    %run_scoped3A_161 = arith.constant 1 : i32
    "tpu.region"() ({
      %run_scoped3A_611 = tpu.sem_alloc : memref<!tpu.dma_semaphore, #tpu.memory_space<semaphore_mem>>
      %dma_start3A_612 = arith.constant 0 : i32
      %dma_start3A_613 = arith.constant 0 : i32
      %dma_start3A_614 = arith.constant 0 : i32
      %dma_start3A_615 = tpu.memref_slice %arg7[%run_scoped3A_161, %dma_start3A_612, %dma_start3A_613, %dma_start3A_614] : memref<2x512x1x32xf32, #tpu.memory_space<vmem>> -> memref<1x512x1x32xf32, #tpu.memory_space<vmem>>
      %dma_start3A_616 = tpu.memref_squeeze %dma_start3A_615 : memref<1x512x1x32xf32, #tpu.memory_space<vmem>> -> memref<512x1x32xf32, #tpu.memory_space<vmem>>
      %dma_start3A_617 = arith.constant 5 : i32
      %dma_start3A_618 = arith.constant 0 : i32
      %dma_start3A_619 = tpu.memref_slice %arg4[%mul3A_2, %dma_start3A_617, %dma_start3A_618] : memref<16384x32x128xf32, #tpu.memory_space<hbm>> -> memref<512x1x32xf32, #tpu.memory_space<hbm>>
      %dma_start3A_620 = arith.constant 5 : i32
      %dma_start3A_621 = arith.constant 0 : i32
      %dma_start3A_622 = tpu.memref_slice %arg4[%mul3A_2, %dma_start3A_620, %dma_start3A_621] : memref<16384x32x128xf32, #tpu.memory_space<hbm>> -> memref<512x1x32xf32, #tpu.memory_space<hbm>>
      %dma_start3A_623 = arith.constant 0 : i32
      %dma_start3A_624 = arith.constant 0 : i32
      %dma_start3A_625 = arith.constant 0 : i32
      %dma_start3A_626 = tpu.memref_slice %arg7[%run_scoped3A_161, %dma_start3A_623, %dma_start3A_624, %dma_start3A_625] : memref<2x512x1x32xf32, #tpu.memory_space<vmem>> -> memref<1x512x1x32xf32, #tpu.memory_space<vmem>>
      %dma_start3A_627 = tpu.memref_squeeze %dma_start3A_626 : memref<1x512x1x32xf32, #tpu.memory_space<vmem>> -> memref<512x1x32xf32, #tpu.memory_space<vmem>>
      tpu.enqueue_dma source(%dma_start3A_627 : memref<512x1x32xf32, #tpu.memory_space<vmem>>) target(%dma_start3A_622 : memref<512x1x32xf32, #tpu.memory_space<hbm>>) target_semaphore(%run_scoped3A_611 : memref<!tpu.dma_semaphore, #tpu.memory_space<semaphore_mem>>)
      %dma_wait3A_628 = arith.constant 0 : i32
      %dma_wait3A_629 = arith.constant 0 : i32
      %dma_wait3A_630 = arith.constant 0 : i32
      %dma_wait3A_631 = tpu.memref_slice %arg7[%run_scoped3A_161, %dma_wait3A_628, %dma_wait3A_629, %dma_wait3A_630] : memref<2x512x1x32xf32, #tpu.memory_space<vmem>> -> memref<1x512x1x32xf32, #tpu.memory_space<vmem>>
      %dma_wait3A_632 = tpu.memref_squeeze %dma_wait3A_631 : memref<1x512x1x32xf32, #tpu.memory_space<vmem>> -> memref<512x1x32xf32, #tpu.memory_space<vmem>>
      %dma_wait3A_633 = arith.constant 5 : i32
      %dma_wait3A_634 = arith.constant 0 : i32
      %dma_wait3A_635 = tpu.memref_slice %arg4[%mul3A_2, %dma_wait3A_633, %dma_wait3A_634] : memref<16384x32x128xf32, #tpu.memory_space<hbm>> -> memref<512x1x32xf32, #tpu.memory_space<hbm>>
      %dma_wait3A_636 = arith.constant 5 : i32
      %dma_wait3A_637 = arith.constant 0 : i32
      %dma_wait3A_638 = tpu.memref_slice %arg4[%mul3A_2, %dma_wait3A_636, %dma_wait3A_637] : memref<16384x32x128xf32, #tpu.memory_space<hbm>> -> memref<512x1x32xf32, #tpu.memory_space<hbm>>
      %dma_wait3A_639 = arith.constant 0 : i32
      %dma_wait3A_640 = arith.constant 0 : i32
      %dma_wait3A_641 = arith.constant 0 : i32
      %dma_wait3A_642 = tpu.memref_slice %arg7[%run_scoped3A_161, %dma_wait3A_639, %dma_wait3A_640, %dma_wait3A_641] : memref<2x512x1x32xf32, #tpu.memory_space<vmem>> -> memref<1x512x1x32xf32, #tpu.memory_space<vmem>>
      %dma_wait3A_643 = tpu.memref_squeeze %dma_wait3A_642 : memref<1x512x1x32xf32, #tpu.memory_space<vmem>> -> memref<512x1x32xf32, #tpu.memory_space<vmem>>
      tpu.wait_dma2 semaphore(%run_scoped3A_611 : memref<!tpu.dma_semaphore, #tpu.memory_space<semaphore_mem>>) src(%dma_wait3A_643 : memref<512x1x32xf32, #tpu.memory_space<vmem>>) dst(%dma_wait3A_638 : memref<512x1x32xf32, #tpu.memory_space<hbm>>)
      tpu.yield
    }) : () -> ()
    %dma_start3A_162 = arith.constant 1 : i32
    %dma_start3A_163 = arith.constant 0 : i32
    %dma_start3A_164 = arith.constant 0 : i32
    %dma_start3A_165 = arith.constant 0 : i32
    %dma_start3A_166 = tpu.memref_slice %arg7[%dma_start3A_162, %dma_start3A_164, %dma_start3A_163, %dma_start3A_165] : memref<2x512x1x32xf32, #tpu.memory_space<vmem>> -> memref<1x512x1x32xf32, #tpu.memory_space<vmem>>
    %dma_start3A_167 = tpu.memref_squeeze %dma_start3A_166 : memref<1x512x1x32xf32, #tpu.memory_space<vmem>> -> memref<512x32xf32, #tpu.memory_space<vmem>>
    %dma_start3A_168 = arith.constant 3584 : i32
    %dma_start3A_169 = tpu.memref_slice %arg6[%dma_start3A_168] : memref<13312xi32, #tpu.memory_space<vmem>> -> memref<512xi32, #tpu.memory_space<vmem>>
    %dma_start3A_170 = arith.constant 0 : i32
    %dma_start3A_171 = arith.constant 0 : i32
    %dma_start3A_172 = tpu.memref_slice %arg2[%dma_start3A_170, %dma_start3A_171] : memref<1000000x32xf32, #tpu.memory_space<hbm>> -> memref<1000000x32xf32, #tpu.memory_space<hbm>>
    tpu.enqueue_indirect_dma source(%dma_start3A_172 : memref<1000000x32xf32, #tpu.memory_space<hbm>>) target(%dma_start3A_167 : memref<512x32xf32, #tpu.memory_space<vmem>>) offsets(%dma_start3A_169 : memref<512xi32, #tpu.memory_space<vmem>>) semaphore(%arg9 : memref<!tpu.dma_semaphore, #tpu.memory_space<semaphore_mem>>)
    %dma_wait3A_173 = arith.constant 0 : i32
    %dma_wait3A_174 = arith.constant 0 : i32
    %dma_wait3A_175 = arith.constant 0 : i32
    %dma_wait3A_176 = arith.constant 0 : i32
    %dma_wait3A_177 = tpu.memref_slice %arg7[%dma_wait3A_173, %dma_wait3A_175, %dma_wait3A_174, %dma_wait3A_176] : memref<2x512x1x32xf32, #tpu.memory_space<vmem>> -> memref<1x512x1x32xf32, #tpu.memory_space<vmem>>
    %dma_wait3A_178 = tpu.memref_squeeze %dma_wait3A_177 : memref<1x512x1x32xf32, #tpu.memory_space<vmem>> -> memref<512x32xf32, #tpu.memory_space<vmem>>
    %dma_wait3A_179 = arith.constant 3072 : i32
    %dma_wait3A_180 = tpu.memref_slice %arg6[%dma_wait3A_179] : memref<13312xi32, #tpu.memory_space<vmem>> -> memref<512xi32, #tpu.memory_space<vmem>>
    %dma_wait3A_181 = arith.constant 0 : i32
    %dma_wait3A_182 = arith.constant 0 : i32
    %dma_wait3A_183 = tpu.memref_slice %arg2[%dma_wait3A_181, %dma_wait3A_182] : memref<1000000x32xf32, #tpu.memory_space<hbm>> -> memref<1000000x32xf32, #tpu.memory_space<hbm>>
    tpu.wait_indirect_dma semaphore(%arg8 : memref<!tpu.dma_semaphore, #tpu.memory_space<semaphore_mem>>) src(%dma_wait3A_183 : memref<1000000x32xf32, #tpu.memory_space<hbm>>) dst(%dma_wait3A_178 : memref<512x32xf32, #tpu.memory_space<vmem>>)
    %run_scoped3A_184 = arith.constant 0 : i32
    "tpu.region"() ({
      %run_scoped3A_611 = tpu.sem_alloc : memref<!tpu.dma_semaphore, #tpu.memory_space<semaphore_mem>>
      %dma_start3A_612 = arith.constant 0 : i32
      %dma_start3A_613 = arith.constant 0 : i32
      %dma_start3A_614 = arith.constant 0 : i32
      %dma_start3A_615 = tpu.memref_slice %arg7[%run_scoped3A_184, %dma_start3A_612, %dma_start3A_613, %dma_start3A_614] : memref<2x512x1x32xf32, #tpu.memory_space<vmem>> -> memref<1x512x1x32xf32, #tpu.memory_space<vmem>>
      %dma_start3A_616 = tpu.memref_squeeze %dma_start3A_615 : memref<1x512x1x32xf32, #tpu.memory_space<vmem>> -> memref<512x1x32xf32, #tpu.memory_space<vmem>>
      %dma_start3A_617 = arith.constant 6 : i32
      %dma_start3A_618 = arith.constant 0 : i32
      %dma_start3A_619 = tpu.memref_slice %arg4[%mul3A_2, %dma_start3A_617, %dma_start3A_618] : memref<16384x32x128xf32, #tpu.memory_space<hbm>> -> memref<512x1x32xf32, #tpu.memory_space<hbm>>
      %dma_start3A_620 = arith.constant 6 : i32
      %dma_start3A_621 = arith.constant 0 : i32
      %dma_start3A_622 = tpu.memref_slice %arg4[%mul3A_2, %dma_start3A_620, %dma_start3A_621] : memref<16384x32x128xf32, #tpu.memory_space<hbm>> -> memref<512x1x32xf32, #tpu.memory_space<hbm>>
      %dma_start3A_623 = arith.constant 0 : i32
      %dma_start3A_624 = arith.constant 0 : i32
      %dma_start3A_625 = arith.constant 0 : i32
      %dma_start3A_626 = tpu.memref_slice %arg7[%run_scoped3A_184, %dma_start3A_623, %dma_start3A_624, %dma_start3A_625] : memref<2x512x1x32xf32, #tpu.memory_space<vmem>> -> memref<1x512x1x32xf32, #tpu.memory_space<vmem>>
      %dma_start3A_627 = tpu.memref_squeeze %dma_start3A_626 : memref<1x512x1x32xf32, #tpu.memory_space<vmem>> -> memref<512x1x32xf32, #tpu.memory_space<vmem>>
      tpu.enqueue_dma source(%dma_start3A_627 : memref<512x1x32xf32, #tpu.memory_space<vmem>>) target(%dma_start3A_622 : memref<512x1x32xf32, #tpu.memory_space<hbm>>) target_semaphore(%run_scoped3A_611 : memref<!tpu.dma_semaphore, #tpu.memory_space<semaphore_mem>>)
      %dma_wait3A_628 = arith.constant 0 : i32
      %dma_wait3A_629 = arith.constant 0 : i32
      %dma_wait3A_630 = arith.constant 0 : i32
      %dma_wait3A_631 = tpu.memref_slice %arg7[%run_scoped3A_184, %dma_wait3A_628, %dma_wait3A_629, %dma_wait3A_630] : memref<2x512x1x32xf32, #tpu.memory_space<vmem>> -> memref<1x512x1x32xf32, #tpu.memory_space<vmem>>
      %dma_wait3A_632 = tpu.memref_squeeze %dma_wait3A_631 : memref<1x512x1x32xf32, #tpu.memory_space<vmem>> -> memref<512x1x32xf32, #tpu.memory_space<vmem>>
      %dma_wait3A_633 = arith.constant 6 : i32
      %dma_wait3A_634 = arith.constant 0 : i32
      %dma_wait3A_635 = tpu.memref_slice %arg4[%mul3A_2, %dma_wait3A_633, %dma_wait3A_634] : memref<16384x32x128xf32, #tpu.memory_space<hbm>> -> memref<512x1x32xf32, #tpu.memory_space<hbm>>
      %dma_wait3A_636 = arith.constant 6 : i32
      %dma_wait3A_637 = arith.constant 0 : i32
      %dma_wait3A_638 = tpu.memref_slice %arg4[%mul3A_2, %dma_wait3A_636, %dma_wait3A_637] : memref<16384x32x128xf32, #tpu.memory_space<hbm>> -> memref<512x1x32xf32, #tpu.memory_space<hbm>>
      %dma_wait3A_639 = arith.constant 0 : i32
      %dma_wait3A_640 = arith.constant 0 : i32
      %dma_wait3A_641 = arith.constant 0 : i32
      %dma_wait3A_642 = tpu.memref_slice %arg7[%run_scoped3A_184, %dma_wait3A_639, %dma_wait3A_640, %dma_wait3A_641] : memref<2x512x1x32xf32, #tpu.memory_space<vmem>> -> memref<1x512x1x32xf32, #tpu.memory_space<vmem>>
      %dma_wait3A_643 = tpu.memref_squeeze %dma_wait3A_642 : memref<1x512x1x32xf32, #tpu.memory_space<vmem>> -> memref<512x1x32xf32, #tpu.memory_space<vmem>>
      tpu.wait_dma2 semaphore(%run_scoped3A_611 : memref<!tpu.dma_semaphore, #tpu.memory_space<semaphore_mem>>) src(%dma_wait3A_643 : memref<512x1x32xf32, #tpu.memory_space<vmem>>) dst(%dma_wait3A_638 : memref<512x1x32xf32, #tpu.memory_space<hbm>>)
      tpu.yield
    }) : () -> ()
    %dma_start3A_185 = arith.constant 0 : i32
    %dma_start3A_186 = arith.constant 0 : i32
    %dma_start3A_187 = arith.constant 0 : i32
    %dma_start3A_188 = arith.constant 0 : i32
    %dma_start3A_189 = tpu.memref_slice %arg7[%dma_start3A_185, %dma_start3A_187, %dma_start3A_186, %dma_start3A_188] : memref<2x512x1x32xf32, #tpu.memory_space<vmem>> -> memref<1x512x1x32xf32, #tpu.memory_space<vmem>>
    %dma_start3A_190 = tpu.memref_squeeze %dma_start3A_189 : memref<1x512x1x32xf32, #tpu.memory_space<vmem>> -> memref<512x32xf32, #tpu.memory_space<vmem>>
    %dma_start3A_191 = arith.constant 4096 : i32
    %dma_start3A_192 = tpu.memref_slice %arg6[%dma_start3A_191] : memref<13312xi32, #tpu.memory_space<vmem>> -> memref<512xi32, #tpu.memory_space<vmem>>
    %dma_start3A_193 = arith.constant 0 : i32
    %dma_start3A_194 = arith.constant 0 : i32
    %dma_start3A_195 = tpu.memref_slice %arg2[%dma_start3A_193, %dma_start3A_194] : memref<1000000x32xf32, #tpu.memory_space<hbm>> -> memref<1000000x32xf32, #tpu.memory_space<hbm>>
    tpu.enqueue_indirect_dma source(%dma_start3A_195 : memref<1000000x32xf32, #tpu.memory_space<hbm>>) target(%dma_start3A_190 : memref<512x32xf32, #tpu.memory_space<vmem>>) offsets(%dma_start3A_192 : memref<512xi32, #tpu.memory_space<vmem>>) semaphore(%arg8 : memref<!tpu.dma_semaphore, #tpu.memory_space<semaphore_mem>>)
    %dma_wait3A_196 = arith.constant 1 : i32
    %dma_wait3A_197 = arith.constant 0 : i32
    %dma_wait3A_198 = arith.constant 0 : i32
    %dma_wait3A_199 = arith.constant 0 : i32
    %dma_wait3A_200 = tpu.memref_slice %arg7[%dma_wait3A_196, %dma_wait3A_198, %dma_wait3A_197, %dma_wait3A_199] : memref<2x512x1x32xf32, #tpu.memory_space<vmem>> -> memref<1x512x1x32xf32, #tpu.memory_space<vmem>>
    %dma_wait3A_201 = tpu.memref_squeeze %dma_wait3A_200 : memref<1x512x1x32xf32, #tpu.memory_space<vmem>> -> memref<512x32xf32, #tpu.memory_space<vmem>>
    %dma_wait3A_202 = arith.constant 3584 : i32
    %dma_wait3A_203 = tpu.memref_slice %arg6[%dma_wait3A_202] : memref<13312xi32, #tpu.memory_space<vmem>> -> memref<512xi32, #tpu.memory_space<vmem>>
    %dma_wait3A_204 = arith.constant 0 : i32
    %dma_wait3A_205 = arith.constant 0 : i32
    %dma_wait3A_206 = tpu.memref_slice %arg2[%dma_wait3A_204, %dma_wait3A_205] : memref<1000000x32xf32, #tpu.memory_space<hbm>> -> memref<1000000x32xf32, #tpu.memory_space<hbm>>
    tpu.wait_indirect_dma semaphore(%arg9 : memref<!tpu.dma_semaphore, #tpu.memory_space<semaphore_mem>>) src(%dma_wait3A_206 : memref<1000000x32xf32, #tpu.memory_space<hbm>>) dst(%dma_wait3A_201 : memref<512x32xf32, #tpu.memory_space<vmem>>)
    %run_scoped3A_207 = arith.constant 1 : i32
    "tpu.region"() ({
      %run_scoped3A_611 = tpu.sem_alloc : memref<!tpu.dma_semaphore, #tpu.memory_space<semaphore_mem>>
      %dma_start3A_612 = arith.constant 0 : i32
      %dma_start3A_613 = arith.constant 0 : i32
      %dma_start3A_614 = arith.constant 0 : i32
      %dma_start3A_615 = tpu.memref_slice %arg7[%run_scoped3A_207, %dma_start3A_612, %dma_start3A_613, %dma_start3A_614] : memref<2x512x1x32xf32, #tpu.memory_space<vmem>> -> memref<1x512x1x32xf32, #tpu.memory_space<vmem>>
      %dma_start3A_616 = tpu.memref_squeeze %dma_start3A_615 : memref<1x512x1x32xf32, #tpu.memory_space<vmem>> -> memref<512x1x32xf32, #tpu.memory_space<vmem>>
      %dma_start3A_617 = arith.constant 7 : i32
      %dma_start3A_618 = arith.constant 0 : i32
      %dma_start3A_619 = tpu.memref_slice %arg4[%mul3A_2, %dma_start3A_617, %dma_start3A_618] : memref<16384x32x128xf32, #tpu.memory_space<hbm>> -> memref<512x1x32xf32, #tpu.memory_space<hbm>>
      %dma_start3A_620 = arith.constant 7 : i32
      %dma_start3A_621 = arith.constant 0 : i32
      %dma_start3A_622 = tpu.memref_slice %arg4[%mul3A_2, %dma_start3A_620, %dma_start3A_621] : memref<16384x32x128xf32, #tpu.memory_space<hbm>> -> memref<512x1x32xf32, #tpu.memory_space<hbm>>
      %dma_start3A_623 = arith.constant 0 : i32
      %dma_start3A_624 = arith.constant 0 : i32
      %dma_start3A_625 = arith.constant 0 : i32
      %dma_start3A_626 = tpu.memref_slice %arg7[%run_scoped3A_207, %dma_start3A_623, %dma_start3A_624, %dma_start3A_625] : memref<2x512x1x32xf32, #tpu.memory_space<vmem>> -> memref<1x512x1x32xf32, #tpu.memory_space<vmem>>
      %dma_start3A_627 = tpu.memref_squeeze %dma_start3A_626 : memref<1x512x1x32xf32, #tpu.memory_space<vmem>> -> memref<512x1x32xf32, #tpu.memory_space<vmem>>
      tpu.enqueue_dma source(%dma_start3A_627 : memref<512x1x32xf32, #tpu.memory_space<vmem>>) target(%dma_start3A_622 : memref<512x1x32xf32, #tpu.memory_space<hbm>>) target_semaphore(%run_scoped3A_611 : memref<!tpu.dma_semaphore, #tpu.memory_space<semaphore_mem>>)
      %dma_wait3A_628 = arith.constant 0 : i32
      %dma_wait3A_629 = arith.constant 0 : i32
      %dma_wait3A_630 = arith.constant 0 : i32
      %dma_wait3A_631 = tpu.memref_slice %arg7[%run_scoped3A_207, %dma_wait3A_628, %dma_wait3A_629, %dma_wait3A_630] : memref<2x512x1x32xf32, #tpu.memory_space<vmem>> -> memref<1x512x1x32xf32, #tpu.memory_space<vmem>>
      %dma_wait3A_632 = tpu.memref_squeeze %dma_wait3A_631 : memref<1x512x1x32xf32, #tpu.memory_space<vmem>> -> memref<512x1x32xf32, #tpu.memory_space<vmem>>
      %dma_wait3A_633 = arith.constant 7 : i32
      %dma_wait3A_634 = arith.constant 0 : i32
      %dma_wait3A_635 = tpu.memref_slice %arg4[%mul3A_2, %dma_wait3A_633, %dma_wait3A_634] : memref<16384x32x128xf32, #tpu.memory_space<hbm>> -> memref<512x1x32xf32, #tpu.memory_space<hbm>>
      %dma_wait3A_636 = arith.constant 7 : i32
      %dma_wait3A_637 = arith.constant 0 : i32
      %dma_wait3A_638 = tpu.memref_slice %arg4[%mul3A_2, %dma_wait3A_636, %dma_wait3A_637] : memref<16384x32x128xf32, #tpu.memory_space<hbm>> -> memref<512x1x32xf32, #tpu.memory_space<hbm>>
      %dma_wait3A_639 = arith.constant 0 : i32
      %dma_wait3A_640 = arith.constant 0 : i32
      %dma_wait3A_641 = arith.constant 0 : i32
      %dma_wait3A_642 = tpu.memref_slice %arg7[%run_scoped3A_207, %dma_wait3A_639, %dma_wait3A_640, %dma_wait3A_641] : memref<2x512x1x32xf32, #tpu.memory_space<vmem>> -> memref<1x512x1x32xf32, #tpu.memory_space<vmem>>
      %dma_wait3A_643 = tpu.memref_squeeze %dma_wait3A_642 : memref<1x512x1x32xf32, #tpu.memory_space<vmem>> -> memref<512x1x32xf32, #tpu.memory_space<vmem>>
      tpu.wait_dma2 semaphore(%run_scoped3A_611 : memref<!tpu.dma_semaphore, #tpu.memory_space<semaphore_mem>>) src(%dma_wait3A_643 : memref<512x1x32xf32, #tpu.memory_space<vmem>>) dst(%dma_wait3A_638 : memref<512x1x32xf32, #tpu.memory_space<hbm>>)
      tpu.yield
    }) : () -> ()
    %dma_start3A_208 = arith.constant 1 : i32
    %dma_start3A_209 = arith.constant 0 : i32
    %dma_start3A_210 = arith.constant 0 : i32
    %dma_start3A_211 = arith.constant 0 : i32
    %dma_start3A_212 = tpu.memref_slice %arg7[%dma_start3A_208, %dma_start3A_210, %dma_start3A_209, %dma_start3A_211] : memref<2x512x1x32xf32, #tpu.memory_space<vmem>> -> memref<1x512x1x32xf32, #tpu.memory_space<vmem>>
    %dma_start3A_213 = tpu.memref_squeeze %dma_start3A_212 : memref<1x512x1x32xf32, #tpu.memory_space<vmem>> -> memref<512x32xf32, #tpu.memory_space<vmem>>
    %dma_start3A_214 = arith.constant 4608 : i32
    %dma_start3A_215 = tpu.memref_slice %arg6[%dma_start3A_214] : memref<13312xi32, #tpu.memory_space<vmem>> -> memref<512xi32, #tpu.memory_space<vmem>>
    %dma_start3A_216 = arith.constant 0 : i32
    %dma_start3A_217 = arith.constant 0 : i32
    %dma_start3A_218 = tpu.memref_slice %arg2[%dma_start3A_216, %dma_start3A_217] : memref<1000000x32xf32, #tpu.memory_space<hbm>> -> memref<1000000x32xf32, #tpu.memory_space<hbm>>
    tpu.enqueue_indirect_dma source(%dma_start3A_218 : memref<1000000x32xf32, #tpu.memory_space<hbm>>) target(%dma_start3A_213 : memref<512x32xf32, #tpu.memory_space<vmem>>) offsets(%dma_start3A_215 : memref<512xi32, #tpu.memory_space<vmem>>) semaphore(%arg9 : memref<!tpu.dma_semaphore, #tpu.memory_space<semaphore_mem>>)
    %dma_wait3A_219 = arith.constant 0 : i32
    %dma_wait3A_220 = arith.constant 0 : i32
    %dma_wait3A_221 = arith.constant 0 : i32
    %dma_wait3A_222 = arith.constant 0 : i32
    %dma_wait3A_223 = tpu.memref_slice %arg7[%dma_wait3A_219, %dma_wait3A_221, %dma_wait3A_220, %dma_wait3A_222] : memref<2x512x1x32xf32, #tpu.memory_space<vmem>> -> memref<1x512x1x32xf32, #tpu.memory_space<vmem>>
    %dma_wait3A_224 = tpu.memref_squeeze %dma_wait3A_223 : memref<1x512x1x32xf32, #tpu.memory_space<vmem>> -> memref<512x32xf32, #tpu.memory_space<vmem>>
    %dma_wait3A_225 = arith.constant 4096 : i32
    %dma_wait3A_226 = tpu.memref_slice %arg6[%dma_wait3A_225] : memref<13312xi32, #tpu.memory_space<vmem>> -> memref<512xi32, #tpu.memory_space<vmem>>
    %dma_wait3A_227 = arith.constant 0 : i32
    %dma_wait3A_228 = arith.constant 0 : i32
    %dma_wait3A_229 = tpu.memref_slice %arg2[%dma_wait3A_227, %dma_wait3A_228] : memref<1000000x32xf32, #tpu.memory_space<hbm>> -> memref<1000000x32xf32, #tpu.memory_space<hbm>>
    tpu.wait_indirect_dma semaphore(%arg8 : memref<!tpu.dma_semaphore, #tpu.memory_space<semaphore_mem>>) src(%dma_wait3A_229 : memref<1000000x32xf32, #tpu.memory_space<hbm>>) dst(%dma_wait3A_224 : memref<512x32xf32, #tpu.memory_space<vmem>>)
    %run_scoped3A_230 = arith.constant 0 : i32
    "tpu.region"() ({
      %run_scoped3A_611 = tpu.sem_alloc : memref<!tpu.dma_semaphore, #tpu.memory_space<semaphore_mem>>
      %dma_start3A_612 = arith.constant 0 : i32
      %dma_start3A_613 = arith.constant 0 : i32
      %dma_start3A_614 = arith.constant 0 : i32
      %dma_start3A_615 = tpu.memref_slice %arg7[%run_scoped3A_230, %dma_start3A_612, %dma_start3A_613, %dma_start3A_614] : memref<2x512x1x32xf32, #tpu.memory_space<vmem>> -> memref<1x512x1x32xf32, #tpu.memory_space<vmem>>
      %dma_start3A_616 = tpu.memref_squeeze %dma_start3A_615 : memref<1x512x1x32xf32, #tpu.memory_space<vmem>> -> memref<512x1x32xf32, #tpu.memory_space<vmem>>
      %dma_start3A_617 = arith.constant 8 : i32
      %dma_start3A_618 = arith.constant 0 : i32
      %dma_start3A_619 = tpu.memref_slice %arg4[%mul3A_2, %dma_start3A_617, %dma_start3A_618] : memref<16384x32x128xf32, #tpu.memory_space<hbm>> -> memref<512x1x32xf32, #tpu.memory_space<hbm>>
      %dma_start3A_620 = arith.constant 8 : i32
      %dma_start3A_621 = arith.constant 0 : i32
      %dma_start3A_622 = tpu.memref_slice %arg4[%mul3A_2, %dma_start3A_620, %dma_start3A_621] : memref<16384x32x128xf32, #tpu.memory_space<hbm>> -> memref<512x1x32xf32, #tpu.memory_space<hbm>>
      %dma_start3A_623 = arith.constant 0 : i32
      %dma_start3A_624 = arith.constant 0 : i32
      %dma_start3A_625 = arith.constant 0 : i32
      %dma_start3A_626 = tpu.memref_slice %arg7[%run_scoped3A_230, %dma_start3A_623, %dma_start3A_624, %dma_start3A_625] : memref<2x512x1x32xf32, #tpu.memory_space<vmem>> -> memref<1x512x1x32xf32, #tpu.memory_space<vmem>>
      %dma_start3A_627 = tpu.memref_squeeze %dma_start3A_626 : memref<1x512x1x32xf32, #tpu.memory_space<vmem>> -> memref<512x1x32xf32, #tpu.memory_space<vmem>>
      tpu.enqueue_dma source(%dma_start3A_627 : memref<512x1x32xf32, #tpu.memory_space<vmem>>) target(%dma_start3A_622 : memref<512x1x32xf32, #tpu.memory_space<hbm>>) target_semaphore(%run_scoped3A_611 : memref<!tpu.dma_semaphore, #tpu.memory_space<semaphore_mem>>)
      %dma_wait3A_628 = arith.constant 0 : i32
      %dma_wait3A_629 = arith.constant 0 : i32
      %dma_wait3A_630 = arith.constant 0 : i32
      %dma_wait3A_631 = tpu.memref_slice %arg7[%run_scoped3A_230, %dma_wait3A_628, %dma_wait3A_629, %dma_wait3A_630] : memref<2x512x1x32xf32, #tpu.memory_space<vmem>> -> memref<1x512x1x32xf32, #tpu.memory_space<vmem>>
      %dma_wait3A_632 = tpu.memref_squeeze %dma_wait3A_631 : memref<1x512x1x32xf32, #tpu.memory_space<vmem>> -> memref<512x1x32xf32, #tpu.memory_space<vmem>>
      %dma_wait3A_633 = arith.constant 8 : i32
      %dma_wait3A_634 = arith.constant 0 : i32
      %dma_wait3A_635 = tpu.memref_slice %arg4[%mul3A_2, %dma_wait3A_633, %dma_wait3A_634] : memref<16384x32x128xf32, #tpu.memory_space<hbm>> -> memref<512x1x32xf32, #tpu.memory_space<hbm>>
      %dma_wait3A_636 = arith.constant 8 : i32
      %dma_wait3A_637 = arith.constant 0 : i32
      %dma_wait3A_638 = tpu.memref_slice %arg4[%mul3A_2, %dma_wait3A_636, %dma_wait3A_637] : memref<16384x32x128xf32, #tpu.memory_space<hbm>> -> memref<512x1x32xf32, #tpu.memory_space<hbm>>
      %dma_wait3A_639 = arith.constant 0 : i32
      %dma_wait3A_640 = arith.constant 0 : i32
      %dma_wait3A_641 = arith.constant 0 : i32
      %dma_wait3A_642 = tpu.memref_slice %arg7[%run_scoped3A_230, %dma_wait3A_639, %dma_wait3A_640, %dma_wait3A_641] : memref<2x512x1x32xf32, #tpu.memory_space<vmem>> -> memref<1x512x1x32xf32, #tpu.memory_space<vmem>>
      %dma_wait3A_643 = tpu.memref_squeeze %dma_wait3A_642 : memref<1x512x1x32xf32, #tpu.memory_space<vmem>> -> memref<512x1x32xf32, #tpu.memory_space<vmem>>
      tpu.wait_dma2 semaphore(%run_scoped3A_611 : memref<!tpu.dma_semaphore, #tpu.memory_space<semaphore_mem>>) src(%dma_wait3A_643 : memref<512x1x32xf32, #tpu.memory_space<vmem>>) dst(%dma_wait3A_638 : memref<512x1x32xf32, #tpu.memory_space<hbm>>)
      tpu.yield
    }) : () -> ()
    %dma_start3A_231 = arith.constant 0 : i32
    %dma_start3A_232 = arith.constant 0 : i32
    %dma_start3A_233 = arith.constant 0 : i32
    %dma_start3A_234 = arith.constant 0 : i32
    %dma_start3A_235 = tpu.memref_slice %arg7[%dma_start3A_231, %dma_start3A_233, %dma_start3A_232, %dma_start3A_234] : memref<2x512x1x32xf32, #tpu.memory_space<vmem>> -> memref<1x512x1x32xf32, #tpu.memory_space<vmem>>
    %dma_start3A_236 = tpu.memref_squeeze %dma_start3A_235 : memref<1x512x1x32xf32, #tpu.memory_space<vmem>> -> memref<512x32xf32, #tpu.memory_space<vmem>>
    %dma_start3A_237 = arith.constant 5120 : i32
    %dma_start3A_238 = tpu.memref_slice %arg6[%dma_start3A_237] : memref<13312xi32, #tpu.memory_space<vmem>> -> memref<512xi32, #tpu.memory_space<vmem>>
    %dma_start3A_239 = arith.constant 0 : i32
    %dma_start3A_240 = arith.constant 0 : i32
    %dma_start3A_241 = tpu.memref_slice %arg2[%dma_start3A_239, %dma_start3A_240] : memref<1000000x32xf32, #tpu.memory_space<hbm>> -> memref<1000000x32xf32, #tpu.memory_space<hbm>>
    tpu.enqueue_indirect_dma source(%dma_start3A_241 : memref<1000000x32xf32, #tpu.memory_space<hbm>>) target(%dma_start3A_236 : memref<512x32xf32, #tpu.memory_space<vmem>>) offsets(%dma_start3A_238 : memref<512xi32, #tpu.memory_space<vmem>>) semaphore(%arg8 : memref<!tpu.dma_semaphore, #tpu.memory_space<semaphore_mem>>)
    %dma_wait3A_242 = arith.constant 1 : i32
    %dma_wait3A_243 = arith.constant 0 : i32
    %dma_wait3A_244 = arith.constant 0 : i32
    %dma_wait3A_245 = arith.constant 0 : i32
    %dma_wait3A_246 = tpu.memref_slice %arg7[%dma_wait3A_242, %dma_wait3A_244, %dma_wait3A_243, %dma_wait3A_245] : memref<2x512x1x32xf32, #tpu.memory_space<vmem>> -> memref<1x512x1x32xf32, #tpu.memory_space<vmem>>
    %dma_wait3A_247 = tpu.memref_squeeze %dma_wait3A_246 : memref<1x512x1x32xf32, #tpu.memory_space<vmem>> -> memref<512x32xf32, #tpu.memory_space<vmem>>
    %dma_wait3A_248 = arith.constant 4608 : i32
    %dma_wait3A_249 = tpu.memref_slice %arg6[%dma_wait3A_248] : memref<13312xi32, #tpu.memory_space<vmem>> -> memref<512xi32, #tpu.memory_space<vmem>>
    %dma_wait3A_250 = arith.constant 0 : i32
    %dma_wait3A_251 = arith.constant 0 : i32
    %dma_wait3A_252 = tpu.memref_slice %arg2[%dma_wait3A_250, %dma_wait3A_251] : memref<1000000x32xf32, #tpu.memory_space<hbm>> -> memref<1000000x32xf32, #tpu.memory_space<hbm>>
    tpu.wait_indirect_dma semaphore(%arg9 : memref<!tpu.dma_semaphore, #tpu.memory_space<semaphore_mem>>) src(%dma_wait3A_252 : memref<1000000x32xf32, #tpu.memory_space<hbm>>) dst(%dma_wait3A_247 : memref<512x32xf32, #tpu.memory_space<vmem>>)
    %run_scoped3A_253 = arith.constant 1 : i32
    "tpu.region"() ({
      %run_scoped3A_611 = tpu.sem_alloc : memref<!tpu.dma_semaphore, #tpu.memory_space<semaphore_mem>>
      %dma_start3A_612 = arith.constant 0 : i32
      %dma_start3A_613 = arith.constant 0 : i32
      %dma_start3A_614 = arith.constant 0 : i32
      %dma_start3A_615 = tpu.memref_slice %arg7[%run_scoped3A_253, %dma_start3A_612, %dma_start3A_613, %dma_start3A_614] : memref<2x512x1x32xf32, #tpu.memory_space<vmem>> -> memref<1x512x1x32xf32, #tpu.memory_space<vmem>>
      %dma_start3A_616 = tpu.memref_squeeze %dma_start3A_615 : memref<1x512x1x32xf32, #tpu.memory_space<vmem>> -> memref<512x1x32xf32, #tpu.memory_space<vmem>>
      %dma_start3A_617 = arith.constant 9 : i32
      %dma_start3A_618 = arith.constant 0 : i32
      %dma_start3A_619 = tpu.memref_slice %arg4[%mul3A_2, %dma_start3A_617, %dma_start3A_618] : memref<16384x32x128xf32, #tpu.memory_space<hbm>> -> memref<512x1x32xf32, #tpu.memory_space<hbm>>
      %dma_start3A_620 = arith.constant 9 : i32
      %dma_start3A_621 = arith.constant 0 : i32
      %dma_start3A_622 = tpu.memref_slice %arg4[%mul3A_2, %dma_start3A_620, %dma_start3A_621] : memref<16384x32x128xf32, #tpu.memory_space<hbm>> -> memref<512x1x32xf32, #tpu.memory_space<hbm>>
      %dma_start3A_623 = arith.constant 0 : i32
      %dma_start3A_624 = arith.constant 0 : i32
      %dma_start3A_625 = arith.constant 0 : i32
      %dma_start3A_626 = tpu.memref_slice %arg7[%run_scoped3A_253, %dma_start3A_623, %dma_start3A_624, %dma_start3A_625] : memref<2x512x1x32xf32, #tpu.memory_space<vmem>> -> memref<1x512x1x32xf32, #tpu.memory_space<vmem>>
      %dma_start3A_627 = tpu.memref_squeeze %dma_start3A_626 : memref<1x512x1x32xf32, #tpu.memory_space<vmem>> -> memref<512x1x32xf32, #tpu.memory_space<vmem>>
      tpu.enqueue_dma source(%dma_start3A_627 : memref<512x1x32xf32, #tpu.memory_space<vmem>>) target(%dma_start3A_622 : memref<512x1x32xf32, #tpu.memory_space<hbm>>) target_semaphore(%run_scoped3A_611 : memref<!tpu.dma_semaphore, #tpu.memory_space<semaphore_mem>>)
      %dma_wait3A_628 = arith.constant 0 : i32
      %dma_wait3A_629 = arith.constant 0 : i32
      %dma_wait3A_630 = arith.constant 0 : i32
      %dma_wait3A_631 = tpu.memref_slice %arg7[%run_scoped3A_253, %dma_wait3A_628, %dma_wait3A_629, %dma_wait3A_630] : memref<2x512x1x32xf32, #tpu.memory_space<vmem>> -> memref<1x512x1x32xf32, #tpu.memory_space<vmem>>
      %dma_wait3A_632 = tpu.memref_squeeze %dma_wait3A_631 : memref<1x512x1x32xf32, #tpu.memory_space<vmem>> -> memref<512x1x32xf32, #tpu.memory_space<vmem>>
      %dma_wait3A_633 = arith.constant 9 : i32
      %dma_wait3A_634 = arith.constant 0 : i32
      %dma_wait3A_635 = tpu.memref_slice %arg4[%mul3A_2, %dma_wait3A_633, %dma_wait3A_634] : memref<16384x32x128xf32, #tpu.memory_space<hbm>> -> memref<512x1x32xf32, #tpu.memory_space<hbm>>
      %dma_wait3A_636 = arith.constant 9 : i32
      %dma_wait3A_637 = arith.constant 0 : i32
      %dma_wait3A_638 = tpu.memref_slice %arg4[%mul3A_2, %dma_wait3A_636, %dma_wait3A_637] : memref<16384x32x128xf32, #tpu.memory_space<hbm>> -> memref<512x1x32xf32, #tpu.memory_space<hbm>>
      %dma_wait3A_639 = arith.constant 0 : i32
      %dma_wait3A_640 = arith.constant 0 : i32
      %dma_wait3A_641 = arith.constant 0 : i32
      %dma_wait3A_642 = tpu.memref_slice %arg7[%run_scoped3A_253, %dma_wait3A_639, %dma_wait3A_640, %dma_wait3A_641] : memref<2x512x1x32xf32, #tpu.memory_space<vmem>> -> memref<1x512x1x32xf32, #tpu.memory_space<vmem>>
      %dma_wait3A_643 = tpu.memref_squeeze %dma_wait3A_642 : memref<1x512x1x32xf32, #tpu.memory_space<vmem>> -> memref<512x1x32xf32, #tpu.memory_space<vmem>>
      tpu.wait_dma2 semaphore(%run_scoped3A_611 : memref<!tpu.dma_semaphore, #tpu.memory_space<semaphore_mem>>) src(%dma_wait3A_643 : memref<512x1x32xf32, #tpu.memory_space<vmem>>) dst(%dma_wait3A_638 : memref<512x1x32xf32, #tpu.memory_space<hbm>>)
      tpu.yield
    }) : () -> ()
    %dma_start3A_254 = arith.constant 1 : i32
    %dma_start3A_255 = arith.constant 0 : i32
    %dma_start3A_256 = arith.constant 0 : i32
    %dma_start3A_257 = arith.constant 0 : i32
    %dma_start3A_258 = tpu.memref_slice %arg7[%dma_start3A_254, %dma_start3A_256, %dma_start3A_255, %dma_start3A_257] : memref<2x512x1x32xf32, #tpu.memory_space<vmem>> -> memref<1x512x1x32xf32, #tpu.memory_space<vmem>>
    %dma_start3A_259 = tpu.memref_squeeze %dma_start3A_258 : memref<1x512x1x32xf32, #tpu.memory_space<vmem>> -> memref<512x32xf32, #tpu.memory_space<vmem>>
    %dma_start3A_260 = arith.constant 5632 : i32
    %dma_start3A_261 = tpu.memref_slice %arg6[%dma_start3A_260] : memref<13312xi32, #tpu.memory_space<vmem>> -> memref<512xi32, #tpu.memory_space<vmem>>
    %dma_start3A_262 = arith.constant 0 : i32
    %dma_start3A_263 = arith.constant 0 : i32
    %dma_start3A_264 = tpu.memref_slice %arg2[%dma_start3A_262, %dma_start3A_263] : memref<1000000x32xf32, #tpu.memory_space<hbm>> -> memref<1000000x32xf32, #tpu.memory_space<hbm>>
    tpu.enqueue_indirect_dma source(%dma_start3A_264 : memref<1000000x32xf32, #tpu.memory_space<hbm>>) target(%dma_start3A_259 : memref<512x32xf32, #tpu.memory_space<vmem>>) offsets(%dma_start3A_261 : memref<512xi32, #tpu.memory_space<vmem>>) semaphore(%arg9 : memref<!tpu.dma_semaphore, #tpu.memory_space<semaphore_mem>>)
    %dma_wait3A_265 = arith.constant 0 : i32
    %dma_wait3A_266 = arith.constant 0 : i32
    %dma_wait3A_267 = arith.constant 0 : i32
    %dma_wait3A_268 = arith.constant 0 : i32
    %dma_wait3A_269 = tpu.memref_slice %arg7[%dma_wait3A_265, %dma_wait3A_267, %dma_wait3A_266, %dma_wait3A_268] : memref<2x512x1x32xf32, #tpu.memory_space<vmem>> -> memref<1x512x1x32xf32, #tpu.memory_space<vmem>>
    %dma_wait3A_270 = tpu.memref_squeeze %dma_wait3A_269 : memref<1x512x1x32xf32, #tpu.memory_space<vmem>> -> memref<512x32xf32, #tpu.memory_space<vmem>>
    %dma_wait3A_271 = arith.constant 5120 : i32
    %dma_wait3A_272 = tpu.memref_slice %arg6[%dma_wait3A_271] : memref<13312xi32, #tpu.memory_space<vmem>> -> memref<512xi32, #tpu.memory_space<vmem>>
    %dma_wait3A_273 = arith.constant 0 : i32
    %dma_wait3A_274 = arith.constant 0 : i32
    %dma_wait3A_275 = tpu.memref_slice %arg2[%dma_wait3A_273, %dma_wait3A_274] : memref<1000000x32xf32, #tpu.memory_space<hbm>> -> memref<1000000x32xf32, #tpu.memory_space<hbm>>
    tpu.wait_indirect_dma semaphore(%arg8 : memref<!tpu.dma_semaphore, #tpu.memory_space<semaphore_mem>>) src(%dma_wait3A_275 : memref<1000000x32xf32, #tpu.memory_space<hbm>>) dst(%dma_wait3A_270 : memref<512x32xf32, #tpu.memory_space<vmem>>)
    %run_scoped3A_276 = arith.constant 0 : i32
    "tpu.region"() ({
      %run_scoped3A_611 = tpu.sem_alloc : memref<!tpu.dma_semaphore, #tpu.memory_space<semaphore_mem>>
      %dma_start3A_612 = arith.constant 0 : i32
      %dma_start3A_613 = arith.constant 0 : i32
      %dma_start3A_614 = arith.constant 0 : i32
      %dma_start3A_615 = tpu.memref_slice %arg7[%run_scoped3A_276, %dma_start3A_612, %dma_start3A_613, %dma_start3A_614] : memref<2x512x1x32xf32, #tpu.memory_space<vmem>> -> memref<1x512x1x32xf32, #tpu.memory_space<vmem>>
      %dma_start3A_616 = tpu.memref_squeeze %dma_start3A_615 : memref<1x512x1x32xf32, #tpu.memory_space<vmem>> -> memref<512x1x32xf32, #tpu.memory_space<vmem>>
      %dma_start3A_617 = arith.constant 10 : i32
      %dma_start3A_618 = arith.constant 0 : i32
      %dma_start3A_619 = tpu.memref_slice %arg4[%mul3A_2, %dma_start3A_617, %dma_start3A_618] : memref<16384x32x128xf32, #tpu.memory_space<hbm>> -> memref<512x1x32xf32, #tpu.memory_space<hbm>>
      %dma_start3A_620 = arith.constant 10 : i32
      %dma_start3A_621 = arith.constant 0 : i32
      %dma_start3A_622 = tpu.memref_slice %arg4[%mul3A_2, %dma_start3A_620, %dma_start3A_621] : memref<16384x32x128xf32, #tpu.memory_space<hbm>> -> memref<512x1x32xf32, #tpu.memory_space<hbm>>
      %dma_start3A_623 = arith.constant 0 : i32
      %dma_start3A_624 = arith.constant 0 : i32
      %dma_start3A_625 = arith.constant 0 : i32
      %dma_start3A_626 = tpu.memref_slice %arg7[%run_scoped3A_276, %dma_start3A_623, %dma_start3A_624, %dma_start3A_625] : memref<2x512x1x32xf32, #tpu.memory_space<vmem>> -> memref<1x512x1x32xf32, #tpu.memory_space<vmem>>
      %dma_start3A_627 = tpu.memref_squeeze %dma_start3A_626 : memref<1x512x1x32xf32, #tpu.memory_space<vmem>> -> memref<512x1x32xf32, #tpu.memory_space<vmem>>
      tpu.enqueue_dma source(%dma_start3A_627 : memref<512x1x32xf32, #tpu.memory_space<vmem>>) target(%dma_start3A_622 : memref<512x1x32xf32, #tpu.memory_space<hbm>>) target_semaphore(%run_scoped3A_611 : memref<!tpu.dma_semaphore, #tpu.memory_space<semaphore_mem>>)
      %dma_wait3A_628 = arith.constant 0 : i32
      %dma_wait3A_629 = arith.constant 0 : i32
      %dma_wait3A_630 = arith.constant 0 : i32
      %dma_wait3A_631 = tpu.memref_slice %arg7[%run_scoped3A_276, %dma_wait3A_628, %dma_wait3A_629, %dma_wait3A_630] : memref<2x512x1x32xf32, #tpu.memory_space<vmem>> -> memref<1x512x1x32xf32, #tpu.memory_space<vmem>>
      %dma_wait3A_632 = tpu.memref_squeeze %dma_wait3A_631 : memref<1x512x1x32xf32, #tpu.memory_space<vmem>> -> memref<512x1x32xf32, #tpu.memory_space<vmem>>
      %dma_wait3A_633 = arith.constant 10 : i32
      %dma_wait3A_634 = arith.constant 0 : i32
      %dma_wait3A_635 = tpu.memref_slice %arg4[%mul3A_2, %dma_wait3A_633, %dma_wait3A_634] : memref<16384x32x128xf32, #tpu.memory_space<hbm>> -> memref<512x1x32xf32, #tpu.memory_space<hbm>>
      %dma_wait3A_636 = arith.constant 10 : i32
      %dma_wait3A_637 = arith.constant 0 : i32
      %dma_wait3A_638 = tpu.memref_slice %arg4[%mul3A_2, %dma_wait3A_636, %dma_wait3A_637] : memref<16384x32x128xf32, #tpu.memory_space<hbm>> -> memref<512x1x32xf32, #tpu.memory_space<hbm>>
      %dma_wait3A_639 = arith.constant 0 : i32
      %dma_wait3A_640 = arith.constant 0 : i32
      %dma_wait3A_641 = arith.constant 0 : i32
      %dma_wait3A_642 = tpu.memref_slice %arg7[%run_scoped3A_276, %dma_wait3A_639, %dma_wait3A_640, %dma_wait3A_641] : memref<2x512x1x32xf32, #tpu.memory_space<vmem>> -> memref<1x512x1x32xf32, #tpu.memory_space<vmem>>
      %dma_wait3A_643 = tpu.memref_squeeze %dma_wait3A_642 : memref<1x512x1x32xf32, #tpu.memory_space<vmem>> -> memref<512x1x32xf32, #tpu.memory_space<vmem>>
      tpu.wait_dma2 semaphore(%run_scoped3A_611 : memref<!tpu.dma_semaphore, #tpu.memory_space<semaphore_mem>>) src(%dma_wait3A_643 : memref<512x1x32xf32, #tpu.memory_space<vmem>>) dst(%dma_wait3A_638 : memref<512x1x32xf32, #tpu.memory_space<hbm>>)
      tpu.yield
    }) : () -> ()
    %dma_start3A_277 = arith.constant 0 : i32
    %dma_start3A_278 = arith.constant 0 : i32
    %dma_start3A_279 = arith.constant 0 : i32
    %dma_start3A_280 = arith.constant 0 : i32
    %dma_start3A_281 = tpu.memref_slice %arg7[%dma_start3A_277, %dma_start3A_279, %dma_start3A_278, %dma_start3A_280] : memref<2x512x1x32xf32, #tpu.memory_space<vmem>> -> memref<1x512x1x32xf32, #tpu.memory_space<vmem>>
    %dma_start3A_282 = tpu.memref_squeeze %dma_start3A_281 : memref<1x512x1x32xf32, #tpu.memory_space<vmem>> -> memref<512x32xf32, #tpu.memory_space<vmem>>
    %dma_start3A_283 = arith.constant 6144 : i32
    %dma_start3A_284 = tpu.memref_slice %arg6[%dma_start3A_283] : memref<13312xi32, #tpu.memory_space<vmem>> -> memref<512xi32, #tpu.memory_space<vmem>>
    %dma_start3A_285 = arith.constant 0 : i32
    %dma_start3A_286 = arith.constant 0 : i32
    %dma_start3A_287 = tpu.memref_slice %arg2[%dma_start3A_285, %dma_start3A_286] : memref<1000000x32xf32, #tpu.memory_space<hbm>> -> memref<1000000x32xf32, #tpu.memory_space<hbm>>
    tpu.enqueue_indirect_dma source(%dma_start3A_287 : memref<1000000x32xf32, #tpu.memory_space<hbm>>) target(%dma_start3A_282 : memref<512x32xf32, #tpu.memory_space<vmem>>) offsets(%dma_start3A_284 : memref<512xi32, #tpu.memory_space<vmem>>) semaphore(%arg8 : memref<!tpu.dma_semaphore, #tpu.memory_space<semaphore_mem>>)
    %dma_wait3A_288 = arith.constant 1 : i32
    %dma_wait3A_289 = arith.constant 0 : i32
    %dma_wait3A_290 = arith.constant 0 : i32
    %dma_wait3A_291 = arith.constant 0 : i32
    %dma_wait3A_292 = tpu.memref_slice %arg7[%dma_wait3A_288, %dma_wait3A_290, %dma_wait3A_289, %dma_wait3A_291] : memref<2x512x1x32xf32, #tpu.memory_space<vmem>> -> memref<1x512x1x32xf32, #tpu.memory_space<vmem>>
    %dma_wait3A_293 = tpu.memref_squeeze %dma_wait3A_292 : memref<1x512x1x32xf32, #tpu.memory_space<vmem>> -> memref<512x32xf32, #tpu.memory_space<vmem>>
    %dma_wait3A_294 = arith.constant 5632 : i32
    %dma_wait3A_295 = tpu.memref_slice %arg6[%dma_wait3A_294] : memref<13312xi32, #tpu.memory_space<vmem>> -> memref<512xi32, #tpu.memory_space<vmem>>
    %dma_wait3A_296 = arith.constant 0 : i32
    %dma_wait3A_297 = arith.constant 0 : i32
    %dma_wait3A_298 = tpu.memref_slice %arg2[%dma_wait3A_296, %dma_wait3A_297] : memref<1000000x32xf32, #tpu.memory_space<hbm>> -> memref<1000000x32xf32, #tpu.memory_space<hbm>>
    tpu.wait_indirect_dma semaphore(%arg9 : memref<!tpu.dma_semaphore, #tpu.memory_space<semaphore_mem>>) src(%dma_wait3A_298 : memref<1000000x32xf32, #tpu.memory_space<hbm>>) dst(%dma_wait3A_293 : memref<512x32xf32, #tpu.memory_space<vmem>>)
    %run_scoped3A_299 = arith.constant 1 : i32
    "tpu.region"() ({
      %run_scoped3A_611 = tpu.sem_alloc : memref<!tpu.dma_semaphore, #tpu.memory_space<semaphore_mem>>
      %dma_start3A_612 = arith.constant 0 : i32
      %dma_start3A_613 = arith.constant 0 : i32
      %dma_start3A_614 = arith.constant 0 : i32
      %dma_start3A_615 = tpu.memref_slice %arg7[%run_scoped3A_299, %dma_start3A_612, %dma_start3A_613, %dma_start3A_614] : memref<2x512x1x32xf32, #tpu.memory_space<vmem>> -> memref<1x512x1x32xf32, #tpu.memory_space<vmem>>
      %dma_start3A_616 = tpu.memref_squeeze %dma_start3A_615 : memref<1x512x1x32xf32, #tpu.memory_space<vmem>> -> memref<512x1x32xf32, #tpu.memory_space<vmem>>
      %dma_start3A_617 = arith.constant 11 : i32
      %dma_start3A_618 = arith.constant 0 : i32
      %dma_start3A_619 = tpu.memref_slice %arg4[%mul3A_2, %dma_start3A_617, %dma_start3A_618] : memref<16384x32x128xf32, #tpu.memory_space<hbm>> -> memref<512x1x32xf32, #tpu.memory_space<hbm>>
      %dma_start3A_620 = arith.constant 11 : i32
      %dma_start3A_621 = arith.constant 0 : i32
      %dma_start3A_622 = tpu.memref_slice %arg4[%mul3A_2, %dma_start3A_620, %dma_start3A_621] : memref<16384x32x128xf32, #tpu.memory_space<hbm>> -> memref<512x1x32xf32, #tpu.memory_space<hbm>>
      %dma_start3A_623 = arith.constant 0 : i32
      %dma_start3A_624 = arith.constant 0 : i32
      %dma_start3A_625 = arith.constant 0 : i32
      %dma_start3A_626 = tpu.memref_slice %arg7[%run_scoped3A_299, %dma_start3A_623, %dma_start3A_624, %dma_start3A_625] : memref<2x512x1x32xf32, #tpu.memory_space<vmem>> -> memref<1x512x1x32xf32, #tpu.memory_space<vmem>>
      %dma_start3A_627 = tpu.memref_squeeze %dma_start3A_626 : memref<1x512x1x32xf32, #tpu.memory_space<vmem>> -> memref<512x1x32xf32, #tpu.memory_space<vmem>>
      tpu.enqueue_dma source(%dma_start3A_627 : memref<512x1x32xf32, #tpu.memory_space<vmem>>) target(%dma_start3A_622 : memref<512x1x32xf32, #tpu.memory_space<hbm>>) target_semaphore(%run_scoped3A_611 : memref<!tpu.dma_semaphore, #tpu.memory_space<semaphore_mem>>)
      %dma_wait3A_628 = arith.constant 0 : i32
      %dma_wait3A_629 = arith.constant 0 : i32
      %dma_wait3A_630 = arith.constant 0 : i32
      %dma_wait3A_631 = tpu.memref_slice %arg7[%run_scoped3A_299, %dma_wait3A_628, %dma_wait3A_629, %dma_wait3A_630] : memref<2x512x1x32xf32, #tpu.memory_space<vmem>> -> memref<1x512x1x32xf32, #tpu.memory_space<vmem>>
      %dma_wait3A_632 = tpu.memref_squeeze %dma_wait3A_631 : memref<1x512x1x32xf32, #tpu.memory_space<vmem>> -> memref<512x1x32xf32, #tpu.memory_space<vmem>>
      %dma_wait3A_633 = arith.constant 11 : i32
      %dma_wait3A_634 = arith.constant 0 : i32
      %dma_wait3A_635 = tpu.memref_slice %arg4[%mul3A_2, %dma_wait3A_633, %dma_wait3A_634] : memref<16384x32x128xf32, #tpu.memory_space<hbm>> -> memref<512x1x32xf32, #tpu.memory_space<hbm>>
      %dma_wait3A_636 = arith.constant 11 : i32
      %dma_wait3A_637 = arith.constant 0 : i32
      %dma_wait3A_638 = tpu.memref_slice %arg4[%mul3A_2, %dma_wait3A_636, %dma_wait3A_637] : memref<16384x32x128xf32, #tpu.memory_space<hbm>> -> memref<512x1x32xf32, #tpu.memory_space<hbm>>
      %dma_wait3A_639 = arith.constant 0 : i32
      %dma_wait3A_640 = arith.constant 0 : i32
      %dma_wait3A_641 = arith.constant 0 : i32
      %dma_wait3A_642 = tpu.memref_slice %arg7[%run_scoped3A_299, %dma_wait3A_639, %dma_wait3A_640, %dma_wait3A_641] : memref<2x512x1x32xf32, #tpu.memory_space<vmem>> -> memref<1x512x1x32xf32, #tpu.memory_space<vmem>>
      %dma_wait3A_643 = tpu.memref_squeeze %dma_wait3A_642 : memref<1x512x1x32xf32, #tpu.memory_space<vmem>> -> memref<512x1x32xf32, #tpu.memory_space<vmem>>
      tpu.wait_dma2 semaphore(%run_scoped3A_611 : memref<!tpu.dma_semaphore, #tpu.memory_space<semaphore_mem>>) src(%dma_wait3A_643 : memref<512x1x32xf32, #tpu.memory_space<vmem>>) dst(%dma_wait3A_638 : memref<512x1x32xf32, #tpu.memory_space<hbm>>)
      tpu.yield
    }) : () -> ()
    %dma_start3A_300 = arith.constant 1 : i32
    %dma_start3A_301 = arith.constant 0 : i32
    %dma_start3A_302 = arith.constant 0 : i32
    %dma_start3A_303 = arith.constant 0 : i32
    %dma_start3A_304 = tpu.memref_slice %arg7[%dma_start3A_300, %dma_start3A_302, %dma_start3A_301, %dma_start3A_303] : memref<2x512x1x32xf32, #tpu.memory_space<vmem>> -> memref<1x512x1x32xf32, #tpu.memory_space<vmem>>
    %dma_start3A_305 = tpu.memref_squeeze %dma_start3A_304 : memref<1x512x1x32xf32, #tpu.memory_space<vmem>> -> memref<512x32xf32, #tpu.memory_space<vmem>>
    %dma_start3A_306 = arith.constant 6656 : i32
    %dma_start3A_307 = tpu.memref_slice %arg6[%dma_start3A_306] : memref<13312xi32, #tpu.memory_space<vmem>> -> memref<512xi32, #tpu.memory_space<vmem>>
    %dma_start3A_308 = arith.constant 0 : i32
    %dma_start3A_309 = arith.constant 0 : i32
    %dma_start3A_310 = tpu.memref_slice %arg2[%dma_start3A_308, %dma_start3A_309] : memref<1000000x32xf32, #tpu.memory_space<hbm>> -> memref<1000000x32xf32, #tpu.memory_space<hbm>>
    tpu.enqueue_indirect_dma source(%dma_start3A_310 : memref<1000000x32xf32, #tpu.memory_space<hbm>>) target(%dma_start3A_305 : memref<512x32xf32, #tpu.memory_space<vmem>>) offsets(%dma_start3A_307 : memref<512xi32, #tpu.memory_space<vmem>>) semaphore(%arg9 : memref<!tpu.dma_semaphore, #tpu.memory_space<semaphore_mem>>)
    %dma_wait3A_311 = arith.constant 0 : i32
    %dma_wait3A_312 = arith.constant 0 : i32
    %dma_wait3A_313 = arith.constant 0 : i32
    %dma_wait3A_314 = arith.constant 0 : i32
    %dma_wait3A_315 = tpu.memref_slice %arg7[%dma_wait3A_311, %dma_wait3A_313, %dma_wait3A_312, %dma_wait3A_314] : memref<2x512x1x32xf32, #tpu.memory_space<vmem>> -> memref<1x512x1x32xf32, #tpu.memory_space<vmem>>
    %dma_wait3A_316 = tpu.memref_squeeze %dma_wait3A_315 : memref<1x512x1x32xf32, #tpu.memory_space<vmem>> -> memref<512x32xf32, #tpu.memory_space<vmem>>
    %dma_wait3A_317 = arith.constant 6144 : i32
    %dma_wait3A_318 = tpu.memref_slice %arg6[%dma_wait3A_317] : memref<13312xi32, #tpu.memory_space<vmem>> -> memref<512xi32, #tpu.memory_space<vmem>>
    %dma_wait3A_319 = arith.constant 0 : i32
    %dma_wait3A_320 = arith.constant 0 : i32
    %dma_wait3A_321 = tpu.memref_slice %arg2[%dma_wait3A_319, %dma_wait3A_320] : memref<1000000x32xf32, #tpu.memory_space<hbm>> -> memref<1000000x32xf32, #tpu.memory_space<hbm>>
    tpu.wait_indirect_dma semaphore(%arg8 : memref<!tpu.dma_semaphore, #tpu.memory_space<semaphore_mem>>) src(%dma_wait3A_321 : memref<1000000x32xf32, #tpu.memory_space<hbm>>) dst(%dma_wait3A_316 : memref<512x32xf32, #tpu.memory_space<vmem>>)
    %run_scoped3A_322 = arith.constant 0 : i32
    "tpu.region"() ({
      %run_scoped3A_611 = tpu.sem_alloc : memref<!tpu.dma_semaphore, #tpu.memory_space<semaphore_mem>>
      %dma_start3A_612 = arith.constant 0 : i32
      %dma_start3A_613 = arith.constant 0 : i32
      %dma_start3A_614 = arith.constant 0 : i32
      %dma_start3A_615 = tpu.memref_slice %arg7[%run_scoped3A_322, %dma_start3A_612, %dma_start3A_613, %dma_start3A_614] : memref<2x512x1x32xf32, #tpu.memory_space<vmem>> -> memref<1x512x1x32xf32, #tpu.memory_space<vmem>>
      %dma_start3A_616 = tpu.memref_squeeze %dma_start3A_615 : memref<1x512x1x32xf32, #tpu.memory_space<vmem>> -> memref<512x1x32xf32, #tpu.memory_space<vmem>>
      %dma_start3A_617 = arith.constant 12 : i32
      %dma_start3A_618 = arith.constant 0 : i32
      %dma_start3A_619 = tpu.memref_slice %arg4[%mul3A_2, %dma_start3A_617, %dma_start3A_618] : memref<16384x32x128xf32, #tpu.memory_space<hbm>> -> memref<512x1x32xf32, #tpu.memory_space<hbm>>
      %dma_start3A_620 = arith.constant 12 : i32
      %dma_start3A_621 = arith.constant 0 : i32
      %dma_start3A_622 = tpu.memref_slice %arg4[%mul3A_2, %dma_start3A_620, %dma_start3A_621] : memref<16384x32x128xf32, #tpu.memory_space<hbm>> -> memref<512x1x32xf32, #tpu.memory_space<hbm>>
      %dma_start3A_623 = arith.constant 0 : i32
      %dma_start3A_624 = arith.constant 0 : i32
      %dma_start3A_625 = arith.constant 0 : i32
      %dma_start3A_626 = tpu.memref_slice %arg7[%run_scoped3A_322, %dma_start3A_623, %dma_start3A_624, %dma_start3A_625] : memref<2x512x1x32xf32, #tpu.memory_space<vmem>> -> memref<1x512x1x32xf32, #tpu.memory_space<vmem>>
      %dma_start3A_627 = tpu.memref_squeeze %dma_start3A_626 : memref<1x512x1x32xf32, #tpu.memory_space<vmem>> -> memref<512x1x32xf32, #tpu.memory_space<vmem>>
      tpu.enqueue_dma source(%dma_start3A_627 : memref<512x1x32xf32, #tpu.memory_space<vmem>>) target(%dma_start3A_622 : memref<512x1x32xf32, #tpu.memory_space<hbm>>) target_semaphore(%run_scoped3A_611 : memref<!tpu.dma_semaphore, #tpu.memory_space<semaphore_mem>>)
      %dma_wait3A_628 = arith.constant 0 : i32
      %dma_wait3A_629 = arith.constant 0 : i32
      %dma_wait3A_630 = arith.constant 0 : i32
      %dma_wait3A_631 = tpu.memref_slice %arg7[%run_scoped3A_322, %dma_wait3A_628, %dma_wait3A_629, %dma_wait3A_630] : memref<2x512x1x32xf32, #tpu.memory_space<vmem>> -> memref<1x512x1x32xf32, #tpu.memory_space<vmem>>
      %dma_wait3A_632 = tpu.memref_squeeze %dma_wait3A_631 : memref<1x512x1x32xf32, #tpu.memory_space<vmem>> -> memref<512x1x32xf32, #tpu.memory_space<vmem>>
      %dma_wait3A_633 = arith.constant 12 : i32
      %dma_wait3A_634 = arith.constant 0 : i32
      %dma_wait3A_635 = tpu.memref_slice %arg4[%mul3A_2, %dma_wait3A_633, %dma_wait3A_634] : memref<16384x32x128xf32, #tpu.memory_space<hbm>> -> memref<512x1x32xf32, #tpu.memory_space<hbm>>
      %dma_wait3A_636 = arith.constant 12 : i32
      %dma_wait3A_637 = arith.constant 0 : i32
      %dma_wait3A_638 = tpu.memref_slice %arg4[%mul3A_2, %dma_wait3A_636, %dma_wait3A_637] : memref<16384x32x128xf32, #tpu.memory_space<hbm>> -> memref<512x1x32xf32, #tpu.memory_space<hbm>>
      %dma_wait3A_639 = arith.constant 0 : i32
      %dma_wait3A_640 = arith.constant 0 : i32
      %dma_wait3A_641 = arith.constant 0 : i32
      %dma_wait3A_642 = tpu.memref_slice %arg7[%run_scoped3A_322, %dma_wait3A_639, %dma_wait3A_640, %dma_wait3A_641] : memref<2x512x1x32xf32, #tpu.memory_space<vmem>> -> memref<1x512x1x32xf32, #tpu.memory_space<vmem>>
      %dma_wait3A_643 = tpu.memref_squeeze %dma_wait3A_642 : memref<1x512x1x32xf32, #tpu.memory_space<vmem>> -> memref<512x1x32xf32, #tpu.memory_space<vmem>>
      tpu.wait_dma2 semaphore(%run_scoped3A_611 : memref<!tpu.dma_semaphore, #tpu.memory_space<semaphore_mem>>) src(%dma_wait3A_643 : memref<512x1x32xf32, #tpu.memory_space<vmem>>) dst(%dma_wait3A_638 : memref<512x1x32xf32, #tpu.memory_space<hbm>>)
      tpu.yield
    }) : () -> ()
    %dma_start3A_323 = arith.constant 0 : i32
    %dma_start3A_324 = arith.constant 0 : i32
    %dma_start3A_325 = arith.constant 0 : i32
    %dma_start3A_326 = arith.constant 0 : i32
    %dma_start3A_327 = tpu.memref_slice %arg7[%dma_start3A_323, %dma_start3A_325, %dma_start3A_324, %dma_start3A_326] : memref<2x512x1x32xf32, #tpu.memory_space<vmem>> -> memref<1x512x1x32xf32, #tpu.memory_space<vmem>>
    %dma_start3A_328 = tpu.memref_squeeze %dma_start3A_327 : memref<1x512x1x32xf32, #tpu.memory_space<vmem>> -> memref<512x32xf32, #tpu.memory_space<vmem>>
    %dma_start3A_329 = arith.constant 7168 : i32
    %dma_start3A_330 = tpu.memref_slice %arg6[%dma_start3A_329] : memref<13312xi32, #tpu.memory_space<vmem>> -> memref<512xi32, #tpu.memory_space<vmem>>
    %dma_start3A_331 = arith.constant 0 : i32
    %dma_start3A_332 = arith.constant 0 : i32
    %dma_start3A_333 = tpu.memref_slice %arg2[%dma_start3A_331, %dma_start3A_332] : memref<1000000x32xf32, #tpu.memory_space<hbm>> -> memref<1000000x32xf32, #tpu.memory_space<hbm>>
    tpu.enqueue_indirect_dma source(%dma_start3A_333 : memref<1000000x32xf32, #tpu.memory_space<hbm>>) target(%dma_start3A_328 : memref<512x32xf32, #tpu.memory_space<vmem>>) offsets(%dma_start3A_330 : memref<512xi32, #tpu.memory_space<vmem>>) semaphore(%arg8 : memref<!tpu.dma_semaphore, #tpu.memory_space<semaphore_mem>>)
    %dma_wait3A_334 = arith.constant 1 : i32
    %dma_wait3A_335 = arith.constant 0 : i32
    %dma_wait3A_336 = arith.constant 0 : i32
    %dma_wait3A_337 = arith.constant 0 : i32
    %dma_wait3A_338 = tpu.memref_slice %arg7[%dma_wait3A_334, %dma_wait3A_336, %dma_wait3A_335, %dma_wait3A_337] : memref<2x512x1x32xf32, #tpu.memory_space<vmem>> -> memref<1x512x1x32xf32, #tpu.memory_space<vmem>>
    %dma_wait3A_339 = tpu.memref_squeeze %dma_wait3A_338 : memref<1x512x1x32xf32, #tpu.memory_space<vmem>> -> memref<512x32xf32, #tpu.memory_space<vmem>>
    %dma_wait3A_340 = arith.constant 6656 : i32
    %dma_wait3A_341 = tpu.memref_slice %arg6[%dma_wait3A_340] : memref<13312xi32, #tpu.memory_space<vmem>> -> memref<512xi32, #tpu.memory_space<vmem>>
    %dma_wait3A_342 = arith.constant 0 : i32
    %dma_wait3A_343 = arith.constant 0 : i32
    %dma_wait3A_344 = tpu.memref_slice %arg2[%dma_wait3A_342, %dma_wait3A_343] : memref<1000000x32xf32, #tpu.memory_space<hbm>> -> memref<1000000x32xf32, #tpu.memory_space<hbm>>
    tpu.wait_indirect_dma semaphore(%arg9 : memref<!tpu.dma_semaphore, #tpu.memory_space<semaphore_mem>>) src(%dma_wait3A_344 : memref<1000000x32xf32, #tpu.memory_space<hbm>>) dst(%dma_wait3A_339 : memref<512x32xf32, #tpu.memory_space<vmem>>)
    %run_scoped3A_345 = arith.constant 1 : i32
    "tpu.region"() ({
      %run_scoped3A_611 = tpu.sem_alloc : memref<!tpu.dma_semaphore, #tpu.memory_space<semaphore_mem>>
      %dma_start3A_612 = arith.constant 0 : i32
      %dma_start3A_613 = arith.constant 0 : i32
      %dma_start3A_614 = arith.constant 0 : i32
      %dma_start3A_615 = tpu.memref_slice %arg7[%run_scoped3A_345, %dma_start3A_612, %dma_start3A_613, %dma_start3A_614] : memref<2x512x1x32xf32, #tpu.memory_space<vmem>> -> memref<1x512x1x32xf32, #tpu.memory_space<vmem>>
      %dma_start3A_616 = tpu.memref_squeeze %dma_start3A_615 : memref<1x512x1x32xf32, #tpu.memory_space<vmem>> -> memref<512x1x32xf32, #tpu.memory_space<vmem>>
      %dma_start3A_617 = arith.constant 13 : i32
      %dma_start3A_618 = arith.constant 0 : i32
      %dma_start3A_619 = tpu.memref_slice %arg4[%mul3A_2, %dma_start3A_617, %dma_start3A_618] : memref<16384x32x128xf32, #tpu.memory_space<hbm>> -> memref<512x1x32xf32, #tpu.memory_space<hbm>>
      %dma_start3A_620 = arith.constant 13 : i32
      %dma_start3A_621 = arith.constant 0 : i32
      %dma_start3A_622 = tpu.memref_slice %arg4[%mul3A_2, %dma_start3A_620, %dma_start3A_621] : memref<16384x32x128xf32, #tpu.memory_space<hbm>> -> memref<512x1x32xf32, #tpu.memory_space<hbm>>
      %dma_start3A_623 = arith.constant 0 : i32
      %dma_start3A_624 = arith.constant 0 : i32
      %dma_start3A_625 = arith.constant 0 : i32
      %dma_start3A_626 = tpu.memref_slice %arg7[%run_scoped3A_345, %dma_start3A_623, %dma_start3A_624, %dma_start3A_625] : memref<2x512x1x32xf32, #tpu.memory_space<vmem>> -> memref<1x512x1x32xf32, #tpu.memory_space<vmem>>
      %dma_start3A_627 = tpu.memref_squeeze %dma_start3A_626 : memref<1x512x1x32xf32, #tpu.memory_space<vmem>> -> memref<512x1x32xf32, #tpu.memory_space<vmem>>
      tpu.enqueue_dma source(%dma_start3A_627 : memref<512x1x32xf32, #tpu.memory_space<vmem>>) target(%dma_start3A_622 : memref<512x1x32xf32, #tpu.memory_space<hbm>>) target_semaphore(%run_scoped3A_611 : memref<!tpu.dma_semaphore, #tpu.memory_space<semaphore_mem>>)
      %dma_wait3A_628 = arith.constant 0 : i32
      %dma_wait3A_629 = arith.constant 0 : i32
      %dma_wait3A_630 = arith.constant 0 : i32
      %dma_wait3A_631 = tpu.memref_slice %arg7[%run_scoped3A_345, %dma_wait3A_628, %dma_wait3A_629, %dma_wait3A_630] : memref<2x512x1x32xf32, #tpu.memory_space<vmem>> -> memref<1x512x1x32xf32, #tpu.memory_space<vmem>>
      %dma_wait3A_632 = tpu.memref_squeeze %dma_wait3A_631 : memref<1x512x1x32xf32, #tpu.memory_space<vmem>> -> memref<512x1x32xf32, #tpu.memory_space<vmem>>
      %dma_wait3A_633 = arith.constant 13 : i32
      %dma_wait3A_634 = arith.constant 0 : i32
      %dma_wait3A_635 = tpu.memref_slice %arg4[%mul3A_2, %dma_wait3A_633, %dma_wait3A_634] : memref<16384x32x128xf32, #tpu.memory_space<hbm>> -> memref<512x1x32xf32, #tpu.memory_space<hbm>>
      %dma_wait3A_636 = arith.constant 13 : i32
      %dma_wait3A_637 = arith.constant 0 : i32
      %dma_wait3A_638 = tpu.memref_slice %arg4[%mul3A_2, %dma_wait3A_636, %dma_wait3A_637] : memref<16384x32x128xf32, #tpu.memory_space<hbm>> -> memref<512x1x32xf32, #tpu.memory_space<hbm>>
      %dma_wait3A_639 = arith.constant 0 : i32
      %dma_wait3A_640 = arith.constant 0 : i32
      %dma_wait3A_641 = arith.constant 0 : i32
      %dma_wait3A_642 = tpu.memref_slice %arg7[%run_scoped3A_345, %dma_wait3A_639, %dma_wait3A_640, %dma_wait3A_641] : memref<2x512x1x32xf32, #tpu.memory_space<vmem>> -> memref<1x512x1x32xf32, #tpu.memory_space<vmem>>
      %dma_wait3A_643 = tpu.memref_squeeze %dma_wait3A_642 : memref<1x512x1x32xf32, #tpu.memory_space<vmem>> -> memref<512x1x32xf32, #tpu.memory_space<vmem>>
      tpu.wait_dma2 semaphore(%run_scoped3A_611 : memref<!tpu.dma_semaphore, #tpu.memory_space<semaphore_mem>>) src(%dma_wait3A_643 : memref<512x1x32xf32, #tpu.memory_space<vmem>>) dst(%dma_wait3A_638 : memref<512x1x32xf32, #tpu.memory_space<hbm>>)
      tpu.yield
    }) : () -> ()
    %dma_start3A_346 = arith.constant 1 : i32
    %dma_start3A_347 = arith.constant 0 : i32
    %dma_start3A_348 = arith.constant 0 : i32
    %dma_start3A_349 = arith.constant 0 : i32
    %dma_start3A_350 = tpu.memref_slice %arg7[%dma_start3A_346, %dma_start3A_348, %dma_start3A_347, %dma_start3A_349] : memref<2x512x1x32xf32, #tpu.memory_space<vmem>> -> memref<1x512x1x32xf32, #tpu.memory_space<vmem>>
    %dma_start3A_351 = tpu.memref_squeeze %dma_start3A_350 : memref<1x512x1x32xf32, #tpu.memory_space<vmem>> -> memref<512x32xf32, #tpu.memory_space<vmem>>
    %dma_start3A_352 = arith.constant 7680 : i32
    %dma_start3A_353 = tpu.memref_slice %arg6[%dma_start3A_352] : memref<13312xi32, #tpu.memory_space<vmem>> -> memref<512xi32, #tpu.memory_space<vmem>>
    %dma_start3A_354 = arith.constant 0 : i32
    %dma_start3A_355 = arith.constant 0 : i32
    %dma_start3A_356 = tpu.memref_slice %arg2[%dma_start3A_354, %dma_start3A_355] : memref<1000000x32xf32, #tpu.memory_space<hbm>> -> memref<1000000x32xf32, #tpu.memory_space<hbm>>
    tpu.enqueue_indirect_dma source(%dma_start3A_356 : memref<1000000x32xf32, #tpu.memory_space<hbm>>) target(%dma_start3A_351 : memref<512x32xf32, #tpu.memory_space<vmem>>) offsets(%dma_start3A_353 : memref<512xi32, #tpu.memory_space<vmem>>) semaphore(%arg9 : memref<!tpu.dma_semaphore, #tpu.memory_space<semaphore_mem>>)
    %dma_wait3A_357 = arith.constant 0 : i32
    %dma_wait3A_358 = arith.constant 0 : i32
    %dma_wait3A_359 = arith.constant 0 : i32
    %dma_wait3A_360 = arith.constant 0 : i32
    %dma_wait3A_361 = tpu.memref_slice %arg7[%dma_wait3A_357, %dma_wait3A_359, %dma_wait3A_358, %dma_wait3A_360] : memref<2x512x1x32xf32, #tpu.memory_space<vmem>> -> memref<1x512x1x32xf32, #tpu.memory_space<vmem>>
    %dma_wait3A_362 = tpu.memref_squeeze %dma_wait3A_361 : memref<1x512x1x32xf32, #tpu.memory_space<vmem>> -> memref<512x32xf32, #tpu.memory_space<vmem>>
    %dma_wait3A_363 = arith.constant 7168 : i32
    %dma_wait3A_364 = tpu.memref_slice %arg6[%dma_wait3A_363] : memref<13312xi32, #tpu.memory_space<vmem>> -> memref<512xi32, #tpu.memory_space<vmem>>
    %dma_wait3A_365 = arith.constant 0 : i32
    %dma_wait3A_366 = arith.constant 0 : i32
    %dma_wait3A_367 = tpu.memref_slice %arg2[%dma_wait3A_365, %dma_wait3A_366] : memref<1000000x32xf32, #tpu.memory_space<hbm>> -> memref<1000000x32xf32, #tpu.memory_space<hbm>>
    tpu.wait_indirect_dma semaphore(%arg8 : memref<!tpu.dma_semaphore, #tpu.memory_space<semaphore_mem>>) src(%dma_wait3A_367 : memref<1000000x32xf32, #tpu.memory_space<hbm>>) dst(%dma_wait3A_362 : memref<512x32xf32, #tpu.memory_space<vmem>>)
    %run_scoped3A_368 = arith.constant 0 : i32
    "tpu.region"() ({
      %run_scoped3A_611 = tpu.sem_alloc : memref<!tpu.dma_semaphore, #tpu.memory_space<semaphore_mem>>
      %dma_start3A_612 = arith.constant 0 : i32
      %dma_start3A_613 = arith.constant 0 : i32
      %dma_start3A_614 = arith.constant 0 : i32
      %dma_start3A_615 = tpu.memref_slice %arg7[%run_scoped3A_368, %dma_start3A_612, %dma_start3A_613, %dma_start3A_614] : memref<2x512x1x32xf32, #tpu.memory_space<vmem>> -> memref<1x512x1x32xf32, #tpu.memory_space<vmem>>
      %dma_start3A_616 = tpu.memref_squeeze %dma_start3A_615 : memref<1x512x1x32xf32, #tpu.memory_space<vmem>> -> memref<512x1x32xf32, #tpu.memory_space<vmem>>
      %dma_start3A_617 = arith.constant 14 : i32
      %dma_start3A_618 = arith.constant 0 : i32
      %dma_start3A_619 = tpu.memref_slice %arg4[%mul3A_2, %dma_start3A_617, %dma_start3A_618] : memref<16384x32x128xf32, #tpu.memory_space<hbm>> -> memref<512x1x32xf32, #tpu.memory_space<hbm>>
      %dma_start3A_620 = arith.constant 14 : i32
      %dma_start3A_621 = arith.constant 0 : i32
      %dma_start3A_622 = tpu.memref_slice %arg4[%mul3A_2, %dma_start3A_620, %dma_start3A_621] : memref<16384x32x128xf32, #tpu.memory_space<hbm>> -> memref<512x1x32xf32, #tpu.memory_space<hbm>>
      %dma_start3A_623 = arith.constant 0 : i32
      %dma_start3A_624 = arith.constant 0 : i32
      %dma_start3A_625 = arith.constant 0 : i32
      %dma_start3A_626 = tpu.memref_slice %arg7[%run_scoped3A_368, %dma_start3A_623, %dma_start3A_624, %dma_start3A_625] : memref<2x512x1x32xf32, #tpu.memory_space<vmem>> -> memref<1x512x1x32xf32, #tpu.memory_space<vmem>>
      %dma_start3A_627 = tpu.memref_squeeze %dma_start3A_626 : memref<1x512x1x32xf32, #tpu.memory_space<vmem>> -> memref<512x1x32xf32, #tpu.memory_space<vmem>>
      tpu.enqueue_dma source(%dma_start3A_627 : memref<512x1x32xf32, #tpu.memory_space<vmem>>) target(%dma_start3A_622 : memref<512x1x32xf32, #tpu.memory_space<hbm>>) target_semaphore(%run_scoped3A_611 : memref<!tpu.dma_semaphore, #tpu.memory_space<semaphore_mem>>)
      %dma_wait3A_628 = arith.constant 0 : i32
      %dma_wait3A_629 = arith.constant 0 : i32
      %dma_wait3A_630 = arith.constant 0 : i32
      %dma_wait3A_631 = tpu.memref_slice %arg7[%run_scoped3A_368, %dma_wait3A_628, %dma_wait3A_629, %dma_wait3A_630] : memref<2x512x1x32xf32, #tpu.memory_space<vmem>> -> memref<1x512x1x32xf32, #tpu.memory_space<vmem>>
      %dma_wait3A_632 = tpu.memref_squeeze %dma_wait3A_631 : memref<1x512x1x32xf32, #tpu.memory_space<vmem>> -> memref<512x1x32xf32, #tpu.memory_space<vmem>>
      %dma_wait3A_633 = arith.constant 14 : i32
      %dma_wait3A_634 = arith.constant 0 : i32
      %dma_wait3A_635 = tpu.memref_slice %arg4[%mul3A_2, %dma_wait3A_633, %dma_wait3A_634] : memref<16384x32x128xf32, #tpu.memory_space<hbm>> -> memref<512x1x32xf32, #tpu.memory_space<hbm>>
      %dma_wait3A_636 = arith.constant 14 : i32
      %dma_wait3A_637 = arith.constant 0 : i32
      %dma_wait3A_638 = tpu.memref_slice %arg4[%mul3A_2, %dma_wait3A_636, %dma_wait3A_637] : memref<16384x32x128xf32, #tpu.memory_space<hbm>> -> memref<512x1x32xf32, #tpu.memory_space<hbm>>
      %dma_wait3A_639 = arith.constant 0 : i32
      %dma_wait3A_640 = arith.constant 0 : i32
      %dma_wait3A_641 = arith.constant 0 : i32
      %dma_wait3A_642 = tpu.memref_slice %arg7[%run_scoped3A_368, %dma_wait3A_639, %dma_wait3A_640, %dma_wait3A_641] : memref<2x512x1x32xf32, #tpu.memory_space<vmem>> -> memref<1x512x1x32xf32, #tpu.memory_space<vmem>>
      %dma_wait3A_643 = tpu.memref_squeeze %dma_wait3A_642 : memref<1x512x1x32xf32, #tpu.memory_space<vmem>> -> memref<512x1x32xf32, #tpu.memory_space<vmem>>
      tpu.wait_dma2 semaphore(%run_scoped3A_611 : memref<!tpu.dma_semaphore, #tpu.memory_space<semaphore_mem>>) src(%dma_wait3A_643 : memref<512x1x32xf32, #tpu.memory_space<vmem>>) dst(%dma_wait3A_638 : memref<512x1x32xf32, #tpu.memory_space<hbm>>)
      tpu.yield
    }) : () -> ()
    %dma_start3A_369 = arith.constant 0 : i32
    %dma_start3A_370 = arith.constant 0 : i32
    %dma_start3A_371 = arith.constant 0 : i32
    %dma_start3A_372 = arith.constant 0 : i32
    %dma_start3A_373 = tpu.memref_slice %arg7[%dma_start3A_369, %dma_start3A_371, %dma_start3A_370, %dma_start3A_372] : memref<2x512x1x32xf32, #tpu.memory_space<vmem>> -> memref<1x512x1x32xf32, #tpu.memory_space<vmem>>
    %dma_start3A_374 = tpu.memref_squeeze %dma_start3A_373 : memref<1x512x1x32xf32, #tpu.memory_space<vmem>> -> memref<512x32xf32, #tpu.memory_space<vmem>>
    %dma_start3A_375 = arith.constant 8192 : i32
    %dma_start3A_376 = tpu.memref_slice %arg6[%dma_start3A_375] : memref<13312xi32, #tpu.memory_space<vmem>> -> memref<512xi32, #tpu.memory_space<vmem>>
    %dma_start3A_377 = arith.constant 0 : i32
    %dma_start3A_378 = arith.constant 0 : i32
    %dma_start3A_379 = tpu.memref_slice %arg2[%dma_start3A_377, %dma_start3A_378] : memref<1000000x32xf32, #tpu.memory_space<hbm>> -> memref<1000000x32xf32, #tpu.memory_space<hbm>>
    tpu.enqueue_indirect_dma source(%dma_start3A_379 : memref<1000000x32xf32, #tpu.memory_space<hbm>>) target(%dma_start3A_374 : memref<512x32xf32, #tpu.memory_space<vmem>>) offsets(%dma_start3A_376 : memref<512xi32, #tpu.memory_space<vmem>>) semaphore(%arg8 : memref<!tpu.dma_semaphore, #tpu.memory_space<semaphore_mem>>)
    %dma_wait3A_380 = arith.constant 1 : i32
    %dma_wait3A_381 = arith.constant 0 : i32
    %dma_wait3A_382 = arith.constant 0 : i32
    %dma_wait3A_383 = arith.constant 0 : i32
    %dma_wait3A_384 = tpu.memref_slice %arg7[%dma_wait3A_380, %dma_wait3A_382, %dma_wait3A_381, %dma_wait3A_383] : memref<2x512x1x32xf32, #tpu.memory_space<vmem>> -> memref<1x512x1x32xf32, #tpu.memory_space<vmem>>
    %dma_wait3A_385 = tpu.memref_squeeze %dma_wait3A_384 : memref<1x512x1x32xf32, #tpu.memory_space<vmem>> -> memref<512x32xf32, #tpu.memory_space<vmem>>
    %dma_wait3A_386 = arith.constant 7680 : i32
    %dma_wait3A_387 = tpu.memref_slice %arg6[%dma_wait3A_386] : memref<13312xi32, #tpu.memory_space<vmem>> -> memref<512xi32, #tpu.memory_space<vmem>>
    %dma_wait3A_388 = arith.constant 0 : i32
    %dma_wait3A_389 = arith.constant 0 : i32
    %dma_wait3A_390 = tpu.memref_slice %arg2[%dma_wait3A_388, %dma_wait3A_389] : memref<1000000x32xf32, #tpu.memory_space<hbm>> -> memref<1000000x32xf32, #tpu.memory_space<hbm>>
    tpu.wait_indirect_dma semaphore(%arg9 : memref<!tpu.dma_semaphore, #tpu.memory_space<semaphore_mem>>) src(%dma_wait3A_390 : memref<1000000x32xf32, #tpu.memory_space<hbm>>) dst(%dma_wait3A_385 : memref<512x32xf32, #tpu.memory_space<vmem>>)
    %run_scoped3A_391 = arith.constant 1 : i32
    "tpu.region"() ({
      %run_scoped3A_611 = tpu.sem_alloc : memref<!tpu.dma_semaphore, #tpu.memory_space<semaphore_mem>>
      %dma_start3A_612 = arith.constant 0 : i32
      %dma_start3A_613 = arith.constant 0 : i32
      %dma_start3A_614 = arith.constant 0 : i32
      %dma_start3A_615 = tpu.memref_slice %arg7[%run_scoped3A_391, %dma_start3A_612, %dma_start3A_613, %dma_start3A_614] : memref<2x512x1x32xf32, #tpu.memory_space<vmem>> -> memref<1x512x1x32xf32, #tpu.memory_space<vmem>>
      %dma_start3A_616 = tpu.memref_squeeze %dma_start3A_615 : memref<1x512x1x32xf32, #tpu.memory_space<vmem>> -> memref<512x1x32xf32, #tpu.memory_space<vmem>>
      %dma_start3A_617 = arith.constant 15 : i32
      %dma_start3A_618 = arith.constant 0 : i32
      %dma_start3A_619 = tpu.memref_slice %arg4[%mul3A_2, %dma_start3A_617, %dma_start3A_618] : memref<16384x32x128xf32, #tpu.memory_space<hbm>> -> memref<512x1x32xf32, #tpu.memory_space<hbm>>
      %dma_start3A_620 = arith.constant 15 : i32
      %dma_start3A_621 = arith.constant 0 : i32
      %dma_start3A_622 = tpu.memref_slice %arg4[%mul3A_2, %dma_start3A_620, %dma_start3A_621] : memref<16384x32x128xf32, #tpu.memory_space<hbm>> -> memref<512x1x32xf32, #tpu.memory_space<hbm>>
      %dma_start3A_623 = arith.constant 0 : i32
      %dma_start3A_624 = arith.constant 0 : i32
      %dma_start3A_625 = arith.constant 0 : i32
      %dma_start3A_626 = tpu.memref_slice %arg7[%run_scoped3A_391, %dma_start3A_623, %dma_start3A_624, %dma_start3A_625] : memref<2x512x1x32xf32, #tpu.memory_space<vmem>> -> memref<1x512x1x32xf32, #tpu.memory_space<vmem>>
      %dma_start3A_627 = tpu.memref_squeeze %dma_start3A_626 : memref<1x512x1x32xf32, #tpu.memory_space<vmem>> -> memref<512x1x32xf32, #tpu.memory_space<vmem>>
      tpu.enqueue_dma source(%dma_start3A_627 : memref<512x1x32xf32, #tpu.memory_space<vmem>>) target(%dma_start3A_622 : memref<512x1x32xf32, #tpu.memory_space<hbm>>) target_semaphore(%run_scoped3A_611 : memref<!tpu.dma_semaphore, #tpu.memory_space<semaphore_mem>>)
      %dma_wait3A_628 = arith.constant 0 : i32
      %dma_wait3A_629 = arith.constant 0 : i32
      %dma_wait3A_630 = arith.constant 0 : i32
      %dma_wait3A_631 = tpu.memref_slice %arg7[%run_scoped3A_391, %dma_wait3A_628, %dma_wait3A_629, %dma_wait3A_630] : memref<2x512x1x32xf32, #tpu.memory_space<vmem>> -> memref<1x512x1x32xf32, #tpu.memory_space<vmem>>
      %dma_wait3A_632 = tpu.memref_squeeze %dma_wait3A_631 : memref<1x512x1x32xf32, #tpu.memory_space<vmem>> -> memref<512x1x32xf32, #tpu.memory_space<vmem>>
      %dma_wait3A_633 = arith.constant 15 : i32
      %dma_wait3A_634 = arith.constant 0 : i32
      %dma_wait3A_635 = tpu.memref_slice %arg4[%mul3A_2, %dma_wait3A_633, %dma_wait3A_634] : memref<16384x32x128xf32, #tpu.memory_space<hbm>> -> memref<512x1x32xf32, #tpu.memory_space<hbm>>
      %dma_wait3A_636 = arith.constant 15 : i32
      %dma_wait3A_637 = arith.constant 0 : i32
      %dma_wait3A_638 = tpu.memref_slice %arg4[%mul3A_2, %dma_wait3A_636, %dma_wait3A_637] : memref<16384x32x128xf32, #tpu.memory_space<hbm>> -> memref<512x1x32xf32, #tpu.memory_space<hbm>>
      %dma_wait3A_639 = arith.constant 0 : i32
      %dma_wait3A_640 = arith.constant 0 : i32
      %dma_wait3A_641 = arith.constant 0 : i32
      %dma_wait3A_642 = tpu.memref_slice %arg7[%run_scoped3A_391, %dma_wait3A_639, %dma_wait3A_640, %dma_wait3A_641] : memref<2x512x1x32xf32, #tpu.memory_space<vmem>> -> memref<1x512x1x32xf32, #tpu.memory_space<vmem>>
      %dma_wait3A_643 = tpu.memref_squeeze %dma_wait3A_642 : memref<1x512x1x32xf32, #tpu.memory_space<vmem>> -> memref<512x1x32xf32, #tpu.memory_space<vmem>>
      tpu.wait_dma2 semaphore(%run_scoped3A_611 : memref<!tpu.dma_semaphore, #tpu.memory_space<semaphore_mem>>) src(%dma_wait3A_643 : memref<512x1x32xf32, #tpu.memory_space<vmem>>) dst(%dma_wait3A_638 : memref<512x1x32xf32, #tpu.memory_space<hbm>>)
      tpu.yield
    }) : () -> ()
    %dma_start3A_392 = arith.constant 1 : i32
    %dma_start3A_393 = arith.constant 0 : i32
    %dma_start3A_394 = arith.constant 0 : i32
    %dma_start3A_395 = arith.constant 0 : i32
    %dma_start3A_396 = tpu.memref_slice %arg7[%dma_start3A_392, %dma_start3A_394, %dma_start3A_393, %dma_start3A_395] : memref<2x512x1x32xf32, #tpu.memory_space<vmem>> -> memref<1x512x1x32xf32, #tpu.memory_space<vmem>>
    %dma_start3A_397 = tpu.memref_squeeze %dma_start3A_396 : memref<1x512x1x32xf32, #tpu.memory_space<vmem>> -> memref<512x32xf32, #tpu.memory_space<vmem>>
    %dma_start3A_398 = arith.constant 8704 : i32
    %dma_start3A_399 = tpu.memref_slice %arg6[%dma_start3A_398] : memref<13312xi32, #tpu.memory_space<vmem>> -> memref<512xi32, #tpu.memory_space<vmem>>
    %dma_start3A_400 = arith.constant 0 : i32
    %dma_start3A_401 = arith.constant 0 : i32
    %dma_start3A_402 = tpu.memref_slice %arg2[%dma_start3A_400, %dma_start3A_401] : memref<1000000x32xf32, #tpu.memory_space<hbm>> -> memref<1000000x32xf32, #tpu.memory_space<hbm>>
    tpu.enqueue_indirect_dma source(%dma_start3A_402 : memref<1000000x32xf32, #tpu.memory_space<hbm>>) target(%dma_start3A_397 : memref<512x32xf32, #tpu.memory_space<vmem>>) offsets(%dma_start3A_399 : memref<512xi32, #tpu.memory_space<vmem>>) semaphore(%arg9 : memref<!tpu.dma_semaphore, #tpu.memory_space<semaphore_mem>>)
    %dma_wait3A_403 = arith.constant 0 : i32
    %dma_wait3A_404 = arith.constant 0 : i32
    %dma_wait3A_405 = arith.constant 0 : i32
    %dma_wait3A_406 = arith.constant 0 : i32
    %dma_wait3A_407 = tpu.memref_slice %arg7[%dma_wait3A_403, %dma_wait3A_405, %dma_wait3A_404, %dma_wait3A_406] : memref<2x512x1x32xf32, #tpu.memory_space<vmem>> -> memref<1x512x1x32xf32, #tpu.memory_space<vmem>>
    %dma_wait3A_408 = tpu.memref_squeeze %dma_wait3A_407 : memref<1x512x1x32xf32, #tpu.memory_space<vmem>> -> memref<512x32xf32, #tpu.memory_space<vmem>>
    %dma_wait3A_409 = arith.constant 8192 : i32
    %dma_wait3A_410 = tpu.memref_slice %arg6[%dma_wait3A_409] : memref<13312xi32, #tpu.memory_space<vmem>> -> memref<512xi32, #tpu.memory_space<vmem>>
    %dma_wait3A_411 = arith.constant 0 : i32
    %dma_wait3A_412 = arith.constant 0 : i32
    %dma_wait3A_413 = tpu.memref_slice %arg2[%dma_wait3A_411, %dma_wait3A_412] : memref<1000000x32xf32, #tpu.memory_space<hbm>> -> memref<1000000x32xf32, #tpu.memory_space<hbm>>
    tpu.wait_indirect_dma semaphore(%arg8 : memref<!tpu.dma_semaphore, #tpu.memory_space<semaphore_mem>>) src(%dma_wait3A_413 : memref<1000000x32xf32, #tpu.memory_space<hbm>>) dst(%dma_wait3A_408 : memref<512x32xf32, #tpu.memory_space<vmem>>)
    %run_scoped3A_414 = arith.constant 0 : i32
    "tpu.region"() ({
      %run_scoped3A_611 = tpu.sem_alloc : memref<!tpu.dma_semaphore, #tpu.memory_space<semaphore_mem>>
      %dma_start3A_612 = arith.constant 0 : i32
      %dma_start3A_613 = arith.constant 0 : i32
      %dma_start3A_614 = arith.constant 0 : i32
      %dma_start3A_615 = tpu.memref_slice %arg7[%run_scoped3A_414, %dma_start3A_612, %dma_start3A_613, %dma_start3A_614] : memref<2x512x1x32xf32, #tpu.memory_space<vmem>> -> memref<1x512x1x32xf32, #tpu.memory_space<vmem>>
      %dma_start3A_616 = tpu.memref_squeeze %dma_start3A_615 : memref<1x512x1x32xf32, #tpu.memory_space<vmem>> -> memref<512x1x32xf32, #tpu.memory_space<vmem>>
      %dma_start3A_617 = arith.constant 16 : i32
      %dma_start3A_618 = arith.constant 0 : i32
      %dma_start3A_619 = tpu.memref_slice %arg4[%mul3A_2, %dma_start3A_617, %dma_start3A_618] : memref<16384x32x128xf32, #tpu.memory_space<hbm>> -> memref<512x1x32xf32, #tpu.memory_space<hbm>>
      %dma_start3A_620 = arith.constant 16 : i32
      %dma_start3A_621 = arith.constant 0 : i32
      %dma_start3A_622 = tpu.memref_slice %arg4[%mul3A_2, %dma_start3A_620, %dma_start3A_621] : memref<16384x32x128xf32, #tpu.memory_space<hbm>> -> memref<512x1x32xf32, #tpu.memory_space<hbm>>
      %dma_start3A_623 = arith.constant 0 : i32
      %dma_start3A_624 = arith.constant 0 : i32
      %dma_start3A_625 = arith.constant 0 : i32
      %dma_start3A_626 = tpu.memref_slice %arg7[%run_scoped3A_414, %dma_start3A_623, %dma_start3A_624, %dma_start3A_625] : memref<2x512x1x32xf32, #tpu.memory_space<vmem>> -> memref<1x512x1x32xf32, #tpu.memory_space<vmem>>
      %dma_start3A_627 = tpu.memref_squeeze %dma_start3A_626 : memref<1x512x1x32xf32, #tpu.memory_space<vmem>> -> memref<512x1x32xf32, #tpu.memory_space<vmem>>
      tpu.enqueue_dma source(%dma_start3A_627 : memref<512x1x32xf32, #tpu.memory_space<vmem>>) target(%dma_start3A_622 : memref<512x1x32xf32, #tpu.memory_space<hbm>>) target_semaphore(%run_scoped3A_611 : memref<!tpu.dma_semaphore, #tpu.memory_space<semaphore_mem>>)
      %dma_wait3A_628 = arith.constant 0 : i32
      %dma_wait3A_629 = arith.constant 0 : i32
      %dma_wait3A_630 = arith.constant 0 : i32
      %dma_wait3A_631 = tpu.memref_slice %arg7[%run_scoped3A_414, %dma_wait3A_628, %dma_wait3A_629, %dma_wait3A_630] : memref<2x512x1x32xf32, #tpu.memory_space<vmem>> -> memref<1x512x1x32xf32, #tpu.memory_space<vmem>>
      %dma_wait3A_632 = tpu.memref_squeeze %dma_wait3A_631 : memref<1x512x1x32xf32, #tpu.memory_space<vmem>> -> memref<512x1x32xf32, #tpu.memory_space<vmem>>
      %dma_wait3A_633 = arith.constant 16 : i32
      %dma_wait3A_634 = arith.constant 0 : i32
      %dma_wait3A_635 = tpu.memref_slice %arg4[%mul3A_2, %dma_wait3A_633, %dma_wait3A_634] : memref<16384x32x128xf32, #tpu.memory_space<hbm>> -> memref<512x1x32xf32, #tpu.memory_space<hbm>>
      %dma_wait3A_636 = arith.constant 16 : i32
      %dma_wait3A_637 = arith.constant 0 : i32
      %dma_wait3A_638 = tpu.memref_slice %arg4[%mul3A_2, %dma_wait3A_636, %dma_wait3A_637] : memref<16384x32x128xf32, #tpu.memory_space<hbm>> -> memref<512x1x32xf32, #tpu.memory_space<hbm>>
      %dma_wait3A_639 = arith.constant 0 : i32
      %dma_wait3A_640 = arith.constant 0 : i32
      %dma_wait3A_641 = arith.constant 0 : i32
      %dma_wait3A_642 = tpu.memref_slice %arg7[%run_scoped3A_414, %dma_wait3A_639, %dma_wait3A_640, %dma_wait3A_641] : memref<2x512x1x32xf32, #tpu.memory_space<vmem>> -> memref<1x512x1x32xf32, #tpu.memory_space<vmem>>
      %dma_wait3A_643 = tpu.memref_squeeze %dma_wait3A_642 : memref<1x512x1x32xf32, #tpu.memory_space<vmem>> -> memref<512x1x32xf32, #tpu.memory_space<vmem>>
      tpu.wait_dma2 semaphore(%run_scoped3A_611 : memref<!tpu.dma_semaphore, #tpu.memory_space<semaphore_mem>>) src(%dma_wait3A_643 : memref<512x1x32xf32, #tpu.memory_space<vmem>>) dst(%dma_wait3A_638 : memref<512x1x32xf32, #tpu.memory_space<hbm>>)
      tpu.yield
    }) : () -> ()
    %dma_start3A_415 = arith.constant 0 : i32
    %dma_start3A_416 = arith.constant 0 : i32
    %dma_start3A_417 = arith.constant 0 : i32
    %dma_start3A_418 = arith.constant 0 : i32
    %dma_start3A_419 = tpu.memref_slice %arg7[%dma_start3A_415, %dma_start3A_417, %dma_start3A_416, %dma_start3A_418] : memref<2x512x1x32xf32, #tpu.memory_space<vmem>> -> memref<1x512x1x32xf32, #tpu.memory_space<vmem>>
    %dma_start3A_420 = tpu.memref_squeeze %dma_start3A_419 : memref<1x512x1x32xf32, #tpu.memory_space<vmem>> -> memref<512x32xf32, #tpu.memory_space<vmem>>
    %dma_start3A_421 = arith.constant 9216 : i32
    %dma_start3A_422 = tpu.memref_slice %arg6[%dma_start3A_421] : memref<13312xi32, #tpu.memory_space<vmem>> -> memref<512xi32, #tpu.memory_space<vmem>>
    %dma_start3A_423 = arith.constant 0 : i32
    %dma_start3A_424 = arith.constant 0 : i32
    %dma_start3A_425 = tpu.memref_slice %arg2[%dma_start3A_423, %dma_start3A_424] : memref<1000000x32xf32, #tpu.memory_space<hbm>> -> memref<1000000x32xf32, #tpu.memory_space<hbm>>
    tpu.enqueue_indirect_dma source(%dma_start3A_425 : memref<1000000x32xf32, #tpu.memory_space<hbm>>) target(%dma_start3A_420 : memref<512x32xf32, #tpu.memory_space<vmem>>) offsets(%dma_start3A_422 : memref<512xi32, #tpu.memory_space<vmem>>) semaphore(%arg8 : memref<!tpu.dma_semaphore, #tpu.memory_space<semaphore_mem>>)
    %dma_wait3A_426 = arith.constant 1 : i32
    %dma_wait3A_427 = arith.constant 0 : i32
    %dma_wait3A_428 = arith.constant 0 : i32
    %dma_wait3A_429 = arith.constant 0 : i32
    %dma_wait3A_430 = tpu.memref_slice %arg7[%dma_wait3A_426, %dma_wait3A_428, %dma_wait3A_427, %dma_wait3A_429] : memref<2x512x1x32xf32, #tpu.memory_space<vmem>> -> memref<1x512x1x32xf32, #tpu.memory_space<vmem>>
    %dma_wait3A_431 = tpu.memref_squeeze %dma_wait3A_430 : memref<1x512x1x32xf32, #tpu.memory_space<vmem>> -> memref<512x32xf32, #tpu.memory_space<vmem>>
    %dma_wait3A_432 = arith.constant 8704 : i32
    %dma_wait3A_433 = tpu.memref_slice %arg6[%dma_wait3A_432] : memref<13312xi32, #tpu.memory_space<vmem>> -> memref<512xi32, #tpu.memory_space<vmem>>
    %dma_wait3A_434 = arith.constant 0 : i32
    %dma_wait3A_435 = arith.constant 0 : i32
    %dma_wait3A_436 = tpu.memref_slice %arg2[%dma_wait3A_434, %dma_wait3A_435] : memref<1000000x32xf32, #tpu.memory_space<hbm>> -> memref<1000000x32xf32, #tpu.memory_space<hbm>>
    tpu.wait_indirect_dma semaphore(%arg9 : memref<!tpu.dma_semaphore, #tpu.memory_space<semaphore_mem>>) src(%dma_wait3A_436 : memref<1000000x32xf32, #tpu.memory_space<hbm>>) dst(%dma_wait3A_431 : memref<512x32xf32, #tpu.memory_space<vmem>>)
    %run_scoped3A_437 = arith.constant 1 : i32
    "tpu.region"() ({
      %run_scoped3A_611 = tpu.sem_alloc : memref<!tpu.dma_semaphore, #tpu.memory_space<semaphore_mem>>
      %dma_start3A_612 = arith.constant 0 : i32
      %dma_start3A_613 = arith.constant 0 : i32
      %dma_start3A_614 = arith.constant 0 : i32
      %dma_start3A_615 = tpu.memref_slice %arg7[%run_scoped3A_437, %dma_start3A_612, %dma_start3A_613, %dma_start3A_614] : memref<2x512x1x32xf32, #tpu.memory_space<vmem>> -> memref<1x512x1x32xf32, #tpu.memory_space<vmem>>
      %dma_start3A_616 = tpu.memref_squeeze %dma_start3A_615 : memref<1x512x1x32xf32, #tpu.memory_space<vmem>> -> memref<512x1x32xf32, #tpu.memory_space<vmem>>
      %dma_start3A_617 = arith.constant 17 : i32
      %dma_start3A_618 = arith.constant 0 : i32
      %dma_start3A_619 = tpu.memref_slice %arg4[%mul3A_2, %dma_start3A_617, %dma_start3A_618] : memref<16384x32x128xf32, #tpu.memory_space<hbm>> -> memref<512x1x32xf32, #tpu.memory_space<hbm>>
      %dma_start3A_620 = arith.constant 17 : i32
      %dma_start3A_621 = arith.constant 0 : i32
      %dma_start3A_622 = tpu.memref_slice %arg4[%mul3A_2, %dma_start3A_620, %dma_start3A_621] : memref<16384x32x128xf32, #tpu.memory_space<hbm>> -> memref<512x1x32xf32, #tpu.memory_space<hbm>>
      %dma_start3A_623 = arith.constant 0 : i32
      %dma_start3A_624 = arith.constant 0 : i32
      %dma_start3A_625 = arith.constant 0 : i32
      %dma_start3A_626 = tpu.memref_slice %arg7[%run_scoped3A_437, %dma_start3A_623, %dma_start3A_624, %dma_start3A_625] : memref<2x512x1x32xf32, #tpu.memory_space<vmem>> -> memref<1x512x1x32xf32, #tpu.memory_space<vmem>>
      %dma_start3A_627 = tpu.memref_squeeze %dma_start3A_626 : memref<1x512x1x32xf32, #tpu.memory_space<vmem>> -> memref<512x1x32xf32, #tpu.memory_space<vmem>>
      tpu.enqueue_dma source(%dma_start3A_627 : memref<512x1x32xf32, #tpu.memory_space<vmem>>) target(%dma_start3A_622 : memref<512x1x32xf32, #tpu.memory_space<hbm>>) target_semaphore(%run_scoped3A_611 : memref<!tpu.dma_semaphore, #tpu.memory_space<semaphore_mem>>)
      %dma_wait3A_628 = arith.constant 0 : i32
      %dma_wait3A_629 = arith.constant 0 : i32
      %dma_wait3A_630 = arith.constant 0 : i32
      %dma_wait3A_631 = tpu.memref_slice %arg7[%run_scoped3A_437, %dma_wait3A_628, %dma_wait3A_629, %dma_wait3A_630] : memref<2x512x1x32xf32, #tpu.memory_space<vmem>> -> memref<1x512x1x32xf32, #tpu.memory_space<vmem>>
      %dma_wait3A_632 = tpu.memref_squeeze %dma_wait3A_631 : memref<1x512x1x32xf32, #tpu.memory_space<vmem>> -> memref<512x1x32xf32, #tpu.memory_space<vmem>>
      %dma_wait3A_633 = arith.constant 17 : i32
      %dma_wait3A_634 = arith.constant 0 : i32
      %dma_wait3A_635 = tpu.memref_slice %arg4[%mul3A_2, %dma_wait3A_633, %dma_wait3A_634] : memref<16384x32x128xf32, #tpu.memory_space<hbm>> -> memref<512x1x32xf32, #tpu.memory_space<hbm>>
      %dma_wait3A_636 = arith.constant 17 : i32
      %dma_wait3A_637 = arith.constant 0 : i32
      %dma_wait3A_638 = tpu.memref_slice %arg4[%mul3A_2, %dma_wait3A_636, %dma_wait3A_637] : memref<16384x32x128xf32, #tpu.memory_space<hbm>> -> memref<512x1x32xf32, #tpu.memory_space<hbm>>
      %dma_wait3A_639 = arith.constant 0 : i32
      %dma_wait3A_640 = arith.constant 0 : i32
      %dma_wait3A_641 = arith.constant 0 : i32
      %dma_wait3A_642 = tpu.memref_slice %arg7[%run_scoped3A_437, %dma_wait3A_639, %dma_wait3A_640, %dma_wait3A_641] : memref<2x512x1x32xf32, #tpu.memory_space<vmem>> -> memref<1x512x1x32xf32, #tpu.memory_space<vmem>>
      %dma_wait3A_643 = tpu.memref_squeeze %dma_wait3A_642 : memref<1x512x1x32xf32, #tpu.memory_space<vmem>> -> memref<512x1x32xf32, #tpu.memory_space<vmem>>
      tpu.wait_dma2 semaphore(%run_scoped3A_611 : memref<!tpu.dma_semaphore, #tpu.memory_space<semaphore_mem>>) src(%dma_wait3A_643 : memref<512x1x32xf32, #tpu.memory_space<vmem>>) dst(%dma_wait3A_638 : memref<512x1x32xf32, #tpu.memory_space<hbm>>)
      tpu.yield
    }) : () -> ()
    %dma_start3A_438 = arith.constant 1 : i32
    %dma_start3A_439 = arith.constant 0 : i32
    %dma_start3A_440 = arith.constant 0 : i32
    %dma_start3A_441 = arith.constant 0 : i32
    %dma_start3A_442 = tpu.memref_slice %arg7[%dma_start3A_438, %dma_start3A_440, %dma_start3A_439, %dma_start3A_441] : memref<2x512x1x32xf32, #tpu.memory_space<vmem>> -> memref<1x512x1x32xf32, #tpu.memory_space<vmem>>
    %dma_start3A_443 = tpu.memref_squeeze %dma_start3A_442 : memref<1x512x1x32xf32, #tpu.memory_space<vmem>> -> memref<512x32xf32, #tpu.memory_space<vmem>>
    %dma_start3A_444 = arith.constant 9728 : i32
    %dma_start3A_445 = tpu.memref_slice %arg6[%dma_start3A_444] : memref<13312xi32, #tpu.memory_space<vmem>> -> memref<512xi32, #tpu.memory_space<vmem>>
    %dma_start3A_446 = arith.constant 0 : i32
    %dma_start3A_447 = arith.constant 0 : i32
    %dma_start3A_448 = tpu.memref_slice %arg2[%dma_start3A_446, %dma_start3A_447] : memref<1000000x32xf32, #tpu.memory_space<hbm>> -> memref<1000000x32xf32, #tpu.memory_space<hbm>>
    tpu.enqueue_indirect_dma source(%dma_start3A_448 : memref<1000000x32xf32, #tpu.memory_space<hbm>>) target(%dma_start3A_443 : memref<512x32xf32, #tpu.memory_space<vmem>>) offsets(%dma_start3A_445 : memref<512xi32, #tpu.memory_space<vmem>>) semaphore(%arg9 : memref<!tpu.dma_semaphore, #tpu.memory_space<semaphore_mem>>)
    %dma_wait3A_449 = arith.constant 0 : i32
    %dma_wait3A_450 = arith.constant 0 : i32
    %dma_wait3A_451 = arith.constant 0 : i32
    %dma_wait3A_452 = arith.constant 0 : i32
    %dma_wait3A_453 = tpu.memref_slice %arg7[%dma_wait3A_449, %dma_wait3A_451, %dma_wait3A_450, %dma_wait3A_452] : memref<2x512x1x32xf32, #tpu.memory_space<vmem>> -> memref<1x512x1x32xf32, #tpu.memory_space<vmem>>
    %dma_wait3A_454 = tpu.memref_squeeze %dma_wait3A_453 : memref<1x512x1x32xf32, #tpu.memory_space<vmem>> -> memref<512x32xf32, #tpu.memory_space<vmem>>
    %dma_wait3A_455 = arith.constant 9216 : i32
    %dma_wait3A_456 = tpu.memref_slice %arg6[%dma_wait3A_455] : memref<13312xi32, #tpu.memory_space<vmem>> -> memref<512xi32, #tpu.memory_space<vmem>>
    %dma_wait3A_457 = arith.constant 0 : i32
    %dma_wait3A_458 = arith.constant 0 : i32
    %dma_wait3A_459 = tpu.memref_slice %arg2[%dma_wait3A_457, %dma_wait3A_458] : memref<1000000x32xf32, #tpu.memory_space<hbm>> -> memref<1000000x32xf32, #tpu.memory_space<hbm>>
    tpu.wait_indirect_dma semaphore(%arg8 : memref<!tpu.dma_semaphore, #tpu.memory_space<semaphore_mem>>) src(%dma_wait3A_459 : memref<1000000x32xf32, #tpu.memory_space<hbm>>) dst(%dma_wait3A_454 : memref<512x32xf32, #tpu.memory_space<vmem>>)
    %run_scoped3A_460 = arith.constant 0 : i32
    "tpu.region"() ({
      %run_scoped3A_611 = tpu.sem_alloc : memref<!tpu.dma_semaphore, #tpu.memory_space<semaphore_mem>>
      %dma_start3A_612 = arith.constant 0 : i32
      %dma_start3A_613 = arith.constant 0 : i32
      %dma_start3A_614 = arith.constant 0 : i32
      %dma_start3A_615 = tpu.memref_slice %arg7[%run_scoped3A_460, %dma_start3A_612, %dma_start3A_613, %dma_start3A_614] : memref<2x512x1x32xf32, #tpu.memory_space<vmem>> -> memref<1x512x1x32xf32, #tpu.memory_space<vmem>>
      %dma_start3A_616 = tpu.memref_squeeze %dma_start3A_615 : memref<1x512x1x32xf32, #tpu.memory_space<vmem>> -> memref<512x1x32xf32, #tpu.memory_space<vmem>>
      %dma_start3A_617 = arith.constant 18 : i32
      %dma_start3A_618 = arith.constant 0 : i32
      %dma_start3A_619 = tpu.memref_slice %arg4[%mul3A_2, %dma_start3A_617, %dma_start3A_618] : memref<16384x32x128xf32, #tpu.memory_space<hbm>> -> memref<512x1x32xf32, #tpu.memory_space<hbm>>
      %dma_start3A_620 = arith.constant 18 : i32
      %dma_start3A_621 = arith.constant 0 : i32
      %dma_start3A_622 = tpu.memref_slice %arg4[%mul3A_2, %dma_start3A_620, %dma_start3A_621] : memref<16384x32x128xf32, #tpu.memory_space<hbm>> -> memref<512x1x32xf32, #tpu.memory_space<hbm>>
      %dma_start3A_623 = arith.constant 0 : i32
      %dma_start3A_624 = arith.constant 0 : i32
      %dma_start3A_625 = arith.constant 0 : i32
      %dma_start3A_626 = tpu.memref_slice %arg7[%run_scoped3A_460, %dma_start3A_623, %dma_start3A_624, %dma_start3A_625] : memref<2x512x1x32xf32, #tpu.memory_space<vmem>> -> memref<1x512x1x32xf32, #tpu.memory_space<vmem>>
      %dma_start3A_627 = tpu.memref_squeeze %dma_start3A_626 : memref<1x512x1x32xf32, #tpu.memory_space<vmem>> -> memref<512x1x32xf32, #tpu.memory_space<vmem>>
      tpu.enqueue_dma source(%dma_start3A_627 : memref<512x1x32xf32, #tpu.memory_space<vmem>>) target(%dma_start3A_622 : memref<512x1x32xf32, #tpu.memory_space<hbm>>) target_semaphore(%run_scoped3A_611 : memref<!tpu.dma_semaphore, #tpu.memory_space<semaphore_mem>>)
      %dma_wait3A_628 = arith.constant 0 : i32
      %dma_wait3A_629 = arith.constant 0 : i32
      %dma_wait3A_630 = arith.constant 0 : i32
      %dma_wait3A_631 = tpu.memref_slice %arg7[%run_scoped3A_460, %dma_wait3A_628, %dma_wait3A_629, %dma_wait3A_630] : memref<2x512x1x32xf32, #tpu.memory_space<vmem>> -> memref<1x512x1x32xf32, #tpu.memory_space<vmem>>
      %dma_wait3A_632 = tpu.memref_squeeze %dma_wait3A_631 : memref<1x512x1x32xf32, #tpu.memory_space<vmem>> -> memref<512x1x32xf32, #tpu.memory_space<vmem>>
      %dma_wait3A_633 = arith.constant 18 : i32
      %dma_wait3A_634 = arith.constant 0 : i32
      %dma_wait3A_635 = tpu.memref_slice %arg4[%mul3A_2, %dma_wait3A_633, %dma_wait3A_634] : memref<16384x32x128xf32, #tpu.memory_space<hbm>> -> memref<512x1x32xf32, #tpu.memory_space<hbm>>
      %dma_wait3A_636 = arith.constant 18 : i32
      %dma_wait3A_637 = arith.constant 0 : i32
      %dma_wait3A_638 = tpu.memref_slice %arg4[%mul3A_2, %dma_wait3A_636, %dma_wait3A_637] : memref<16384x32x128xf32, #tpu.memory_space<hbm>> -> memref<512x1x32xf32, #tpu.memory_space<hbm>>
      %dma_wait3A_639 = arith.constant 0 : i32
      %dma_wait3A_640 = arith.constant 0 : i32
      %dma_wait3A_641 = arith.constant 0 : i32
      %dma_wait3A_642 = tpu.memref_slice %arg7[%run_scoped3A_460, %dma_wait3A_639, %dma_wait3A_640, %dma_wait3A_641] : memref<2x512x1x32xf32, #tpu.memory_space<vmem>> -> memref<1x512x1x32xf32, #tpu.memory_space<vmem>>
      %dma_wait3A_643 = tpu.memref_squeeze %dma_wait3A_642 : memref<1x512x1x32xf32, #tpu.memory_space<vmem>> -> memref<512x1x32xf32, #tpu.memory_space<vmem>>
      tpu.wait_dma2 semaphore(%run_scoped3A_611 : memref<!tpu.dma_semaphore, #tpu.memory_space<semaphore_mem>>) src(%dma_wait3A_643 : memref<512x1x32xf32, #tpu.memory_space<vmem>>) dst(%dma_wait3A_638 : memref<512x1x32xf32, #tpu.memory_space<hbm>>)
      tpu.yield
    }) : () -> ()
    %dma_start3A_461 = arith.constant 0 : i32
    %dma_start3A_462 = arith.constant 0 : i32
    %dma_start3A_463 = arith.constant 0 : i32
    %dma_start3A_464 = arith.constant 0 : i32
    %dma_start3A_465 = tpu.memref_slice %arg7[%dma_start3A_461, %dma_start3A_463, %dma_start3A_462, %dma_start3A_464] : memref<2x512x1x32xf32, #tpu.memory_space<vmem>> -> memref<1x512x1x32xf32, #tpu.memory_space<vmem>>
    %dma_start3A_466 = tpu.memref_squeeze %dma_start3A_465 : memref<1x512x1x32xf32, #tpu.memory_space<vmem>> -> memref<512x32xf32, #tpu.memory_space<vmem>>
    %dma_start3A_467 = arith.constant 10240 : i32
    %dma_start3A_468 = tpu.memref_slice %arg6[%dma_start3A_467] : memref<13312xi32, #tpu.memory_space<vmem>> -> memref<512xi32, #tpu.memory_space<vmem>>
    %dma_start3A_469 = arith.constant 0 : i32
    %dma_start3A_470 = arith.constant 0 : i32
    %dma_start3A_471 = tpu.memref_slice %arg2[%dma_start3A_469, %dma_start3A_470] : memref<1000000x32xf32, #tpu.memory_space<hbm>> -> memref<1000000x32xf32, #tpu.memory_space<hbm>>
    tpu.enqueue_indirect_dma source(%dma_start3A_471 : memref<1000000x32xf32, #tpu.memory_space<hbm>>) target(%dma_start3A_466 : memref<512x32xf32, #tpu.memory_space<vmem>>) offsets(%dma_start3A_468 : memref<512xi32, #tpu.memory_space<vmem>>) semaphore(%arg8 : memref<!tpu.dma_semaphore, #tpu.memory_space<semaphore_mem>>)
    %dma_wait3A_472 = arith.constant 1 : i32
    %dma_wait3A_473 = arith.constant 0 : i32
    %dma_wait3A_474 = arith.constant 0 : i32
    %dma_wait3A_475 = arith.constant 0 : i32
    %dma_wait3A_476 = tpu.memref_slice %arg7[%dma_wait3A_472, %dma_wait3A_474, %dma_wait3A_473, %dma_wait3A_475] : memref<2x512x1x32xf32, #tpu.memory_space<vmem>> -> memref<1x512x1x32xf32, #tpu.memory_space<vmem>>
    %dma_wait3A_477 = tpu.memref_squeeze %dma_wait3A_476 : memref<1x512x1x32xf32, #tpu.memory_space<vmem>> -> memref<512x32xf32, #tpu.memory_space<vmem>>
    %dma_wait3A_478 = arith.constant 9728 : i32
    %dma_wait3A_479 = tpu.memref_slice %arg6[%dma_wait3A_478] : memref<13312xi32, #tpu.memory_space<vmem>> -> memref<512xi32, #tpu.memory_space<vmem>>
    %dma_wait3A_480 = arith.constant 0 : i32
    %dma_wait3A_481 = arith.constant 0 : i32
    %dma_wait3A_482 = tpu.memref_slice %arg2[%dma_wait3A_480, %dma_wait3A_481] : memref<1000000x32xf32, #tpu.memory_space<hbm>> -> memref<1000000x32xf32, #tpu.memory_space<hbm>>
    tpu.wait_indirect_dma semaphore(%arg9 : memref<!tpu.dma_semaphore, #tpu.memory_space<semaphore_mem>>) src(%dma_wait3A_482 : memref<1000000x32xf32, #tpu.memory_space<hbm>>) dst(%dma_wait3A_477 : memref<512x32xf32, #tpu.memory_space<vmem>>)
    %run_scoped3A_483 = arith.constant 1 : i32
    "tpu.region"() ({
      %run_scoped3A_611 = tpu.sem_alloc : memref<!tpu.dma_semaphore, #tpu.memory_space<semaphore_mem>>
      %dma_start3A_612 = arith.constant 0 : i32
      %dma_start3A_613 = arith.constant 0 : i32
      %dma_start3A_614 = arith.constant 0 : i32
      %dma_start3A_615 = tpu.memref_slice %arg7[%run_scoped3A_483, %dma_start3A_612, %dma_start3A_613, %dma_start3A_614] : memref<2x512x1x32xf32, #tpu.memory_space<vmem>> -> memref<1x512x1x32xf32, #tpu.memory_space<vmem>>
      %dma_start3A_616 = tpu.memref_squeeze %dma_start3A_615 : memref<1x512x1x32xf32, #tpu.memory_space<vmem>> -> memref<512x1x32xf32, #tpu.memory_space<vmem>>
      %dma_start3A_617 = arith.constant 19 : i32
      %dma_start3A_618 = arith.constant 0 : i32
      %dma_start3A_619 = tpu.memref_slice %arg4[%mul3A_2, %dma_start3A_617, %dma_start3A_618] : memref<16384x32x128xf32, #tpu.memory_space<hbm>> -> memref<512x1x32xf32, #tpu.memory_space<hbm>>
      %dma_start3A_620 = arith.constant 19 : i32
      %dma_start3A_621 = arith.constant 0 : i32
      %dma_start3A_622 = tpu.memref_slice %arg4[%mul3A_2, %dma_start3A_620, %dma_start3A_621] : memref<16384x32x128xf32, #tpu.memory_space<hbm>> -> memref<512x1x32xf32, #tpu.memory_space<hbm>>
      %dma_start3A_623 = arith.constant 0 : i32
      %dma_start3A_624 = arith.constant 0 : i32
      %dma_start3A_625 = arith.constant 0 : i32
      %dma_start3A_626 = tpu.memref_slice %arg7[%run_scoped3A_483, %dma_start3A_623, %dma_start3A_624, %dma_start3A_625] : memref<2x512x1x32xf32, #tpu.memory_space<vmem>> -> memref<1x512x1x32xf32, #tpu.memory_space<vmem>>
      %dma_start3A_627 = tpu.memref_squeeze %dma_start3A_626 : memref<1x512x1x32xf32, #tpu.memory_space<vmem>> -> memref<512x1x32xf32, #tpu.memory_space<vmem>>
      tpu.enqueue_dma source(%dma_start3A_627 : memref<512x1x32xf32, #tpu.memory_space<vmem>>) target(%dma_start3A_622 : memref<512x1x32xf32, #tpu.memory_space<hbm>>) target_semaphore(%run_scoped3A_611 : memref<!tpu.dma_semaphore, #tpu.memory_space<semaphore_mem>>)
      %dma_wait3A_628 = arith.constant 0 : i32
      %dma_wait3A_629 = arith.constant 0 : i32
      %dma_wait3A_630 = arith.constant 0 : i32
      %dma_wait3A_631 = tpu.memref_slice %arg7[%run_scoped3A_483, %dma_wait3A_628, %dma_wait3A_629, %dma_wait3A_630] : memref<2x512x1x32xf32, #tpu.memory_space<vmem>> -> memref<1x512x1x32xf32, #tpu.memory_space<vmem>>
      %dma_wait3A_632 = tpu.memref_squeeze %dma_wait3A_631 : memref<1x512x1x32xf32, #tpu.memory_space<vmem>> -> memref<512x1x32xf32, #tpu.memory_space<vmem>>
      %dma_wait3A_633 = arith.constant 19 : i32
      %dma_wait3A_634 = arith.constant 0 : i32
      %dma_wait3A_635 = tpu.memref_slice %arg4[%mul3A_2, %dma_wait3A_633, %dma_wait3A_634] : memref<16384x32x128xf32, #tpu.memory_space<hbm>> -> memref<512x1x32xf32, #tpu.memory_space<hbm>>
      %dma_wait3A_636 = arith.constant 19 : i32
      %dma_wait3A_637 = arith.constant 0 : i32
      %dma_wait3A_638 = tpu.memref_slice %arg4[%mul3A_2, %dma_wait3A_636, %dma_wait3A_637] : memref<16384x32x128xf32, #tpu.memory_space<hbm>> -> memref<512x1x32xf32, #tpu.memory_space<hbm>>
      %dma_wait3A_639 = arith.constant 0 : i32
      %dma_wait3A_640 = arith.constant 0 : i32
      %dma_wait3A_641 = arith.constant 0 : i32
      %dma_wait3A_642 = tpu.memref_slice %arg7[%run_scoped3A_483, %dma_wait3A_639, %dma_wait3A_640, %dma_wait3A_641] : memref<2x512x1x32xf32, #tpu.memory_space<vmem>> -> memref<1x512x1x32xf32, #tpu.memory_space<vmem>>
      %dma_wait3A_643 = tpu.memref_squeeze %dma_wait3A_642 : memref<1x512x1x32xf32, #tpu.memory_space<vmem>> -> memref<512x1x32xf32, #tpu.memory_space<vmem>>
      tpu.wait_dma2 semaphore(%run_scoped3A_611 : memref<!tpu.dma_semaphore, #tpu.memory_space<semaphore_mem>>) src(%dma_wait3A_643 : memref<512x1x32xf32, #tpu.memory_space<vmem>>) dst(%dma_wait3A_638 : memref<512x1x32xf32, #tpu.memory_space<hbm>>)
      tpu.yield
    }) : () -> ()
    %dma_start3A_484 = arith.constant 1 : i32
    %dma_start3A_485 = arith.constant 0 : i32
    %dma_start3A_486 = arith.constant 0 : i32
    %dma_start3A_487 = arith.constant 0 : i32
    %dma_start3A_488 = tpu.memref_slice %arg7[%dma_start3A_484, %dma_start3A_486, %dma_start3A_485, %dma_start3A_487] : memref<2x512x1x32xf32, #tpu.memory_space<vmem>> -> memref<1x512x1x32xf32, #tpu.memory_space<vmem>>
    %dma_start3A_489 = tpu.memref_squeeze %dma_start3A_488 : memref<1x512x1x32xf32, #tpu.memory_space<vmem>> -> memref<512x32xf32, #tpu.memory_space<vmem>>
    %dma_start3A_490 = arith.constant 10752 : i32
    %dma_start3A_491 = tpu.memref_slice %arg6[%dma_start3A_490] : memref<13312xi32, #tpu.memory_space<vmem>> -> memref<512xi32, #tpu.memory_space<vmem>>
    %dma_start3A_492 = arith.constant 0 : i32
    %dma_start3A_493 = arith.constant 0 : i32
    %dma_start3A_494 = tpu.memref_slice %arg2[%dma_start3A_492, %dma_start3A_493] : memref<1000000x32xf32, #tpu.memory_space<hbm>> -> memref<1000000x32xf32, #tpu.memory_space<hbm>>
    tpu.enqueue_indirect_dma source(%dma_start3A_494 : memref<1000000x32xf32, #tpu.memory_space<hbm>>) target(%dma_start3A_489 : memref<512x32xf32, #tpu.memory_space<vmem>>) offsets(%dma_start3A_491 : memref<512xi32, #tpu.memory_space<vmem>>) semaphore(%arg9 : memref<!tpu.dma_semaphore, #tpu.memory_space<semaphore_mem>>)
    %dma_wait3A_495 = arith.constant 0 : i32
    %dma_wait3A_496 = arith.constant 0 : i32
    %dma_wait3A_497 = arith.constant 0 : i32
    %dma_wait3A_498 = arith.constant 0 : i32
    %dma_wait3A_499 = tpu.memref_slice %arg7[%dma_wait3A_495, %dma_wait3A_497, %dma_wait3A_496, %dma_wait3A_498] : memref<2x512x1x32xf32, #tpu.memory_space<vmem>> -> memref<1x512x1x32xf32, #tpu.memory_space<vmem>>
    %dma_wait3A_500 = tpu.memref_squeeze %dma_wait3A_499 : memref<1x512x1x32xf32, #tpu.memory_space<vmem>> -> memref<512x32xf32, #tpu.memory_space<vmem>>
    %dma_wait3A_501 = arith.constant 10240 : i32
    %dma_wait3A_502 = tpu.memref_slice %arg6[%dma_wait3A_501] : memref<13312xi32, #tpu.memory_space<vmem>> -> memref<512xi32, #tpu.memory_space<vmem>>
    %dma_wait3A_503 = arith.constant 0 : i32
    %dma_wait3A_504 = arith.constant 0 : i32
    %dma_wait3A_505 = tpu.memref_slice %arg2[%dma_wait3A_503, %dma_wait3A_504] : memref<1000000x32xf32, #tpu.memory_space<hbm>> -> memref<1000000x32xf32, #tpu.memory_space<hbm>>
    tpu.wait_indirect_dma semaphore(%arg8 : memref<!tpu.dma_semaphore, #tpu.memory_space<semaphore_mem>>) src(%dma_wait3A_505 : memref<1000000x32xf32, #tpu.memory_space<hbm>>) dst(%dma_wait3A_500 : memref<512x32xf32, #tpu.memory_space<vmem>>)
    %run_scoped3A_506 = arith.constant 0 : i32
    "tpu.region"() ({
      %run_scoped3A_611 = tpu.sem_alloc : memref<!tpu.dma_semaphore, #tpu.memory_space<semaphore_mem>>
      %dma_start3A_612 = arith.constant 0 : i32
      %dma_start3A_613 = arith.constant 0 : i32
      %dma_start3A_614 = arith.constant 0 : i32
      %dma_start3A_615 = tpu.memref_slice %arg7[%run_scoped3A_506, %dma_start3A_612, %dma_start3A_613, %dma_start3A_614] : memref<2x512x1x32xf32, #tpu.memory_space<vmem>> -> memref<1x512x1x32xf32, #tpu.memory_space<vmem>>
      %dma_start3A_616 = tpu.memref_squeeze %dma_start3A_615 : memref<1x512x1x32xf32, #tpu.memory_space<vmem>> -> memref<512x1x32xf32, #tpu.memory_space<vmem>>
      %dma_start3A_617 = arith.constant 20 : i32
      %dma_start3A_618 = arith.constant 0 : i32
      %dma_start3A_619 = tpu.memref_slice %arg4[%mul3A_2, %dma_start3A_617, %dma_start3A_618] : memref<16384x32x128xf32, #tpu.memory_space<hbm>> -> memref<512x1x32xf32, #tpu.memory_space<hbm>>
      %dma_start3A_620 = arith.constant 20 : i32
      %dma_start3A_621 = arith.constant 0 : i32
      %dma_start3A_622 = tpu.memref_slice %arg4[%mul3A_2, %dma_start3A_620, %dma_start3A_621] : memref<16384x32x128xf32, #tpu.memory_space<hbm>> -> memref<512x1x32xf32, #tpu.memory_space<hbm>>
      %dma_start3A_623 = arith.constant 0 : i32
      %dma_start3A_624 = arith.constant 0 : i32
      %dma_start3A_625 = arith.constant 0 : i32
      %dma_start3A_626 = tpu.memref_slice %arg7[%run_scoped3A_506, %dma_start3A_623, %dma_start3A_624, %dma_start3A_625] : memref<2x512x1x32xf32, #tpu.memory_space<vmem>> -> memref<1x512x1x32xf32, #tpu.memory_space<vmem>>
      %dma_start3A_627 = tpu.memref_squeeze %dma_start3A_626 : memref<1x512x1x32xf32, #tpu.memory_space<vmem>> -> memref<512x1x32xf32, #tpu.memory_space<vmem>>
      tpu.enqueue_dma source(%dma_start3A_627 : memref<512x1x32xf32, #tpu.memory_space<vmem>>) target(%dma_start3A_622 : memref<512x1x32xf32, #tpu.memory_space<hbm>>) target_semaphore(%run_scoped3A_611 : memref<!tpu.dma_semaphore, #tpu.memory_space<semaphore_mem>>)
      %dma_wait3A_628 = arith.constant 0 : i32
      %dma_wait3A_629 = arith.constant 0 : i32
      %dma_wait3A_630 = arith.constant 0 : i32
      %dma_wait3A_631 = tpu.memref_slice %arg7[%run_scoped3A_506, %dma_wait3A_628, %dma_wait3A_629, %dma_wait3A_630] : memref<2x512x1x32xf32, #tpu.memory_space<vmem>> -> memref<1x512x1x32xf32, #tpu.memory_space<vmem>>
      %dma_wait3A_632 = tpu.memref_squeeze %dma_wait3A_631 : memref<1x512x1x32xf32, #tpu.memory_space<vmem>> -> memref<512x1x32xf32, #tpu.memory_space<vmem>>
      %dma_wait3A_633 = arith.constant 20 : i32
      %dma_wait3A_634 = arith.constant 0 : i32
      %dma_wait3A_635 = tpu.memref_slice %arg4[%mul3A_2, %dma_wait3A_633, %dma_wait3A_634] : memref<16384x32x128xf32, #tpu.memory_space<hbm>> -> memref<512x1x32xf32, #tpu.memory_space<hbm>>
      %dma_wait3A_636 = arith.constant 20 : i32
      %dma_wait3A_637 = arith.constant 0 : i32
      %dma_wait3A_638 = tpu.memref_slice %arg4[%mul3A_2, %dma_wait3A_636, %dma_wait3A_637] : memref<16384x32x128xf32, #tpu.memory_space<hbm>> -> memref<512x1x32xf32, #tpu.memory_space<hbm>>
      %dma_wait3A_639 = arith.constant 0 : i32
      %dma_wait3A_640 = arith.constant 0 : i32
      %dma_wait3A_641 = arith.constant 0 : i32
      %dma_wait3A_642 = tpu.memref_slice %arg7[%run_scoped3A_506, %dma_wait3A_639, %dma_wait3A_640, %dma_wait3A_641] : memref<2x512x1x32xf32, #tpu.memory_space<vmem>> -> memref<1x512x1x32xf32, #tpu.memory_space<vmem>>
      %dma_wait3A_643 = tpu.memref_squeeze %dma_wait3A_642 : memref<1x512x1x32xf32, #tpu.memory_space<vmem>> -> memref<512x1x32xf32, #tpu.memory_space<vmem>>
      tpu.wait_dma2 semaphore(%run_scoped3A_611 : memref<!tpu.dma_semaphore, #tpu.memory_space<semaphore_mem>>) src(%dma_wait3A_643 : memref<512x1x32xf32, #tpu.memory_space<vmem>>) dst(%dma_wait3A_638 : memref<512x1x32xf32, #tpu.memory_space<hbm>>)
      tpu.yield
    }) : () -> ()
    %dma_start3A_507 = arith.constant 0 : i32
    %dma_start3A_508 = arith.constant 0 : i32
    %dma_start3A_509 = arith.constant 0 : i32
    %dma_start3A_510 = arith.constant 0 : i32
    %dma_start3A_511 = tpu.memref_slice %arg7[%dma_start3A_507, %dma_start3A_509, %dma_start3A_508, %dma_start3A_510] : memref<2x512x1x32xf32, #tpu.memory_space<vmem>> -> memref<1x512x1x32xf32, #tpu.memory_space<vmem>>
    %dma_start3A_512 = tpu.memref_squeeze %dma_start3A_511 : memref<1x512x1x32xf32, #tpu.memory_space<vmem>> -> memref<512x32xf32, #tpu.memory_space<vmem>>
    %dma_start3A_513 = arith.constant 11264 : i32
    %dma_start3A_514 = tpu.memref_slice %arg6[%dma_start3A_513] : memref<13312xi32, #tpu.memory_space<vmem>> -> memref<512xi32, #tpu.memory_space<vmem>>
    %dma_start3A_515 = arith.constant 0 : i32
    %dma_start3A_516 = arith.constant 0 : i32
    %dma_start3A_517 = tpu.memref_slice %arg2[%dma_start3A_515, %dma_start3A_516] : memref<1000000x32xf32, #tpu.memory_space<hbm>> -> memref<1000000x32xf32, #tpu.memory_space<hbm>>
    tpu.enqueue_indirect_dma source(%dma_start3A_517 : memref<1000000x32xf32, #tpu.memory_space<hbm>>) target(%dma_start3A_512 : memref<512x32xf32, #tpu.memory_space<vmem>>) offsets(%dma_start3A_514 : memref<512xi32, #tpu.memory_space<vmem>>) semaphore(%arg8 : memref<!tpu.dma_semaphore, #tpu.memory_space<semaphore_mem>>)
    %dma_wait3A_518 = arith.constant 1 : i32
    %dma_wait3A_519 = arith.constant 0 : i32
    %dma_wait3A_520 = arith.constant 0 : i32
    %dma_wait3A_521 = arith.constant 0 : i32
    %dma_wait3A_522 = tpu.memref_slice %arg7[%dma_wait3A_518, %dma_wait3A_520, %dma_wait3A_519, %dma_wait3A_521] : memref<2x512x1x32xf32, #tpu.memory_space<vmem>> -> memref<1x512x1x32xf32, #tpu.memory_space<vmem>>
    %dma_wait3A_523 = tpu.memref_squeeze %dma_wait3A_522 : memref<1x512x1x32xf32, #tpu.memory_space<vmem>> -> memref<512x32xf32, #tpu.memory_space<vmem>>
    %dma_wait3A_524 = arith.constant 10752 : i32
    %dma_wait3A_525 = tpu.memref_slice %arg6[%dma_wait3A_524] : memref<13312xi32, #tpu.memory_space<vmem>> -> memref<512xi32, #tpu.memory_space<vmem>>
    %dma_wait3A_526 = arith.constant 0 : i32
    %dma_wait3A_527 = arith.constant 0 : i32
    %dma_wait3A_528 = tpu.memref_slice %arg2[%dma_wait3A_526, %dma_wait3A_527] : memref<1000000x32xf32, #tpu.memory_space<hbm>> -> memref<1000000x32xf32, #tpu.memory_space<hbm>>
    tpu.wait_indirect_dma semaphore(%arg9 : memref<!tpu.dma_semaphore, #tpu.memory_space<semaphore_mem>>) src(%dma_wait3A_528 : memref<1000000x32xf32, #tpu.memory_space<hbm>>) dst(%dma_wait3A_523 : memref<512x32xf32, #tpu.memory_space<vmem>>)
    %run_scoped3A_529 = arith.constant 1 : i32
    "tpu.region"() ({
      %run_scoped3A_611 = tpu.sem_alloc : memref<!tpu.dma_semaphore, #tpu.memory_space<semaphore_mem>>
      %dma_start3A_612 = arith.constant 0 : i32
      %dma_start3A_613 = arith.constant 0 : i32
      %dma_start3A_614 = arith.constant 0 : i32
      %dma_start3A_615 = tpu.memref_slice %arg7[%run_scoped3A_529, %dma_start3A_612, %dma_start3A_613, %dma_start3A_614] : memref<2x512x1x32xf32, #tpu.memory_space<vmem>> -> memref<1x512x1x32xf32, #tpu.memory_space<vmem>>
      %dma_start3A_616 = tpu.memref_squeeze %dma_start3A_615 : memref<1x512x1x32xf32, #tpu.memory_space<vmem>> -> memref<512x1x32xf32, #tpu.memory_space<vmem>>
      %dma_start3A_617 = arith.constant 21 : i32
      %dma_start3A_618 = arith.constant 0 : i32
      %dma_start3A_619 = tpu.memref_slice %arg4[%mul3A_2, %dma_start3A_617, %dma_start3A_618] : memref<16384x32x128xf32, #tpu.memory_space<hbm>> -> memref<512x1x32xf32, #tpu.memory_space<hbm>>
      %dma_start3A_620 = arith.constant 21 : i32
      %dma_start3A_621 = arith.constant 0 : i32
      %dma_start3A_622 = tpu.memref_slice %arg4[%mul3A_2, %dma_start3A_620, %dma_start3A_621] : memref<16384x32x128xf32, #tpu.memory_space<hbm>> -> memref<512x1x32xf32, #tpu.memory_space<hbm>>
      %dma_start3A_623 = arith.constant 0 : i32
      %dma_start3A_624 = arith.constant 0 : i32
      %dma_start3A_625 = arith.constant 0 : i32
      %dma_start3A_626 = tpu.memref_slice %arg7[%run_scoped3A_529, %dma_start3A_623, %dma_start3A_624, %dma_start3A_625] : memref<2x512x1x32xf32, #tpu.memory_space<vmem>> -> memref<1x512x1x32xf32, #tpu.memory_space<vmem>>
      %dma_start3A_627 = tpu.memref_squeeze %dma_start3A_626 : memref<1x512x1x32xf32, #tpu.memory_space<vmem>> -> memref<512x1x32xf32, #tpu.memory_space<vmem>>
      tpu.enqueue_dma source(%dma_start3A_627 : memref<512x1x32xf32, #tpu.memory_space<vmem>>) target(%dma_start3A_622 : memref<512x1x32xf32, #tpu.memory_space<hbm>>) target_semaphore(%run_scoped3A_611 : memref<!tpu.dma_semaphore, #tpu.memory_space<semaphore_mem>>)
      %dma_wait3A_628 = arith.constant 0 : i32
      %dma_wait3A_629 = arith.constant 0 : i32
      %dma_wait3A_630 = arith.constant 0 : i32
      %dma_wait3A_631 = tpu.memref_slice %arg7[%run_scoped3A_529, %dma_wait3A_628, %dma_wait3A_629, %dma_wait3A_630] : memref<2x512x1x32xf32, #tpu.memory_space<vmem>> -> memref<1x512x1x32xf32, #tpu.memory_space<vmem>>
      %dma_wait3A_632 = tpu.memref_squeeze %dma_wait3A_631 : memref<1x512x1x32xf32, #tpu.memory_space<vmem>> -> memref<512x1x32xf32, #tpu.memory_space<vmem>>
      %dma_wait3A_633 = arith.constant 21 : i32
      %dma_wait3A_634 = arith.constant 0 : i32
      %dma_wait3A_635 = tpu.memref_slice %arg4[%mul3A_2, %dma_wait3A_633, %dma_wait3A_634] : memref<16384x32x128xf32, #tpu.memory_space<hbm>> -> memref<512x1x32xf32, #tpu.memory_space<hbm>>
      %dma_wait3A_636 = arith.constant 21 : i32
      %dma_wait3A_637 = arith.constant 0 : i32
      %dma_wait3A_638 = tpu.memref_slice %arg4[%mul3A_2, %dma_wait3A_636, %dma_wait3A_637] : memref<16384x32x128xf32, #tpu.memory_space<hbm>> -> memref<512x1x32xf32, #tpu.memory_space<hbm>>
      %dma_wait3A_639 = arith.constant 0 : i32
      %dma_wait3A_640 = arith.constant 0 : i32
      %dma_wait3A_641 = arith.constant 0 : i32
      %dma_wait3A_642 = tpu.memref_slice %arg7[%run_scoped3A_529, %dma_wait3A_639, %dma_wait3A_640, %dma_wait3A_641] : memref<2x512x1x32xf32, #tpu.memory_space<vmem>> -> memref<1x512x1x32xf32, #tpu.memory_space<vmem>>
      %dma_wait3A_643 = tpu.memref_squeeze %dma_wait3A_642 : memref<1x512x1x32xf32, #tpu.memory_space<vmem>> -> memref<512x1x32xf32, #tpu.memory_space<vmem>>
      tpu.wait_dma2 semaphore(%run_scoped3A_611 : memref<!tpu.dma_semaphore, #tpu.memory_space<semaphore_mem>>) src(%dma_wait3A_643 : memref<512x1x32xf32, #tpu.memory_space<vmem>>) dst(%dma_wait3A_638 : memref<512x1x32xf32, #tpu.memory_space<hbm>>)
      tpu.yield
    }) : () -> ()
    %dma_start3A_530 = arith.constant 1 : i32
    %dma_start3A_531 = arith.constant 0 : i32
    %dma_start3A_532 = arith.constant 0 : i32
    %dma_start3A_533 = arith.constant 0 : i32
    %dma_start3A_534 = tpu.memref_slice %arg7[%dma_start3A_530, %dma_start3A_532, %dma_start3A_531, %dma_start3A_533] : memref<2x512x1x32xf32, #tpu.memory_space<vmem>> -> memref<1x512x1x32xf32, #tpu.memory_space<vmem>>
    %dma_start3A_535 = tpu.memref_squeeze %dma_start3A_534 : memref<1x512x1x32xf32, #tpu.memory_space<vmem>> -> memref<512x32xf32, #tpu.memory_space<vmem>>
    %dma_start3A_536 = arith.constant 11776 : i32
    %dma_start3A_537 = tpu.memref_slice %arg6[%dma_start3A_536] : memref<13312xi32, #tpu.memory_space<vmem>> -> memref<512xi32, #tpu.memory_space<vmem>>
    %dma_start3A_538 = arith.constant 0 : i32
    %dma_start3A_539 = arith.constant 0 : i32
    %dma_start3A_540 = tpu.memref_slice %arg2[%dma_start3A_538, %dma_start3A_539] : memref<1000000x32xf32, #tpu.memory_space<hbm>> -> memref<1000000x32xf32, #tpu.memory_space<hbm>>
    tpu.enqueue_indirect_dma source(%dma_start3A_540 : memref<1000000x32xf32, #tpu.memory_space<hbm>>) target(%dma_start3A_535 : memref<512x32xf32, #tpu.memory_space<vmem>>) offsets(%dma_start3A_537 : memref<512xi32, #tpu.memory_space<vmem>>) semaphore(%arg9 : memref<!tpu.dma_semaphore, #tpu.memory_space<semaphore_mem>>)
    %dma_wait3A_541 = arith.constant 0 : i32
    %dma_wait3A_542 = arith.constant 0 : i32
    %dma_wait3A_543 = arith.constant 0 : i32
    %dma_wait3A_544 = arith.constant 0 : i32
    %dma_wait3A_545 = tpu.memref_slice %arg7[%dma_wait3A_541, %dma_wait3A_543, %dma_wait3A_542, %dma_wait3A_544] : memref<2x512x1x32xf32, #tpu.memory_space<vmem>> -> memref<1x512x1x32xf32, #tpu.memory_space<vmem>>
    %dma_wait3A_546 = tpu.memref_squeeze %dma_wait3A_545 : memref<1x512x1x32xf32, #tpu.memory_space<vmem>> -> memref<512x32xf32, #tpu.memory_space<vmem>>
    %dma_wait3A_547 = arith.constant 11264 : i32
    %dma_wait3A_548 = tpu.memref_slice %arg6[%dma_wait3A_547] : memref<13312xi32, #tpu.memory_space<vmem>> -> memref<512xi32, #tpu.memory_space<vmem>>
    %dma_wait3A_549 = arith.constant 0 : i32
    %dma_wait3A_550 = arith.constant 0 : i32
    %dma_wait3A_551 = tpu.memref_slice %arg2[%dma_wait3A_549, %dma_wait3A_550] : memref<1000000x32xf32, #tpu.memory_space<hbm>> -> memref<1000000x32xf32, #tpu.memory_space<hbm>>
    tpu.wait_indirect_dma semaphore(%arg8 : memref<!tpu.dma_semaphore, #tpu.memory_space<semaphore_mem>>) src(%dma_wait3A_551 : memref<1000000x32xf32, #tpu.memory_space<hbm>>) dst(%dma_wait3A_546 : memref<512x32xf32, #tpu.memory_space<vmem>>)
    %run_scoped3A_552 = arith.constant 0 : i32
    "tpu.region"() ({
      %run_scoped3A_611 = tpu.sem_alloc : memref<!tpu.dma_semaphore, #tpu.memory_space<semaphore_mem>>
      %dma_start3A_612 = arith.constant 0 : i32
      %dma_start3A_613 = arith.constant 0 : i32
      %dma_start3A_614 = arith.constant 0 : i32
      %dma_start3A_615 = tpu.memref_slice %arg7[%run_scoped3A_552, %dma_start3A_612, %dma_start3A_613, %dma_start3A_614] : memref<2x512x1x32xf32, #tpu.memory_space<vmem>> -> memref<1x512x1x32xf32, #tpu.memory_space<vmem>>
      %dma_start3A_616 = tpu.memref_squeeze %dma_start3A_615 : memref<1x512x1x32xf32, #tpu.memory_space<vmem>> -> memref<512x1x32xf32, #tpu.memory_space<vmem>>
      %dma_start3A_617 = arith.constant 22 : i32
      %dma_start3A_618 = arith.constant 0 : i32
      %dma_start3A_619 = tpu.memref_slice %arg4[%mul3A_2, %dma_start3A_617, %dma_start3A_618] : memref<16384x32x128xf32, #tpu.memory_space<hbm>> -> memref<512x1x32xf32, #tpu.memory_space<hbm>>
      %dma_start3A_620 = arith.constant 22 : i32
      %dma_start3A_621 = arith.constant 0 : i32
      %dma_start3A_622 = tpu.memref_slice %arg4[%mul3A_2, %dma_start3A_620, %dma_start3A_621] : memref<16384x32x128xf32, #tpu.memory_space<hbm>> -> memref<512x1x32xf32, #tpu.memory_space<hbm>>
      %dma_start3A_623 = arith.constant 0 : i32
      %dma_start3A_624 = arith.constant 0 : i32
      %dma_start3A_625 = arith.constant 0 : i32
      %dma_start3A_626 = tpu.memref_slice %arg7[%run_scoped3A_552, %dma_start3A_623, %dma_start3A_624, %dma_start3A_625] : memref<2x512x1x32xf32, #tpu.memory_space<vmem>> -> memref<1x512x1x32xf32, #tpu.memory_space<vmem>>
      %dma_start3A_627 = tpu.memref_squeeze %dma_start3A_626 : memref<1x512x1x32xf32, #tpu.memory_space<vmem>> -> memref<512x1x32xf32, #tpu.memory_space<vmem>>
      tpu.enqueue_dma source(%dma_start3A_627 : memref<512x1x32xf32, #tpu.memory_space<vmem>>) target(%dma_start3A_622 : memref<512x1x32xf32, #tpu.memory_space<hbm>>) target_semaphore(%run_scoped3A_611 : memref<!tpu.dma_semaphore, #tpu.memory_space<semaphore_mem>>)
      %dma_wait3A_628 = arith.constant 0 : i32
      %dma_wait3A_629 = arith.constant 0 : i32
      %dma_wait3A_630 = arith.constant 0 : i32
      %dma_wait3A_631 = tpu.memref_slice %arg7[%run_scoped3A_552, %dma_wait3A_628, %dma_wait3A_629, %dma_wait3A_630] : memref<2x512x1x32xf32, #tpu.memory_space<vmem>> -> memref<1x512x1x32xf32, #tpu.memory_space<vmem>>
      %dma_wait3A_632 = tpu.memref_squeeze %dma_wait3A_631 : memref<1x512x1x32xf32, #tpu.memory_space<vmem>> -> memref<512x1x32xf32, #tpu.memory_space<vmem>>
      %dma_wait3A_633 = arith.constant 22 : i32
      %dma_wait3A_634 = arith.constant 0 : i32
      %dma_wait3A_635 = tpu.memref_slice %arg4[%mul3A_2, %dma_wait3A_633, %dma_wait3A_634] : memref<16384x32x128xf32, #tpu.memory_space<hbm>> -> memref<512x1x32xf32, #tpu.memory_space<hbm>>
      %dma_wait3A_636 = arith.constant 22 : i32
      %dma_wait3A_637 = arith.constant 0 : i32
      %dma_wait3A_638 = tpu.memref_slice %arg4[%mul3A_2, %dma_wait3A_636, %dma_wait3A_637] : memref<16384x32x128xf32, #tpu.memory_space<hbm>> -> memref<512x1x32xf32, #tpu.memory_space<hbm>>
      %dma_wait3A_639 = arith.constant 0 : i32
      %dma_wait3A_640 = arith.constant 0 : i32
      %dma_wait3A_641 = arith.constant 0 : i32
      %dma_wait3A_642 = tpu.memref_slice %arg7[%run_scoped3A_552, %dma_wait3A_639, %dma_wait3A_640, %dma_wait3A_641] : memref<2x512x1x32xf32, #tpu.memory_space<vmem>> -> memref<1x512x1x32xf32, #tpu.memory_space<vmem>>
      %dma_wait3A_643 = tpu.memref_squeeze %dma_wait3A_642 : memref<1x512x1x32xf32, #tpu.memory_space<vmem>> -> memref<512x1x32xf32, #tpu.memory_space<vmem>>
      tpu.wait_dma2 semaphore(%run_scoped3A_611 : memref<!tpu.dma_semaphore, #tpu.memory_space<semaphore_mem>>) src(%dma_wait3A_643 : memref<512x1x32xf32, #tpu.memory_space<vmem>>) dst(%dma_wait3A_638 : memref<512x1x32xf32, #tpu.memory_space<hbm>>)
      tpu.yield
    }) : () -> ()
    %dma_start3A_553 = arith.constant 0 : i32
    %dma_start3A_554 = arith.constant 0 : i32
    %dma_start3A_555 = arith.constant 0 : i32
    %dma_start3A_556 = arith.constant 0 : i32
    %dma_start3A_557 = tpu.memref_slice %arg7[%dma_start3A_553, %dma_start3A_555, %dma_start3A_554, %dma_start3A_556] : memref<2x512x1x32xf32, #tpu.memory_space<vmem>> -> memref<1x512x1x32xf32, #tpu.memory_space<vmem>>
    %dma_start3A_558 = tpu.memref_squeeze %dma_start3A_557 : memref<1x512x1x32xf32, #tpu.memory_space<vmem>> -> memref<512x32xf32, #tpu.memory_space<vmem>>
    %dma_start3A_559 = arith.constant 12288 : i32
    %dma_start3A_560 = tpu.memref_slice %arg6[%dma_start3A_559] : memref<13312xi32, #tpu.memory_space<vmem>> -> memref<512xi32, #tpu.memory_space<vmem>>
    %dma_start3A_561 = arith.constant 0 : i32
    %dma_start3A_562 = arith.constant 0 : i32
    %dma_start3A_563 = tpu.memref_slice %arg2[%dma_start3A_561, %dma_start3A_562] : memref<1000000x32xf32, #tpu.memory_space<hbm>> -> memref<1000000x32xf32, #tpu.memory_space<hbm>>
    tpu.enqueue_indirect_dma source(%dma_start3A_563 : memref<1000000x32xf32, #tpu.memory_space<hbm>>) target(%dma_start3A_558 : memref<512x32xf32, #tpu.memory_space<vmem>>) offsets(%dma_start3A_560 : memref<512xi32, #tpu.memory_space<vmem>>) semaphore(%arg8 : memref<!tpu.dma_semaphore, #tpu.memory_space<semaphore_mem>>)
    %dma_wait3A_564 = arith.constant 1 : i32
    %dma_wait3A_565 = arith.constant 0 : i32
    %dma_wait3A_566 = arith.constant 0 : i32
    %dma_wait3A_567 = arith.constant 0 : i32
    %dma_wait3A_568 = tpu.memref_slice %arg7[%dma_wait3A_564, %dma_wait3A_566, %dma_wait3A_565, %dma_wait3A_567] : memref<2x512x1x32xf32, #tpu.memory_space<vmem>> -> memref<1x512x1x32xf32, #tpu.memory_space<vmem>>
    %dma_wait3A_569 = tpu.memref_squeeze %dma_wait3A_568 : memref<1x512x1x32xf32, #tpu.memory_space<vmem>> -> memref<512x32xf32, #tpu.memory_space<vmem>>
    %dma_wait3A_570 = arith.constant 11776 : i32
    %dma_wait3A_571 = tpu.memref_slice %arg6[%dma_wait3A_570] : memref<13312xi32, #tpu.memory_space<vmem>> -> memref<512xi32, #tpu.memory_space<vmem>>
    %dma_wait3A_572 = arith.constant 0 : i32
    %dma_wait3A_573 = arith.constant 0 : i32
    %dma_wait3A_574 = tpu.memref_slice %arg2[%dma_wait3A_572, %dma_wait3A_573] : memref<1000000x32xf32, #tpu.memory_space<hbm>> -> memref<1000000x32xf32, #tpu.memory_space<hbm>>
    tpu.wait_indirect_dma semaphore(%arg9 : memref<!tpu.dma_semaphore, #tpu.memory_space<semaphore_mem>>) src(%dma_wait3A_574 : memref<1000000x32xf32, #tpu.memory_space<hbm>>) dst(%dma_wait3A_569 : memref<512x32xf32, #tpu.memory_space<vmem>>)
    %run_scoped3A_575 = arith.constant 1 : i32
    "tpu.region"() ({
      %run_scoped3A_611 = tpu.sem_alloc : memref<!tpu.dma_semaphore, #tpu.memory_space<semaphore_mem>>
      %dma_start3A_612 = arith.constant 0 : i32
      %dma_start3A_613 = arith.constant 0 : i32
      %dma_start3A_614 = arith.constant 0 : i32
      %dma_start3A_615 = tpu.memref_slice %arg7[%run_scoped3A_575, %dma_start3A_612, %dma_start3A_613, %dma_start3A_614] : memref<2x512x1x32xf32, #tpu.memory_space<vmem>> -> memref<1x512x1x32xf32, #tpu.memory_space<vmem>>
      %dma_start3A_616 = tpu.memref_squeeze %dma_start3A_615 : memref<1x512x1x32xf32, #tpu.memory_space<vmem>> -> memref<512x1x32xf32, #tpu.memory_space<vmem>>
      %dma_start3A_617 = arith.constant 23 : i32
      %dma_start3A_618 = arith.constant 0 : i32
      %dma_start3A_619 = tpu.memref_slice %arg4[%mul3A_2, %dma_start3A_617, %dma_start3A_618] : memref<16384x32x128xf32, #tpu.memory_space<hbm>> -> memref<512x1x32xf32, #tpu.memory_space<hbm>>
      %dma_start3A_620 = arith.constant 23 : i32
      %dma_start3A_621 = arith.constant 0 : i32
      %dma_start3A_622 = tpu.memref_slice %arg4[%mul3A_2, %dma_start3A_620, %dma_start3A_621] : memref<16384x32x128xf32, #tpu.memory_space<hbm>> -> memref<512x1x32xf32, #tpu.memory_space<hbm>>
      %dma_start3A_623 = arith.constant 0 : i32
      %dma_start3A_624 = arith.constant 0 : i32
      %dma_start3A_625 = arith.constant 0 : i32
      %dma_start3A_626 = tpu.memref_slice %arg7[%run_scoped3A_575, %dma_start3A_623, %dma_start3A_624, %dma_start3A_625] : memref<2x512x1x32xf32, #tpu.memory_space<vmem>> -> memref<1x512x1x32xf32, #tpu.memory_space<vmem>>
      %dma_start3A_627 = tpu.memref_squeeze %dma_start3A_626 : memref<1x512x1x32xf32, #tpu.memory_space<vmem>> -> memref<512x1x32xf32, #tpu.memory_space<vmem>>
      tpu.enqueue_dma source(%dma_start3A_627 : memref<512x1x32xf32, #tpu.memory_space<vmem>>) target(%dma_start3A_622 : memref<512x1x32xf32, #tpu.memory_space<hbm>>) target_semaphore(%run_scoped3A_611 : memref<!tpu.dma_semaphore, #tpu.memory_space<semaphore_mem>>)
      %dma_wait3A_628 = arith.constant 0 : i32
      %dma_wait3A_629 = arith.constant 0 : i32
      %dma_wait3A_630 = arith.constant 0 : i32
      %dma_wait3A_631 = tpu.memref_slice %arg7[%run_scoped3A_575, %dma_wait3A_628, %dma_wait3A_629, %dma_wait3A_630] : memref<2x512x1x32xf32, #tpu.memory_space<vmem>> -> memref<1x512x1x32xf32, #tpu.memory_space<vmem>>
      %dma_wait3A_632 = tpu.memref_squeeze %dma_wait3A_631 : memref<1x512x1x32xf32, #tpu.memory_space<vmem>> -> memref<512x1x32xf32, #tpu.memory_space<vmem>>
      %dma_wait3A_633 = arith.constant 23 : i32
      %dma_wait3A_634 = arith.constant 0 : i32
      %dma_wait3A_635 = tpu.memref_slice %arg4[%mul3A_2, %dma_wait3A_633, %dma_wait3A_634] : memref<16384x32x128xf32, #tpu.memory_space<hbm>> -> memref<512x1x32xf32, #tpu.memory_space<hbm>>
      %dma_wait3A_636 = arith.constant 23 : i32
      %dma_wait3A_637 = arith.constant 0 : i32
      %dma_wait3A_638 = tpu.memref_slice %arg4[%mul3A_2, %dma_wait3A_636, %dma_wait3A_637] : memref<16384x32x128xf32, #tpu.memory_space<hbm>> -> memref<512x1x32xf32, #tpu.memory_space<hbm>>
      %dma_wait3A_639 = arith.constant 0 : i32
      %dma_wait3A_640 = arith.constant 0 : i32
      %dma_wait3A_641 = arith.constant 0 : i32
      %dma_wait3A_642 = tpu.memref_slice %arg7[%run_scoped3A_575, %dma_wait3A_639, %dma_wait3A_640, %dma_wait3A_641] : memref<2x512x1x32xf32, #tpu.memory_space<vmem>> -> memref<1x512x1x32xf32, #tpu.memory_space<vmem>>
      %dma_wait3A_643 = tpu.memref_squeeze %dma_wait3A_642 : memref<1x512x1x32xf32, #tpu.memory_space<vmem>> -> memref<512x1x32xf32, #tpu.memory_space<vmem>>
      tpu.wait_dma2 semaphore(%run_scoped3A_611 : memref<!tpu.dma_semaphore, #tpu.memory_space<semaphore_mem>>) src(%dma_wait3A_643 : memref<512x1x32xf32, #tpu.memory_space<vmem>>) dst(%dma_wait3A_638 : memref<512x1x32xf32, #tpu.memory_space<hbm>>)
      tpu.yield
    }) : () -> ()
    %dma_start3A_576 = arith.constant 1 : i32
    %dma_start3A_577 = arith.constant 0 : i32
    %dma_start3A_578 = arith.constant 0 : i32
    %dma_start3A_579 = arith.constant 0 : i32
    %dma_start3A_580 = tpu.memref_slice %arg7[%dma_start3A_576, %dma_start3A_578, %dma_start3A_577, %dma_start3A_579] : memref<2x512x1x32xf32, #tpu.memory_space<vmem>> -> memref<1x512x1x32xf32, #tpu.memory_space<vmem>>
    %dma_start3A_581 = tpu.memref_squeeze %dma_start3A_580 : memref<1x512x1x32xf32, #tpu.memory_space<vmem>> -> memref<512x32xf32, #tpu.memory_space<vmem>>
    %dma_start3A_582 = arith.constant 12800 : i32
    %dma_start3A_583 = tpu.memref_slice %arg6[%dma_start3A_582] : memref<13312xi32, #tpu.memory_space<vmem>> -> memref<512xi32, #tpu.memory_space<vmem>>
    %dma_start3A_584 = arith.constant 0 : i32
    %dma_start3A_585 = arith.constant 0 : i32
    %dma_start3A_586 = tpu.memref_slice %arg2[%dma_start3A_584, %dma_start3A_585] : memref<1000000x32xf32, #tpu.memory_space<hbm>> -> memref<1000000x32xf32, #tpu.memory_space<hbm>>
    tpu.enqueue_indirect_dma source(%dma_start3A_586 : memref<1000000x32xf32, #tpu.memory_space<hbm>>) target(%dma_start3A_581 : memref<512x32xf32, #tpu.memory_space<vmem>>) offsets(%dma_start3A_583 : memref<512xi32, #tpu.memory_space<vmem>>) semaphore(%arg9 : memref<!tpu.dma_semaphore, #tpu.memory_space<semaphore_mem>>)
    %dma_wait3A_587 = arith.constant 0 : i32
    %dma_wait3A_588 = arith.constant 0 : i32
    %dma_wait3A_589 = arith.constant 0 : i32
    %dma_wait3A_590 = arith.constant 0 : i32
    %dma_wait3A_591 = tpu.memref_slice %arg7[%dma_wait3A_587, %dma_wait3A_589, %dma_wait3A_588, %dma_wait3A_590] : memref<2x512x1x32xf32, #tpu.memory_space<vmem>> -> memref<1x512x1x32xf32, #tpu.memory_space<vmem>>
    %dma_wait3A_592 = tpu.memref_squeeze %dma_wait3A_591 : memref<1x512x1x32xf32, #tpu.memory_space<vmem>> -> memref<512x32xf32, #tpu.memory_space<vmem>>
    %dma_wait3A_593 = arith.constant 12288 : i32
    %dma_wait3A_594 = tpu.memref_slice %arg6[%dma_wait3A_593] : memref<13312xi32, #tpu.memory_space<vmem>> -> memref<512xi32, #tpu.memory_space<vmem>>
    %dma_wait3A_595 = arith.constant 0 : i32
    %dma_wait3A_596 = arith.constant 0 : i32
    %dma_wait3A_597 = tpu.memref_slice %arg2[%dma_wait3A_595, %dma_wait3A_596] : memref<1000000x32xf32, #tpu.memory_space<hbm>> -> memref<1000000x32xf32, #tpu.memory_space<hbm>>
    tpu.wait_indirect_dma semaphore(%arg8 : memref<!tpu.dma_semaphore, #tpu.memory_space<semaphore_mem>>) src(%dma_wait3A_597 : memref<1000000x32xf32, #tpu.memory_space<hbm>>) dst(%dma_wait3A_592 : memref<512x32xf32, #tpu.memory_space<vmem>>)
    %run_scoped3A_598 = arith.constant 0 : i32
    "tpu.region"() ({
      %run_scoped3A_611 = tpu.sem_alloc : memref<!tpu.dma_semaphore, #tpu.memory_space<semaphore_mem>>
      %dma_start3A_612 = arith.constant 0 : i32
      %dma_start3A_613 = arith.constant 0 : i32
      %dma_start3A_614 = arith.constant 0 : i32
      %dma_start3A_615 = tpu.memref_slice %arg7[%run_scoped3A_598, %dma_start3A_612, %dma_start3A_613, %dma_start3A_614] : memref<2x512x1x32xf32, #tpu.memory_space<vmem>> -> memref<1x512x1x32xf32, #tpu.memory_space<vmem>>
      %dma_start3A_616 = tpu.memref_squeeze %dma_start3A_615 : memref<1x512x1x32xf32, #tpu.memory_space<vmem>> -> memref<512x1x32xf32, #tpu.memory_space<vmem>>
      %dma_start3A_617 = arith.constant 24 : i32
      %dma_start3A_618 = arith.constant 0 : i32
      %dma_start3A_619 = tpu.memref_slice %arg4[%mul3A_2, %dma_start3A_617, %dma_start3A_618] : memref<16384x32x128xf32, #tpu.memory_space<hbm>> -> memref<512x1x32xf32, #tpu.memory_space<hbm>>
      %dma_start3A_620 = arith.constant 24 : i32
      %dma_start3A_621 = arith.constant 0 : i32
      %dma_start3A_622 = tpu.memref_slice %arg4[%mul3A_2, %dma_start3A_620, %dma_start3A_621] : memref<16384x32x128xf32, #tpu.memory_space<hbm>> -> memref<512x1x32xf32, #tpu.memory_space<hbm>>
      %dma_start3A_623 = arith.constant 0 : i32
      %dma_start3A_624 = arith.constant 0 : i32
      %dma_start3A_625 = arith.constant 0 : i32
      %dma_start3A_626 = tpu.memref_slice %arg7[%run_scoped3A_598, %dma_start3A_623, %dma_start3A_624, %dma_start3A_625] : memref<2x512x1x32xf32, #tpu.memory_space<vmem>> -> memref<1x512x1x32xf32, #tpu.memory_space<vmem>>
      %dma_start3A_627 = tpu.memref_squeeze %dma_start3A_626 : memref<1x512x1x32xf32, #tpu.memory_space<vmem>> -> memref<512x1x32xf32, #tpu.memory_space<vmem>>
      tpu.enqueue_dma source(%dma_start3A_627 : memref<512x1x32xf32, #tpu.memory_space<vmem>>) target(%dma_start3A_622 : memref<512x1x32xf32, #tpu.memory_space<hbm>>) target_semaphore(%run_scoped3A_611 : memref<!tpu.dma_semaphore, #tpu.memory_space<semaphore_mem>>)
      %dma_wait3A_628 = arith.constant 0 : i32
      %dma_wait3A_629 = arith.constant 0 : i32
      %dma_wait3A_630 = arith.constant 0 : i32
      %dma_wait3A_631 = tpu.memref_slice %arg7[%run_scoped3A_598, %dma_wait3A_628, %dma_wait3A_629, %dma_wait3A_630] : memref<2x512x1x32xf32, #tpu.memory_space<vmem>> -> memref<1x512x1x32xf32, #tpu.memory_space<vmem>>
      %dma_wait3A_632 = tpu.memref_squeeze %dma_wait3A_631 : memref<1x512x1x32xf32, #tpu.memory_space<vmem>> -> memref<512x1x32xf32, #tpu.memory_space<vmem>>
      %dma_wait3A_633 = arith.constant 24 : i32
      %dma_wait3A_634 = arith.constant 0 : i32
      %dma_wait3A_635 = tpu.memref_slice %arg4[%mul3A_2, %dma_wait3A_633, %dma_wait3A_634] : memref<16384x32x128xf32, #tpu.memory_space<hbm>> -> memref<512x1x32xf32, #tpu.memory_space<hbm>>
      %dma_wait3A_636 = arith.constant 24 : i32
      %dma_wait3A_637 = arith.constant 0 : i32
      %dma_wait3A_638 = tpu.memref_slice %arg4[%mul3A_2, %dma_wait3A_636, %dma_wait3A_637] : memref<16384x32x128xf32, #tpu.memory_space<hbm>> -> memref<512x1x32xf32, #tpu.memory_space<hbm>>
      %dma_wait3A_639 = arith.constant 0 : i32
      %dma_wait3A_640 = arith.constant 0 : i32
      %dma_wait3A_641 = arith.constant 0 : i32
      %dma_wait3A_642 = tpu.memref_slice %arg7[%run_scoped3A_598, %dma_wait3A_639, %dma_wait3A_640, %dma_wait3A_641] : memref<2x512x1x32xf32, #tpu.memory_space<vmem>> -> memref<1x512x1x32xf32, #tpu.memory_space<vmem>>
      %dma_wait3A_643 = tpu.memref_squeeze %dma_wait3A_642 : memref<1x512x1x32xf32, #tpu.memory_space<vmem>> -> memref<512x1x32xf32, #tpu.memory_space<vmem>>
      tpu.wait_dma2 semaphore(%run_scoped3A_611 : memref<!tpu.dma_semaphore, #tpu.memory_space<semaphore_mem>>) src(%dma_wait3A_643 : memref<512x1x32xf32, #tpu.memory_space<vmem>>) dst(%dma_wait3A_638 : memref<512x1x32xf32, #tpu.memory_space<hbm>>)
      tpu.yield
    }) : () -> ()
    %dma_wait3A_599 = arith.constant 1 : i32
    %dma_wait3A_600 = arith.constant 0 : i32
    %dma_wait3A_601 = arith.constant 0 : i32
    %dma_wait3A_602 = arith.constant 0 : i32
    %dma_wait3A_603 = tpu.memref_slice %arg7[%dma_wait3A_599, %dma_wait3A_601, %dma_wait3A_600, %dma_wait3A_602] : memref<2x512x1x32xf32, #tpu.memory_space<vmem>> -> memref<1x512x1x32xf32, #tpu.memory_space<vmem>>
    %dma_wait3A_604 = tpu.memref_squeeze %dma_wait3A_603 : memref<1x512x1x32xf32, #tpu.memory_space<vmem>> -> memref<512x32xf32, #tpu.memory_space<vmem>>
    %dma_wait3A_605 = arith.constant 12800 : i32
    %dma_wait3A_606 = tpu.memref_slice %arg6[%dma_wait3A_605] : memref<13312xi32, #tpu.memory_space<vmem>> -> memref<512xi32, #tpu.memory_space<vmem>>
    %dma_wait3A_607 = arith.constant 0 : i32
    %dma_wait3A_608 = arith.constant 0 : i32
    %dma_wait3A_609 = tpu.memref_slice %arg2[%dma_wait3A_607, %dma_wait3A_608] : memref<1000000x32xf32, #tpu.memory_space<hbm>> -> memref<1000000x32xf32, #tpu.memory_space<hbm>>
    tpu.wait_indirect_dma semaphore(%arg9 : memref<!tpu.dma_semaphore, #tpu.memory_space<semaphore_mem>>) src(%dma_wait3A_609 : memref<1000000x32xf32, #tpu.memory_space<hbm>>) dst(%dma_wait3A_604 : memref<512x32xf32, #tpu.memory_space<vmem>>)
    %run_scoped3A_610 = arith.constant 1 : i32
    "tpu.region"() ({
      %run_scoped3A_611 = tpu.sem_alloc : memref<!tpu.dma_semaphore, #tpu.memory_space<semaphore_mem>>
      %dma_start3A_612 = arith.constant 0 : i32
      %dma_start3A_613 = arith.constant 0 : i32
      %dma_start3A_614 = arith.constant 0 : i32
      %dma_start3A_615 = tpu.memref_slice %arg7[%run_scoped3A_610, %dma_start3A_612, %dma_start3A_613, %dma_start3A_614] : memref<2x512x1x32xf32, #tpu.memory_space<vmem>> -> memref<1x512x1x32xf32, #tpu.memory_space<vmem>>
      %dma_start3A_616 = tpu.memref_squeeze %dma_start3A_615 : memref<1x512x1x32xf32, #tpu.memory_space<vmem>> -> memref<512x1x32xf32, #tpu.memory_space<vmem>>
      %dma_start3A_617 = arith.constant 25 : i32
      %dma_start3A_618 = arith.constant 0 : i32
      %dma_start3A_619 = tpu.memref_slice %arg4[%mul3A_2, %dma_start3A_617, %dma_start3A_618] : memref<16384x32x128xf32, #tpu.memory_space<hbm>> -> memref<512x1x32xf32, #tpu.memory_space<hbm>>
      %dma_start3A_620 = arith.constant 25 : i32
      %dma_start3A_621 = arith.constant 0 : i32
      %dma_start3A_622 = tpu.memref_slice %arg4[%mul3A_2, %dma_start3A_620, %dma_start3A_621] : memref<16384x32x128xf32, #tpu.memory_space<hbm>> -> memref<512x1x32xf32, #tpu.memory_space<hbm>>
      %dma_start3A_623 = arith.constant 0 : i32
      %dma_start3A_624 = arith.constant 0 : i32
      %dma_start3A_625 = arith.constant 0 : i32
      %dma_start3A_626 = tpu.memref_slice %arg7[%run_scoped3A_610, %dma_start3A_623, %dma_start3A_624, %dma_start3A_625] : memref<2x512x1x32xf32, #tpu.memory_space<vmem>> -> memref<1x512x1x32xf32, #tpu.memory_space<vmem>>
      %dma_start3A_627 = tpu.memref_squeeze %dma_start3A_626 : memref<1x512x1x32xf32, #tpu.memory_space<vmem>> -> memref<512x1x32xf32, #tpu.memory_space<vmem>>
      tpu.enqueue_dma source(%dma_start3A_627 : memref<512x1x32xf32, #tpu.memory_space<vmem>>) target(%dma_start3A_622 : memref<512x1x32xf32, #tpu.memory_space<hbm>>) target_semaphore(%run_scoped3A_611 : memref<!tpu.dma_semaphore, #tpu.memory_space<semaphore_mem>>)
      %dma_wait3A_628 = arith.constant 0 : i32
      %dma_wait3A_629 = arith.constant 0 : i32
      %dma_wait3A_630 = arith.constant 0 : i32
      %dma_wait3A_631 = tpu.memref_slice %arg7[%run_scoped3A_610, %dma_wait3A_628, %dma_wait3A_629, %dma_wait3A_630] : memref<2x512x1x32xf32, #tpu.memory_space<vmem>> -> memref<1x512x1x32xf32, #tpu.memory_space<vmem>>
      %dma_wait3A_632 = tpu.memref_squeeze %dma_wait3A_631 : memref<1x512x1x32xf32, #tpu.memory_space<vmem>> -> memref<512x1x32xf32, #tpu.memory_space<vmem>>
      %dma_wait3A_633 = arith.constant 25 : i32
      %dma_wait3A_634 = arith.constant 0 : i32
      %dma_wait3A_635 = tpu.memref_slice %arg4[%mul3A_2, %dma_wait3A_633, %dma_wait3A_634] : memref<16384x32x128xf32, #tpu.memory_space<hbm>> -> memref<512x1x32xf32, #tpu.memory_space<hbm>>
      %dma_wait3A_636 = arith.constant 25 : i32
      %dma_wait3A_637 = arith.constant 0 : i32
      %dma_wait3A_638 = tpu.memref_slice %arg4[%mul3A_2, %dma_wait3A_636, %dma_wait3A_637] : memref<16384x32x128xf32, #tpu.memory_space<hbm>> -> memref<512x1x32xf32, #tpu.memory_space<hbm>>
      %dma_wait3A_639 = arith.constant 0 : i32
      %dma_wait3A_640 = arith.constant 0 : i32
      %dma_wait3A_641 = arith.constant 0 : i32
      %dma_wait3A_642 = tpu.memref_slice %arg7[%run_scoped3A_610, %dma_wait3A_639, %dma_wait3A_640, %dma_wait3A_641] : memref<2x512x1x32xf32, #tpu.memory_space<vmem>> -> memref<1x512x1x32xf32, #tpu.memory_space<vmem>>
      %dma_wait3A_643 = tpu.memref_squeeze %dma_wait3A_642 : memref<1x512x1x32xf32, #tpu.memory_space<vmem>> -> memref<512x1x32xf32, #tpu.memory_space<vmem>>
      tpu.wait_dma2 semaphore(%run_scoped3A_611 : memref<!tpu.dma_semaphore, #tpu.memory_space<semaphore_mem>>) src(%dma_wait3A_643 : memref<512x1x32xf32, #tpu.memory_space<vmem>>) dst(%dma_wait3A_638 : memref<512x1x32xf32, #tpu.memory_space<hbm>>)
      tpu.yield
    }) : () -> ()
    return
  }
}

</mosaic_0001>

<sc_bundles>
// kernel: _sc_gather.3.cloned.1.call-start
scs
__scs_entry_jumppad:
0x0: {  	(pc) =	sbr.rel $0x88, $3  }
0x1: {  	(tag) =	ssettag $0x0;
	lr =	simm.s32 $0x1  }
0x2: {  	[smem:$0x3F9F] =	sst lr;
	_ =	strace $0xD0000000  }
0x3: {  	_ = 	snop  }
0x4: {  	_ = 	snop  }
0x5: {  	_ = 	snop  }
0x6: {  	_ = 	snop  }
0x7: {  	_ = 	snop  }
__scs_overlays_trampoline_lowered:
0x8: {  	[smem:$0x3FAE] =	sst s0  }
0x9: {  	[smem:$0x3FAF] =	sst s1  }
0xa: {  	[smem:$0x3FB0] =	sst s2  }
0xb: {  	[smem:$0x3FB1] =	sst s3  }
0xc: {  	[smem:$0x3FB2] =	sst s4  }
0xd: {  	[smem:$0x3FB3] =	sst s5  }
0xe: {  	[smem:$0x3FB4] =	sst s6  }
0xf: {  	[smem:$0x3FB5] =	sst s7  }
0x10: {  	[smem:$0x3FB6] =	sst s8  }
0x11: {  	[smem:$0x3FB7] =	sst s9;
	s0 =	simm.s32 @!p0 $0x0  }
0x12: {  	s1 =	sld [smem:$0x3F9D];
	s0 =	simm.s32 @p0 $0x1  }
0x13: {  	[smem:$0x3FB8] =	sst s0;
	s0 =	simm.s32 @!p1 $0x0  }
0x14: {  	s2 =	sld [smem:$0x3F9C];
	s0 =	simm.s32 @p1 $0x1  }
0x15: {  	[smem:$0x3FB9] =	sst s0;
	s0 =	simm.s32 @!p2 $0x0  }
0x16: {  	s3 =	sld [smem:$0x3FDB];
	s0 =	simm.s32 @p2 $0x1  }
0x17: {  	s4 =	simm.s32 $0x1BF5;
	[smem:$0x3FBB] =	sst s0  }
0x18: {  	s0 =	sld [smem:$0x3F9E];
	_ =	swait.ge [sflag:s4], $0x0  }
0x19: {  	s7 =	sld [smem:$0x3F9F]  }
0x1a: {  	s8 =	sadd.s32 $0xFFFFE003, lr  }
0x1b: {  	s9 =	sadd.s32 $0xFFFFFEF7, lr;
	s5 =	simm.s32 $0xFFFFFFFF;
	p2 =	slt.u32 s8, $0xFFFFF086  }
0x1c: {  	p1 =	slt.u32 s9, $0xF7A;
	s5 =	simm.s32 @!p2 $0x0  }
0x1d: {  	s5 =	simm.s32 @p1 $0x1;
	p0 =	seq.s32 s7, s2  }
0x1e: {  	s7 =	smul.u32 @!p0 $0xF7A, s2;
	p2 =	seq.s32 @!p0 s5, $0x0  }
0x1f: {  	s9 =	smul.u32 $0xF7A, s1;
	s8 =	simm.s32 @!p0 $0x1BF5;
	p2 =	por !p2, p0  }
0x20: {  	[sflag:s8] =	ssyncset.s32 @!p0 $0xFFFFF086;
	s6 =	sadd.s32 @!p0 s3, s7;
	s7 =	simm.s32 @!p0 $0x108  }
0x21: {  	s3 =	sadd.s32 s3, s9;
	s6 =	sadd.s32 @!p0 $0x88, s6;
	s7 =	simm.s32 @p2 $0x1082  }
0x22: {  	[simem:s7], [sflag:s8] =	dma.local @!p0 [hbm:s6], $0xF7A  }
0x23: {  	s9 =	sor.u32 $0xD0000000, s2;
	s6 =	simm.s32 $0x108;
	_ =	swait.ge @!p0 [sflag:s8], $0x0  }
0x24: {  	s3 =	sadd.s32 $0x88, s3;
	s6 =	simm.s32 @!p1 $0x1082;
	[sflag:s4] =	ssyncset.s32 $0xFFFFF086  }
0x25: {  	[simem:s6], [sflag:s4] =	dma.local [hbm:s3], $0xF7A  }
0x26: {  	[smem:$0x3F9F] =	sst s1;
	(tag) =	ssettag s2;
	_ =	strace s9  }
0x27: {  	s1 =	sld [smem:$0x3FAF]  }
0x28: {  	s2 =	sld [smem:$0x3FB0]  }
0x29: {  	s4 =	sld [smem:$0x3FB2]  }
0x2a: {  	p0 =	seq.s32 s5, $0x0;
	s5 =	sld [smem:$0x3FB3]  }
0x2b: {  	s6 =	sld [smem:$0x3FB4]  }
0x2c: {  	s7 =	sld [smem:$0x3FB5]  }
0x2d: {  	s3 =	simm.s32 $0x108;
	s8 =	sld [smem:$0x3FB6]  }
0x2e: {  	s3 =	simm.s32 @!p0 $0x1082;
	s9 =	sld [smem:$0x3FB7]  }
0x2f: {  	lr =	sadd.s32 s0, s3;
	s0 =	sld [smem:$0x3FAE]  }
0x30: {  	s3 =	sld [smem:$0x3FB1]  }
0x31: {  	[smem:$0x3FBA] =	sst s10  }
0x32: {  	s10 =	sld [smem:$0x3FB8];
	_ =	sdelay $0x3  }
0x33: {  	p0 =	seq.s32 s10, $0x1;
	s10 =	sld [smem:$0x3FBA];
	_ =	sdelay $0x3  }
0x34: {  	[smem:$0x3FBA] =	sst s10  }
0x35: {  	s10 =	sld [smem:$0x3FB9];
	_ =	sdelay $0x3  }
0x36: {  	p1 =	seq.s32 s10, $0x1;
	s10 =	sld [smem:$0x3FBA];
	_ =	sdelay $0x3  }
0x37: {  	[smem:$0x3FBA] =	sst s10  }
0x38: {  	s10 =	sld [smem:$0x3FBB]  }
0x39: {  	_ = 	snop;
	(pc) =	sbr.ind lr, $3  }
0x3a: {  	_ = 	snop  }
0x3b: {  	_ = 	snop  }
0x3c: {  	p2 =	seq.s32 s10, $0x1;
	s10 =	sld [smem:$0x3FBA]  }
0x3d: {  	_ =	shalt  }
0x3e: {  	_ =	shalt  }
0x3f: {  	_ =	shalt  }
0x40: {  	_ =	shalt  }
0x41: {  	_ =	shalt  }
0x42: {  	_ =	shalt  }
0x43: {  	_ =	shalt  }
0x44: {  	_ =	shalt  }
0x45: {  	_ =	shalt  }
0x46: {  	_ =	shalt  }
0x47: {  	_ =	shalt  }
0x48: {  	_ =	shalt  }
0x49: {  	_ =	shalt  }
0x4a: {  	_ =	shalt  }
0x4b: {  	_ =	shalt  }
0x4c: {  	_ =	shalt  }
0x4d: {  	_ =	shalt  }
0x4e: {  	_ =	shalt  }
0x4f: {  	_ =	shalt  }
0x50: {  	_ =	shalt  }
0x51: {  	_ =	shalt  }
0x52: {  	_ =	shalt  }
0x53: {  	_ =	shalt  }
0x54: {  	_ =	shalt  }
0x55: {  	_ =	shalt  }
0x56: {  	_ =	shalt  }
0x57: {  	_ =	shalt  }
0x58: {  	_ =	shalt  }
0x59: {  	_ =	shalt  }
0x5a: {  	_ =	shalt  }
0x5b: {  	_ =	shalt  }
0x5c: {  	_ =	shalt  }
0x5d: {  	_ =	shalt  }
0x5e: {  	_ =	shalt  }
0x5f: {  	_ =	shalt  }
0x60: {  	_ =	shalt  }
0x61: {  	_ =	shalt  }
0x62: {  	_ =	shalt  }
0x63: {  	_ =	shalt  }
0x64: {  	_ =	shalt  }
0x65: {  	_ =	shalt  }
0x66: {  	_ =	shalt  }
0x67: {  	_ =	shalt  }
0x68: {  	_ =	shalt  }
0x69: {  	_ =	shalt  }
0x6a: {  	_ =	shalt  }
0x6b: {  	_ =	shalt  }
0x6c: {  	_ =	shalt  }
0x6d: {  	_ =	shalt  }
0x6e: {  	_ =	shalt  }
0x6f: {  	_ =	shalt  }
0x70: {  	_ =	shalt  }
0x71: {  	_ =	shalt  }
0x72: {  	_ =	shalt  }
0x73: {  	_ =	shalt  }
0x74: {  	_ =	shalt  }
0x75: {  	_ =	shalt  }
0x76: {  	_ =	shalt  }
0x77: {  	_ =	shalt  }
0x78: {  	_ =	shalt  }
0x79: {  	_ =	shalt  }
0x7a: {  	_ =	shalt  }
0x7b: {  	_ =	shalt  }
0x7c: {  	_ =	shalt  }
0x7d: {  	_ =	shalt  }
0x7e: {  	_ =	shalt  }
0x7f: {  	_ =	shalt  }
0x80: {  	_ =	shalt  }
0x81: {  	_ =	shalt  }
0x82: {  	_ =	shalt  }
0x83: {  	_ =	shalt  }
0x84: {  	_ =	shalt  }
0x85: {  	_ =	shalt  }
0x86: {  	_ =	shalt  }
0x87: {  	_ =	shalt  }
.Lfunc_end0:
.L_simem_size_0:
called_computation_lowered:
.L_overlay_start_0:
0x88: {  	s2 =	sld [smem:$0x3FD9]  }
0x89: {  	s3 =	sld [smem:$0x3FFE];
	_ =	sdelay $0x1  }
0x8a: {  	s1 =	srdreg.scid  }
0x8b: {  	s0 =	sand.u32 $0x1, s1  }
0x8c: {  	s17 =	sshll.u32 s0, $0xA;
	s2 =	sadd.s32 s3, s2  }
0x8d: {  	s2 =	sadd.s32 s2, s17  }
0x8e: {  	[smem:$0x3FC6] =	sst s2  }
0x8f: {  	_ = 	snop  }
0x90: {  	s2 =	sld [smem:$0x3FD0];
	(tm) =	ssettm $0x1  }
0x91: {  	s18 =	sld [smem:$0x3FFB];
	_ =	sdelay $0x3  }
0x92: {  	_ =	strace s18  }
0x93: {  	s3 =	sld [smem:$0x3FFC];
	_ =	sdelay $0x3  }
0x94: {  	_ =	strace s3  }
0x95: {  	s3 =	sld [smem:$0x3FFD];
	_ =	sdelay $0x3  }
0x96: {  	_ =	strace s3  }
0x97: {  	_ =	strace $0x8FFFFFFF  }
0x98: {  	s19 =	sld [smem:$0x3FDB];
	_ =	sdelay $0x1  }
0x99: {  	s4 =	simm.s32 $_scs_section_size  }
0x9a: {  	s5 =	simm.s32 $_size__tile_overlayer_lowered;
	s6 =	simm.s32 $_tile_overlayer_lowered  }
0x9b: {  	s22 =	simm.s32 $0x1BFF;
	s21 =	sshll.u32 s6, $0x1;
	s3 =	sadd.s32 s4, s19  }
0x9c: {  	s7 =	simm.s32 $0x0;
	s20 =	sshll.u32 s5, $0x1;
	s5 =	sadd.s32 s21, s3  }
0x9d: {  	[timem:s7], [sflag:s22] =	dma.local [hbm:s5], s20  }
0x9e: {  	_ =	swait.ge [sflag:s22], s20  }
0x9f: {  	s4 =	ssub.s32 $0x0, s20;
	[sflag:s22] =	ssyncset.done $0x0  }
0xa0: {  	[sflag:s22] =	ssyncadd.s32 s4;
	_ =	sdelay $0x1  }
0xa1: {  	s23 =	simm.s32 $0x1B8B  }
0xa2: {  	_ =	swait.ge [sflag:s23], $0x1  }
0xa3: {  	[sflag:s23] =	ssyncset.done $0x0  }
0xa4: {  	s25 =	simm.s32 $0x1B8E;
	s24 =	sld [smem:$0x3FFE];
	[sflag:s23] =	ssyncadd.s32 $0xFFFFFFFF  }
0xa5: {  	s26 =	simm.s32 $execute0_lowered;
	[smem:$0x3FD2] =	sst s25  }
0xa6: {  	s5 =	sshll.u32 s26, $0x1;
	_ =	strace $0x80000046;
	[dreg:$0x1] =	wrdreg $0xFFFFFFFF  }
0xa7: {  	s28 =	simm.s32 $_size_execute0_lowered;
	s3 =	sadd.s32 s3, s5;
	[dreg:$0x0] =	wrdreg $0x0  }
0xa8: {  	s5 =	sshll.u32 s28, $0x1;
	[dreg:$0x2] =	wrdreg s3  }
0xa9: {  	[dreg:$0x3] =	wrdreg s5  }
0xaa: {  	[dreg:$0x4] =	wrdreg $0xC0  }
0xab: {  	_ =	task [dreg:s7], $0x5FFFF  }
0xac: {  	[dreg:$0x1] =	wrdreg $0xFFFFFFFF  }
0xad: {  	[dreg:$0x0] =	wrdreg $0x60  }
0xae: {  	[dreg:$0x2] =	wrdreg s24  }
0xaf: {  	[dreg:$0x3] =	wrdreg s2  }
0xb0: {  	[dreg:$0x4] =	wrdreg $0x9  }
0xb1: {  	_ =	task.clear_ibuf [dreg:s7], $0x5FFFF;
	_ =	strace $0x90000046  }
0xb2: {  	s29 =	simm.s32 $0x9;
	_ =	strace $0x80000048  }
0xb3: {  	_ =	swait.ge [sflag:s29], $0x1  }
0xb4: {  	[sflag:s29] =	ssyncadd.s32 $0xFFFFFFFF  }
0xb5: {  	_ =	strace $0x90000048  }
0xb6: {  	_ =	sfence  }
0xb7: {  	s30 =	sld [smem:$0x0];
	_ =	sdelay $0x2  }
0xb8: {  	s31 =	sshll.u32 s1, $0xD;
	s1 =	sshrl.u32 s1, $0x2  }
0xb9: {  	s3 =	sand.u32 $0x4000, s31;
	s1 =	sadd.s32 s1, s30  }
0xba: {  	s0 =	sor.u32 s3, s0;
	s1 =	sshll.u32 s1, $0x11  }
0xbb: {  	s0 =	sor.u32 s1, s0  }
0xbc: {  	s0 =	sadd.s32 $0x8F2B, s0  }
0xbd: {  	[sflag:s0] =	ssyncadd.remote.s32 $0x1  }
0xbe: {  	_ =	sfence.sel $0xFFFF  }
0xbf: {  	[dreg:$0x0] =	wrdreg $0xFFFFFFFF;
	(pc) =	sbr.abs _section_cstart, $3  }
0xc0: {  	[dreg:$0x1] =	wrdreg $0xFFFFFFFF  }
0xc1: {  	_ =	task.clear_ibuf [dreg:s7], $0x2FFFF;
	_ =	strace $0x9FFFFFFF  }
0xc2: {  	(tm) =	ssettm $0x7FFFFFFF  }
0xc3: {  	_ =	shalt  }
tec
execute0_lowered:
.L_overlay_start_1:
0x0: {  	(tag) =	ssettag $0x1  }
0x1: {  	s0 =	rddreg [dreg:$0x0]  }
0x2: {  	s1 =	rddreg [dreg:$0x1]  }
0x3: {  	s2 =	srdreg.scid;
	s4 =	simm.s32 $0x0;
	s3 =	stileid.u32  }
0x4: {  	s6 =	simm.s32 $0x7400;
	s7 =	simm.s32 $0xB400;
	s2 =	sand.u32 $0x1, s2  }
0x5: {  	s8 =	simm.s32 $0x1;
	s13 =	sshll.u32 s3, $0xA;
	s5 =	sshll.u32 s2, $0x9  }
0x6: {  	s9 =	simm.s32 $0x20;
	[smem:$0x7FF] =	sst s4;
	s4 =	sor.u32 s5, s13  }
0x7: {  	s10 =	simm.s32 $0x1000;
	s11 =	simm.s32 $0x2;
	s5 =	sshll.u32 s4, $0x2  }
0x8: {  	s3 =	sadd.s32 $0xF42A00, s0;
	s4 =	sshll.u32 s4, $0x9;
	s0 =	sadd.s32 s5, s0  }
0x9: {  	s12 =	simm.s32 $0x0;
	s4 =	sadd.s32 s1, s4;
	s0 =	sadd.s32 $0x600, s0  }
0xa: {  	_ =	strace $0x80000047;
	s16 =	sadd.s32 $0x10, s4;
	[dreg:$0x3] =	wrdreg s0  }
0xb: {  	s2 =	ssub.s32 $0x2, s2;
	s17 =	sadd.s32 $0x20, s4;
	[dreg:$0x4] =	wrdreg s16  }
0xc: {  	s14 =	sshrl.u32 s2, $0x1;
	s18 =	sadd.s32 $0x30, s4;
	[dreg:$0x5] =	wrdreg s17  }
0xd: {  	s15 =	ssub.s32 s2, s14;
	s19 =	sadd.s32 $0x40, s4;
	[dreg:$0x6] =	wrdreg s18  }
0xe: {  	s2 =	simm.s32 $0x4000;
	s20 =	sadd.s32 $0x50, s4;
	[dreg:$0x7] =	wrdreg s19  }
0xf: {  	s1 =	simm.s32 $0x3;
	s21 =	sadd.s32 $0x60, s4;
	[dreg:$0x8] =	wrdreg s20  }
0x10: {  	s5 =	simm.s32 $0x200;
	s22 =	sadd.s32 $0x70, s4;
	[dreg:$0x9] =	wrdreg s21  }
0x11: {  	s23 =	sadd.s32 $0x80, s4;
	s24 =	sadd.s32 $0x90, s4;
	[dreg:$0xa] =	wrdreg s22  }
0x12: {  	s25 =	sadd.s32 $0xA0, s4;
	s26 =	sadd.s32 $0xB0, s4;
	[dreg:$0xb] =	wrdreg s23  }
0x13: {  	s28 =	sadd.s32 $0x150, s4;
	s29 =	sadd.s32 $0x160, s4;
	[dreg:$0xc] =	wrdreg s24  }
0x14: {  	s30 =	sadd.s32 $0x170, s4;
	s31 =	sadd.s32 $0x180, s4;
	[dreg:$0xd] =	wrdreg s25  }
0x15: {  	v0 =	vlaneseq.u32;
	[dreg:$0xe] =	wrdreg s26;
	s17 =	sadd.s32 $0xC0, s4;
	s18 =	sadd.s32 $0xD0, s4  }
0x16: {  	v0 =	vmul.u32 $0x200, v0;
	s19 =	sadd.s32 $0xE0, s4;
	s20 =	sadd.s32 $0xF0, s4;
	s21 =	sadd.s32 $0x100, s4  }
0x17: {  	s22 =	sadd.s32 $0x110, s4;
	s23 =	sadd.s32 $0x120, s4;
	s24 =	sadd.s32 $0x130, s4  }
0x18: {  	v1 =	vadd.s32 $0x1400, v0;
	s25 =	smax.u32 s15, $0x1;
	s26 =	sadd.s32 $0x140, s4;
	s0 =	sadd.s32 $0x190, s4  }
.LBB2_1:
0x19: {  	s14 =	simm.s32 $0x0;
	s13 =	rddreg [dreg:$0x3]  }
0x1a: {  	[tilespmem:s14], [sflag:$0x3] =	stream.linear.gather [hbm4b:s13+s14], $0x4000, $0x38;
	[tilespmem:$0xF400] =	vst v63  }
0x1b: {  	_ =	swait.ge [sflag:s1], $0x4000  }
0x1c: {  	[sflag:s1] =	ssyncset.done $0x0  }
0x1d: {  	s13 =	simm.s32 $0x80;
	[sflag:s1] =	ssyncadd.s32 $0xFFFFC000  }
0x1e: {  	s15 =	simm.s32 $0x8;
	v2 =	vor.u32 s14, v0;
	s14 =	simm.s32 $0x0;
	v3 =	vld [tilespmem:s13+$0xFFFFFF80]  }
.LBB2_2:
0x1f: {  	p0 =	slt.u32 s15, $0x1F8;
	_ =	sdelay $0x3  }
0x20: {  	[tilespmem:v2+s2+$0x0] =	vst.idx.msk $0xffff, v3  }
0x21: {  	v2 =	vor.u32 s14, v1;
	v3 =	vld [tilespmem:s13+$0xFFFFFF8A];
	_ =	sdelay $0x4  }
0x22: {  	s16 =	sadd.s32 $0x1, s14;
	[tilespmem:v2+s2+$0x0] =	vst.idx.msk $0xffff, v3  }
0x23: {  	v2 =	vor.u32 s16, v0;
	v3 =	vld [tilespmem:s13+$0xFFFFFFA0];
	_ =	sdelay $0x4  }
0x24: {  	[tilespmem:v2+s2+$0x0] =	vst.idx.msk $0xffff, v3  }
0x25: {  	v2 =	vor.u32 s16, v1;
	v3 =	vld [tilespmem:s13+$0xFFFFFFAA];
	_ =	sdelay $0x4  }
0x26: {  	s16 =	sadd.s32 $0x2, s14;
	[tilespmem:v2+s2+$0x0] =	vst.idx.msk $0xffff, v3  }
0x27: {  	v2 =	vor.u32 s16, v0;
	v3 =	vld [tilespmem:s13+$0xFFFFFFC0];
	_ =	sdelay $0x4  }
0x28: {  	[tilespmem:v2+s2+$0x0] =	vst.idx.msk $0xffff, v3  }
0x29: {  	v2 =	vor.u32 s16, v1;
	v3 =	vld [tilespmem:s13+$0xFFFFFFCA];
	_ =	sdelay $0x4  }
0x2a: {  	s16 =	sadd.s32 $0x3, s14;
	[tilespmem:v2+s2+$0x0] =	vst.idx.msk $0xffff, v3  }
0x2b: {  	v2 =	vor.u32 s16, v0;
	v3 =	vld [tilespmem:s13+$0xFFFFFFE0];
	_ =	sdelay $0x4  }
0x2c: {  	[tilespmem:v2+s2+$0x0] =	vst.idx.msk $0xffff, v3  }
0x2d: {  	v2 =	vor.u32 s16, v1;
	v3 =	vld [tilespmem:s13+$0xFFFFFFEA];
	_ =	sdelay $0x4  }
0x2e: {  	s16 =	sadd.s32 $0x4, s14;
	[tilespmem:v2+s2+$0x0] =	vst.idx.msk $0xffff, v3  }
0x2f: {  	v2 =	vor.u32 s16, v0;
	v3 =	vld [tilespmem:s13+$0x0];
	_ =	sdelay $0x4  }
0x30: {  	[tilespmem:v2+s2+$0x0] =	vst.idx.msk $0xffff, v3  }
0x31: {  	v2 =	vor.u32 s16, v1;
	v3 =	vld [tilespmem:s13+$0xA];
	_ =	sdelay $0x4  }
0x32: {  	s16 =	sadd.s32 $0x5, s14;
	[tilespmem:v2+s2+$0x0] =	vst.idx.msk $0xffff, v3  }
0x33: {  	v2 =	vor.u32 s16, v0;
	v3 =	vld [tilespmem:s13+$0x20];
	_ =	sdelay $0x4  }
0x34: {  	[tilespmem:v2+s2+$0x0] =	vst.idx.msk $0xffff, v3  }
0x35: {  	v2 =	vor.u32 s16, v1;
	v3 =	vld [tilespmem:s13+$0x2A];
	_ =	sdelay $0x4  }
0x36: {  	s16 =	sadd.s32 $0x6, s14;
	[tilespmem:v2+s2+$0x0] =	vst.idx.msk $0xffff, v3  }
0x37: {  	v2 =	vor.u32 s16, v0;
	v3 =	vld [tilespmem:s13+$0x40];
	_ =	sdelay $0x4  }
0x38: {  	[tilespmem:v2+s2+$0x0] =	vst.idx.msk $0xffff, v3  }
0x39: {  	v2 =	vor.u32 s16, v1;
	v3 =	vld [tilespmem:s13+$0x4A];
	_ =	sdelay $0x4  }
0x3a: {  	s16 =	sadd.s32 $0x7, s14;
	s14 =	smov.u32 s15;
	[tilespmem:v2+s2+$0x0] =	vst.idx.msk $0xffff, v3  }
0x3b: {  	v2 =	vor.u32 s16, v0;
	v3 =	vld [tilespmem:s13+$0x60];
	_ =	sdelay $0x4  }
0x3c: {  	[tilespmem:v2+s2+$0x0] =	vst.idx.msk $0xffff, v3  }
0x3d: {  	v2 =	vor.u32 s16, v1;
	v3 =	vld [tilespmem:s13+$0x6A];
	_ =	sdelay $0x1  }
.Ltmp0:
0x3e: {  	(pc) =	sbr.rel @p0 .LBB2_2-.Ltmp0, $3  }
0x3f: {  	_ =	sdelay $0x1  }
0x40: {  	s13 =	sadd.s32 $0x100, s13;
	[tilespmem:v2+s2+$0x0] =	vst.idx.msk $0xffff, v3  }
0x41: {  	s15 =	sadd.s32 $0x8, s15;
	v2 =	vor.u32 s14, v0;
	v3 =	vld [tilespmem:s13+$0xFFFFFF80]  }
0x42: {  	_ =	sdelay $0x3  }
0x43: {  	[tilespmem:v2+s2+$0x0] =	vst.idx.msk $0xffff, v3  }
0x44: {  	v2 =	vor.u32 s14, v1;
	v3 =	vld [tilespmem:s13+$0xFFFFFF8A];
	_ =	sdelay $0x4  }
0x45: {  	s15 =	sadd.s32 $0x1, s14;
	[tilespmem:v2+s2+$0x0] =	vst.idx.msk $0xffff, v3  }
0x46: {  	v2 =	vor.u32 s15, v0;
	v3 =	vld [tilespmem:s13+$0xFFFFFFA0];
	_ =	sdelay $0x4  }
0x47: {  	[tilespmem:v2+s2+$0x0] =	vst.idx.msk $0xffff, v3  }
0x48: {  	v2 =	vor.u32 s15, v1;
	v3 =	vld [tilespmem:s13+$0xFFFFFFAA];
	_ =	sdelay $0x4  }
0x49: {  	s16 =	sadd.s32 $0x2, s14;
	[tilespmem:v2+s2+$0x0] =	vst.idx.msk $0xffff, v3  }
0x4a: {  	v2 =	vor.u32 s16, v0;
	v3 =	vld [tilespmem:s13+$0xFFFFFFC0];
	_ =	sdelay $0x4  }
0x4b: {  	[tilespmem:v2+s2+$0x0] =	vst.idx.msk $0xffff, v3  }
0x4c: {  	v2 =	vor.u32 s16, v1;
	v3 =	vld [tilespmem:s13+$0xFFFFFFCA];
	_ =	sdelay $0x4  }
0x4d: {  	s16 =	sadd.s32 $0x3, s14;
	[tilespmem:v2+s2+$0x0] =	vst.idx.msk $0xffff, v3  }
0x4e: {  	v2 =	vor.u32 s16, v0;
	v3 =	vld [tilespmem:s13+$0xFFFFFFE0];
	_ =	sdelay $0x4  }
0x4f: {  	[tilespmem:v2+s2+$0x0] =	vst.idx.msk $0xffff, v3  }
0x50: {  	v2 =	vor.u32 s16, v1;
	v3 =	vld [tilespmem:s13+$0xFFFFFFEA];
	_ =	sdelay $0x4  }
0x51: {  	s16 =	sadd.s32 $0x4, s14;
	[tilespmem:v2+s2+$0x0] =	vst.idx.msk $0xffff, v3  }
0x52: {  	v2 =	vor.u32 s16, v0;
	v3 =	vld [tilespmem:s13+$0x0];
	_ =	sdelay $0x4  }
0x53: {  	[tilespmem:v2+s2+$0x0] =	vst.idx.msk $0xffff, v3  }
0x54: {  	v2 =	vor.u32 s16, v1;
	v3 =	vld [tilespmem:s13+$0xA];
	_ =	sdelay $0x4  }
0x55: {  	s16 =	sadd.s32 $0x5, s14;
	[tilespmem:v2+s2+$0x0] =	vst.idx.msk $0xffff, v3  }
0x56: {  	v2 =	vor.u32 s16, v0;
	v3 =	vld [tilespmem:s13+$0x20];
	_ =	sdelay $0x4  }
0x57: {  	[tilespmem:v2+s2+$0x0] =	vst.idx.msk $0xffff, v3  }
0x58: {  	v2 =	vor.u32 s16, v1;
	v3 =	vld [tilespmem:s13+$0x2A];
	_ =	sdelay $0x4  }
0x59: {  	s16 =	sadd.s32 $0x6, s14;
	[tilespmem:v2+s2+$0x0] =	vst.idx.msk $0xffff, v3  }
0x5a: {  	v2 =	vor.u32 s16, v0;
	v3 =	vld [tilespmem:s13+$0x40];
	_ =	sdelay $0x4  }
0x5b: {  	[tilespmem:v2+s2+$0x0] =	vst.idx.msk $0xffff, v3  }
0x5c: {  	v2 =	vor.u32 s16, v1;
	v3 =	vld [tilespmem:s13+$0x4A];
	_ =	sdelay $0x4  }
0x5d: {  	s16 =	sadd.s32 $0x7, s14;
	[tilespmem:v2+s2+$0x0] =	vst.idx.msk $0xffff, v3  }
0x5e: {  	v2 =	vor.u32 s16, v0;
	v3 =	vld [tilespmem:s13+$0x60];
	_ =	sdelay $0x4  }
0x5f: {  	[tilespmem:v2+s2+$0x0] =	vst.idx.msk $0xffff, v3  }
0x60: {  	v2 =	vor.u32 s16, v1;
	v3 =	vld [tilespmem:s13+$0x6A];
	_ =	sdelay $0x4  }
0x61: {  	[tilespmem:v2+s2+$0x0] =	vst.idx.msk $0xffff, v3  }
0x62: {  	[tilespmem:s6], [sflag:$0x1] =	stream.indirect.gather [hbm4b:s3+s5], $0x20, s2, s5, $0xb8;
	[tilespmem:$0xF400] =	vst v63  }
0x63: {  	s14 =	simm.s32 $0x4200  }
0x64: {  	[tilespmem:s7], [sflag:$0x2] =	stream.indirect.gather [hbm4b:s3+s5], $0x20, s14, s5, $0xb8;
	[tilespmem:$0xF400] =	vst v63  }
0x65: {  	_ =	swait.ge [sflag:s8], $0x4000  }
0x66: {  	[sflag:s8] =	ssyncset.done $0x0  }
0x67: {  	[sflag:s8] =	ssyncadd.s32 $0xFFFFC000  }
0x68: {  	[hbm4b:s4+s9] =	stream.strided.scatter [tilespmem:s6], [sflag:$0x3], $0x4000, s10, s9, $0x38;
	[tilespmem:$0xF400] =	vst v63  }
0x69: {  	_ =	swait.ge [sflag:s1], $0x4000  }
0x6a: {  	[sflag:s1] =	ssyncset.done $0x0  }
0x6b: {  	s15 =	simm.s32 $0x4400;
	[sflag:s1] =	ssyncadd.s32 $0xFFFFC000  }
0x6c: {  	[tilespmem:s6], [sflag:$0x1] =	stream.indirect.gather [hbm4b:s3+s5], $0x20, s15, s5, $0xb8;
	[tilespmem:$0xF400] =	vst v63  }
0x6d: {  	_ =	swait.ge [sflag:s11], $0x4000  }
0x6e: {  	[sflag:s11] =	ssyncset.done $0x0  }
0x6f: {  	s16 =	rddreg [dreg:$0x4];
	[sflag:s11] =	ssyncadd.s32 $0xFFFFC000  }
0x70: {  	[hbm4b:s16+s9] =	stream.strided.scatter [tilespmem:s7], [sflag:$0x3], $0x4000, s10, s9, $0x38;
	[tilespmem:$0xF400] =	vst v63  }
0x71: {  	_ =	swait.ge [sflag:s1], $0x4000  }
0x72: {  	[sflag:s1] =	ssyncset.done $0x0  }
0x73: {  	s14 =	simm.s32 $0x4600;
	[sflag:s1] =	ssyncadd.s32 $0xFFFFC000  }
0x74: {  	[tilespmem:s7], [sflag:$0x2] =	stream.indirect.gather [hbm4b:s3+s5], $0x20, s14, s5, $0xb8;
	[tilespmem:$0xF400] =	vst v63  }
0x75: {  	_ =	swait.ge [sflag:s8], $0x4000  }
0x76: {  	[sflag:s8] =	ssyncset.done $0x0  }
0x77: {  	s15 =	rddreg [dreg:$0x5];
	[sflag:s8] =	ssyncadd.s32 $0xFFFFC000  }
0x78: {  	[hbm4b:s15+s9] =	stream.strided.scatter [tilespmem:s6], [sflag:$0x3], $0x4000, s10, s9, $0x38;
	[tilespmem:$0xF400] =	vst v63  }
0x79: {  	_ =	swait.ge [sflag:s1], $0x4000  }
0x7a: {  	[sflag:s1] =	ssyncset.done $0x0  }
0x7b: {  	s16 =	simm.s32 $0x4800;
	[sflag:s1] =	ssyncadd.s32 $0xFFFFC000  }
0x7c: {  	[tilespmem:s6], [sflag:$0x1] =	stream.indirect.gather [hbm4b:s3+s5], $0x20, s16, s5, $0xb8;
	[tilespmem:$0xF400] =	vst v63  }
0x7d: {  	_ =	swait.ge [sflag:s11], $0x4000  }
0x7e: {  	[sflag:s11] =	ssyncset.done $0x0  }
0x7f: {  	s14 =	rddreg [dreg:$0x6];
	[sflag:s11] =	ssyncadd.s32 $0xFFFFC000  }
0x80: {  	[hbm4b:s14+s9] =	stream.strided.scatter [tilespmem:s7], [sflag:$0x3], $0x4000, s10, s9, $0x38;
	[tilespmem:$0xF400] =	vst v63  }
0x81: {  	_ =	swait.ge [sflag:s1], $0x4000  }
0x82: {  	[sflag:s1] =	ssyncset.done $0x0  }
0x83: {  	s15 =	simm.s32 $0x4A00;
	[sflag:s1] =	ssyncadd.s32 $0xFFFFC000  }
0x84: {  	[tilespmem:s7], [sflag:$0x2] =	stream.indirect.gather [hbm4b:s3+s5], $0x20, s15, s5, $0xb8;
	[tilespmem:$0xF400] =	vst v63  }
0x85: {  	_ =	swait.ge [sflag:s8], $0x4000  }
0x86: {  	[sflag:s8] =	ssyncset.done $0x0  }
0x87: {  	s16 =	rddreg [dreg:$0x7];
	[sflag:s8] =	ssyncadd.s32 $0xFFFFC000  }
0x88: {  	[hbm4b:s16+s9] =	stream.strided.scatter [tilespmem:s6], [sflag:$0x3], $0x4000, s10, s9, $0x38;
	[tilespmem:$0xF400] =	vst v63  }
0x89: {  	_ =	swait.ge [sflag:s1], $0x4000  }
0x8a: {  	[sflag:s1] =	ssyncset.done $0x0  }
0x8b: {  	s14 =	simm.s32 $0x4C00;
	[sflag:s1] =	ssyncadd.s32 $0xFFFFC000  }
0x8c: {  	[tilespmem:s6], [sflag:$0x1] =	stream.indirect.gather [hbm4b:s3+s5], $0x20, s14, s5, $0xb8;
	[tilespmem:$0xF400] =	vst v63  }
0x8d: {  	_ =	swait.ge [sflag:s11], $0x4000  }
0x8e: {  	[sflag:s11] =	ssyncset.done $0x0  }
0x8f: {  	s15 =	rddreg [dreg:$0x8];
	[sflag:s11] =	ssyncadd.s32 $0xFFFFC000  }
0x90: {  	[hbm4b:s15+s9] =	stream.strided.scatter [tilespmem:s7], [sflag:$0x3], $0x4000, s10, s9, $0x38;
	[tilespmem:$0xF400] =	vst v63  }
0x91: {  	_ =	swait.ge [sflag:s1], $0x4000  }
0x92: {  	[sflag:s1] =	ssyncset.done $0x0  }
0x93: {  	s16 =	simm.s32 $0x4E00;
	[sflag:s1] =	ssyncadd.s32 $0xFFFFC000  }
0x94: {  	[tilespmem:s7], [sflag:$0x2] =	stream.indirect.gather [hbm4b:s3+s5], $0x20, s16, s5, $0xb8;
	[tilespmem:$0xF400] =	vst v63  }
0x95: {  	_ =	swait.ge [sflag:s8], $0x4000  }
0x96: {  	[sflag:s8] =	ssyncset.done $0x0  }
0x97: {  	s14 =	rddreg [dreg:$0x9];
	[sflag:s8] =	ssyncadd.s32 $0xFFFFC000  }
0x98: {  	[hbm4b:s14+s9] =	stream.strided.scatter [tilespmem:s6], [sflag:$0x3], $0x4000, s10, s9, $0x38;
	[tilespmem:$0xF400] =	vst v63  }
0x99: {  	_ =	swait.ge [sflag:s1], $0x4000  }
0x9a: {  	[sflag:s1] =	ssyncset.done $0x0  }
0x9b: {  	s15 =	simm.s32 $0x5000;
	[sflag:s1] =	ssyncadd.s32 $0xFFFFC000  }
0x9c: {  	[tilespmem:s6], [sflag:$0x1] =	stream.indirect.gather [hbm4b:s3+s5], $0x20, s15, s5, $0xb8;
	[tilespmem:$0xF400] =	vst v63  }
0x9d: {  	_ =	swait.ge [sflag:s11], $0x4000  }
0x9e: {  	[sflag:s11] =	ssyncset.done $0x0  }
0x9f: {  	s16 =	rddreg [dreg:$0xa];
	[sflag:s11] =	ssyncadd.s32 $0xFFFFC000  }
0xa0: {  	[hbm4b:s16+s9] =	stream.strided.scatter [tilespmem:s7], [sflag:$0x3], $0x4000, s10, s9, $0x38;
	[tilespmem:$0xF400] =	vst v63  }
0xa1: {  	_ =	swait.ge [sflag:s1], $0x4000  }
0xa2: {  	[sflag:s1] =	ssyncset.done $0x0  }
0xa3: {  	s14 =	simm.s32 $0x5200;
	[sflag:s1] =	ssyncadd.s32 $0xFFFFC000  }
0xa4: {  	[tilespmem:s7], [sflag:$0x2] =	stream.indirect.gather [hbm4b:s3+s5], $0x20, s14, s5, $0xb8;
	[tilespmem:$0xF400] =	vst v63  }
0xa5: {  	_ =	swait.ge [sflag:s8], $0x4000  }
0xa6: {  	[sflag:s8] =	ssyncset.done $0x0  }
0xa7: {  	s15 =	rddreg [dreg:$0xb];
	[sflag:s8] =	ssyncadd.s32 $0xFFFFC000  }
0xa8: {  	[hbm4b:s15+s9] =	stream.strided.scatter [tilespmem:s6], [sflag:$0x3], $0x4000, s10, s9, $0x38;
	[tilespmem:$0xF400] =	vst v63  }
0xa9: {  	_ =	swait.ge [sflag:s1], $0x4000  }
0xaa: {  	[sflag:s1] =	ssyncset.done $0x0  }
0xab: {  	s16 =	simm.s32 $0x5400;
	[sflag:s1] =	ssyncadd.s32 $0xFFFFC000  }
0xac: {  	[tilespmem:s6], [sflag:$0x1] =	stream.indirect.gather [hbm4b:s3+s5], $0x20, s16, s5, $0xb8;
	[tilespmem:$0xF400] =	vst v63  }
0xad: {  	_ =	swait.ge [sflag:s11], $0x4000  }
0xae: {  	[sflag:s11] =	ssyncset.done $0x0  }
0xaf: {  	s14 =	rddreg [dreg:$0xc];
	[sflag:s11] =	ssyncadd.s32 $0xFFFFC000  }
0xb0: {  	[hbm4b:s14+s9] =	stream.strided.scatter [tilespmem:s7], [sflag:$0x3], $0x4000, s10, s9, $0x38;
	[tilespmem:$0xF400] =	vst v63  }
0xb1: {  	_ =	swait.ge [sflag:s1], $0x4000  }
0xb2: {  	[sflag:s1] =	ssyncset.done $0x0  }
0xb3: {  	s15 =	simm.s32 $0x5600;
	[sflag:s1] =	ssyncadd.s32 $0xFFFFC000  }
0xb4: {  	[tilespmem:s7], [sflag:$0x2] =	stream.indirect.gather [hbm4b:s3+s5], $0x20, s15, s5, $0xb8;
	[tilespmem:$0xF400] =	vst v63  }
0xb5: {  	_ =	swait.ge [sflag:s8], $0x4000  }
0xb6: {  	[sflag:s8] =	ssyncset.done $0x0  }
0xb7: {  	s16 =	rddreg [dreg:$0xd];
	[sflag:s8] =	ssyncadd.s32 $0xFFFFC000  }
0xb8: {  	[hbm4b:s16+s9] =	stream.strided.scatter [tilespmem:s6], [sflag:$0x3], $0x4000, s10, s9, $0x38;
	[tilespmem:$0xF400] =	vst v63  }
0xb9: {  	_ =	swait.ge [sflag:s1], $0x4000  }
0xba: {  	[sflag:s1] =	ssyncset.done $0x0  }
0xbb: {  	s14 =	simm.s32 $0x5800;
	[sflag:s1] =	ssyncadd.s32 $0xFFFFC000  }
0xbc: {  	[tilespmem:s6], [sflag:$0x1] =	stream.indirect.gather [hbm4b:s3+s5], $0x20, s14, s5, $0xb8;
	[tilespmem:$0xF400] =	vst v63  }
0xbd: {  	_ =	swait.ge [sflag:s11], $0x4000  }
0xbe: {  	[sflag:s11] =	ssyncset.done $0x0  }
0xbf: {  	s15 =	rddreg [dreg:$0xe];
	[sflag:s11] =	ssyncadd.s32 $0xFFFFC000  }
0xc0: {  	[hbm4b:s15+s9] =	stream.strided.scatter [tilespmem:s7], [sflag:$0x3], $0x4000, s10, s9, $0x38;
	[tilespmem:$0xF400] =	vst v63  }
0xc1: {  	_ =	swait.ge [sflag:s1], $0x4000  }
0xc2: {  	[sflag:s1] =	ssyncset.done $0x0  }
0xc3: {  	s16 =	simm.s32 $0x5A00;
	[sflag:s1] =	ssyncadd.s32 $0xFFFFC000  }
0xc4: {  	[tilespmem:s7], [sflag:$0x2] =	stream.indirect.gather [hbm4b:s3+s5], $0x20, s16, s5, $0xb8;
	[tilespmem:$0xF400] =	vst v63  }
0xc5: {  	_ =	swait.ge [sflag:s8], $0x4000  }
0xc6: {  	[sflag:s8] =	ssyncset.done $0x0  }
0xc7: {  	[sflag:s8] =	ssyncadd.s32 $0xFFFFC000  }
0xc8: {  	[hbm4b:s17+s9] =	stream.strided.scatter [tilespmem:s6], [sflag:$0x3], $0x4000, s10, s9, $0x38;
	[tilespmem:$0xF400] =	vst v63  }
0xc9: {  	_ =	swait.ge [sflag:s1], $0x4000  }
0xca: {  	[sflag:s1] =	ssyncset.done $0x0  }
0xcb: {  	s14 =	simm.s32 $0x5C00;
	[sflag:s1] =	ssyncadd.s32 $0xFFFFC000  }
0xcc: {  	[tilespmem:s6], [sflag:$0x1] =	stream.indirect.gather [hbm4b:s3+s5], $0x20, s14, s5, $0xb8;
	[tilespmem:$0xF400] =	vst v63  }
0xcd: {  	_ =	swait.ge [sflag:s11], $0x4000  }
0xce: {  	[sflag:s11] =	ssyncset.done $0x0  }
0xcf: {  	[sflag:s11] =	ssyncadd.s32 $0xFFFFC000  }
0xd0: {  	[hbm4b:s18+s9] =	stream.strided.scatter [tilespmem:s7], [sflag:$0x3], $0x4000, s10, s9, $0x38;
	[tilespmem:$0xF400] =	vst v63  }
0xd1: {  	_ =	swait.ge [sflag:s1], $0x4000  }
0xd2: {  	[sflag:s1] =	ssyncset.done $0x0  }
0xd3: {  	s15 =	simm.s32 $0x5E00;
	[sflag:s1] =	ssyncadd.s32 $0xFFFFC000  }
0xd4: {  	[tilespmem:s7], [sflag:$0x2] =	stream.indirect.gather [hbm4b:s3+s5], $0x20, s15, s5, $0xb8;
	[tilespmem:$0xF400] =	vst v63  }
0xd5: {  	_ =	swait.ge [sflag:s8], $0x4000  }
0xd6: {  	[sflag:s8] =	ssyncset.done $0x0  }
0xd7: {  	[sflag:s8] =	ssyncadd.s32 $0xFFFFC000  }
0xd8: {  	[hbm4b:s19+s9] =	stream.strided.scatter [tilespmem:s6], [sflag:$0x3], $0x4000, s10, s9, $0x38;
	[tilespmem:$0xF400] =	vst v63  }
0xd9: {  	_ =	swait.ge [sflag:s1], $0x4000  }
0xda: {  	[sflag:s1] =	ssyncset.done $0x0  }
0xdb: {  	s16 =	simm.s32 $0x6000;
	[sflag:s1] =	ssyncadd.s32 $0xFFFFC000  }
0xdc: {  	[tilespmem:s6], [sflag:$0x1] =	stream.indirect.gather [hbm4b:s3+s5], $0x20, s16, s5, $0xb8;
	[tilespmem:$0xF400] =	vst v63  }
0xdd: {  	_ =	swait.ge [sflag:s11], $0x4000  }
0xde: {  	[sflag:s11] =	ssyncset.done $0x0  }
0xdf: {  	[sflag:s11] =	ssyncadd.s32 $0xFFFFC000  }
0xe0: {  	[hbm4b:s20+s9] =	stream.strided.scatter [tilespmem:s7], [sflag:$0x3], $0x4000, s10, s9, $0x38;
	[tilespmem:$0xF400] =	vst v63  }
0xe1: {  	_ =	swait.ge [sflag:s1], $0x4000  }
0xe2: {  	[sflag:s1] =	ssyncset.done $0x0  }
0xe3: {  	s14 =	simm.s32 $0x6200;
	[sflag:s1] =	ssyncadd.s32 $0xFFFFC000  }
0xe4: {  	[tilespmem:s7], [sflag:$0x2] =	stream.indirect.gather [hbm4b:s3+s5], $0x20, s14, s5, $0xb8;
	[tilespmem:$0xF400] =	vst v63  }
0xe5: {  	_ =	swait.ge [sflag:s8], $0x4000  }
0xe6: {  	[sflag:s8] =	ssyncset.done $0x0  }
0xe7: {  	[sflag:s8] =	ssyncadd.s32 $0xFFFFC000  }
0xe8: {  	[hbm4b:s21+s9] =	stream.strided.scatter [tilespmem:s6], [sflag:$0x3], $0x4000, s10, s9, $0x38;
	[tilespmem:$0xF400] =	vst v63  }
0xe9: {  	_ =	swait.ge [sflag:s1], $0x4000  }
0xea: {  	[sflag:s1] =	ssyncset.done $0x0  }
0xeb: {  	s15 =	simm.s32 $0x6400;
	[sflag:s1] =	ssyncadd.s32 $0xFFFFC000  }
0xec: {  	[tilespmem:s6], [sflag:$0x1] =	stream.indirect.gather [hbm4b:s3+s5], $0x20, s15, s5, $0xb8;
	[tilespmem:$0xF400] =	vst v63  }
0xed: {  	_ =	swait.ge [sflag:s11], $0x4000  }
0xee: {  	[sflag:s11] =	ssyncset.done $0x0  }
0xef: {  	[sflag:s11] =	ssyncadd.s32 $0xFFFFC000  }
0xf0: {  	[hbm4b:s22+s9] =	stream.strided.scatter [tilespmem:s7], [sflag:$0x3], $0x4000, s10, s9, $0x38;
	[tilespmem:$0xF400] =	vst v63  }
0xf1: {  	_ =	swait.ge [sflag:s1], $0x4000  }
0xf2: {  	[sflag:s1] =	ssyncset.done $0x0  }
0xf3: {  	s16 =	simm.s32 $0x6600;
	[sflag:s1] =	ssyncadd.s32 $0xFFFFC000  }
0xf4: {  	[tilespmem:s7], [sflag:$0x2] =	stream.indirect.gather [hbm4b:s3+s5], $0x20, s16, s5, $0xb8;
	[tilespmem:$0xF400] =	vst v63  }
0xf5: {  	_ =	swait.ge [sflag:s8], $0x4000  }
0xf6: {  	[sflag:s8] =	ssyncset.done $0x0  }
0xf7: {  	[sflag:s8] =	ssyncadd.s32 $0xFFFFC000  }
0xf8: {  	[hbm4b:s23+s9] =	stream.strided.scatter [tilespmem:s6], [sflag:$0x3], $0x4000, s10, s9, $0x38;
	[tilespmem:$0xF400] =	vst v63  }
0xf9: {  	_ =	swait.ge [sflag:s1], $0x4000  }
0xfa: {  	[sflag:s1] =	ssyncset.done $0x0  }
0xfb: {  	s14 =	simm.s32 $0x6800;
	[sflag:s1] =	ssyncadd.s32 $0xFFFFC000  }
0xfc: {  	[tilespmem:s6], [sflag:$0x1] =	stream.indirect.gather [hbm4b:s3+s5], $0x20, s14, s5, $0xb8;
	[tilespmem:$0xF400] =	vst v63  }
0xfd: {  	_ =	swait.ge [sflag:s11], $0x4000  }
0xfe: {  	[sflag:s11] =	ssyncset.done $0x0  }
0xff: {  	[sflag:s11] =	ssyncadd.s32 $0xFFFFC000  }
0x100: {  	[hbm4b:s24+s9] =	stream.strided.scatter [tilespmem:s7], [sflag:$0x3], $0x4000, s10, s9, $0x38;
	[tilespmem:$0xF400] =	vst v63  }
0x101: {  	_ =	swait.ge [sflag:s1], $0x4000  }
0x102: {  	[sflag:s1] =	ssyncset.done $0x0  }
0x103: {  	s15 =	simm.s32 $0x6A00;
	[sflag:s1] =	ssyncadd.s32 $0xFFFFC000  }
0x104: {  	[tilespmem:s7], [sflag:$0x2] =	stream.indirect.gather [hbm4b:s3+s5], $0x20, s15, s5, $0xb8;
	[tilespmem:$0xF400] =	vst v63  }
0x105: {  	_ =	swait.ge [sflag:s8], $0x4000  }
0x106: {  	[sflag:s8] =	ssyncset.done $0x0  }
0x107: {  	[sflag:s8] =	ssyncadd.s32 $0xFFFFC000  }
0x108: {  	[hbm4b:s26+s9] =	stream.strided.scatter [tilespmem:s6], [sflag:$0x3], $0x4000, s10, s9, $0x38;
	[tilespmem:$0xF400] =	vst v63  }
0x109: {  	_ =	swait.ge [sflag:s1], $0x4000  }
0x10a: {  	[sflag:s1] =	ssyncset.done $0x0  }
0x10b: {  	s16 =	simm.s32 $0x6C00;
	[sflag:s1] =	ssyncadd.s32 $0xFFFFC000  }
0x10c: {  	[tilespmem:s6], [sflag:$0x1] =	stream.indirect.gather [hbm4b:s3+s5], $0x20, s16, s5, $0xb8;
	[tilespmem:$0xF400] =	vst v63  }
0x10d: {  	_ =	swait.ge [sflag:s11], $0x4000  }
0x10e: {  	[sflag:s11] =	ssyncset.done $0x0  }
0x10f: {  	[sflag:s11] =	ssyncadd.s32 $0xFFFFC000  }
0x110: {  	[hbm4b:s28+s9] =	stream.strided.scatter [tilespmem:s7], [sflag:$0x3], $0x4000, s10, s9, $0x38;
	[tilespmem:$0xF400] =	vst v63  }
0x111: {  	_ =	swait.ge [sflag:s1], $0x4000  }
0x112: {  	[sflag:s1] =	ssyncset.done $0x0  }
0x113: {  	s14 =	simm.s32 $0x6E00;
	[sflag:s1] =	ssyncadd.s32 $0xFFFFC000  }
0x114: {  	[tilespmem:s7], [sflag:$0x2] =	stream.indirect.gather [hbm4b:s3+s5], $0x20, s14, s5, $0xb8;
	[tilespmem:$0xF400] =	vst v63  }
0x115: {  	_ =	swait.ge [sflag:s8], $0x4000  }
0x116: {  	[sflag:s8] =	ssyncset.done $0x0  }
0x117: {  	[sflag:s8] =	ssyncadd.s32 $0xFFFFC000  }
0x118: {  	[hbm4b:s29+s9] =	stream.strided.scatter [tilespmem:s6], [sflag:$0x3], $0x4000, s10, s9, $0x38;
	[tilespmem:$0xF400] =	vst v63  }
0x119: {  	_ =	swait.ge [sflag:s1], $0x4000  }
0x11a: {  	[sflag:s1] =	ssyncset.done $0x0  }
0x11b: {  	s15 =	simm.s32 $0x7000;
	[sflag:s1] =	ssyncadd.s32 $0xFFFFC000  }
0x11c: {  	[tilespmem:s6], [sflag:$0x1] =	stream.indirect.gather [hbm4b:s3+s5], $0x20, s15, s5, $0xb8;
	[tilespmem:$0xF400] =	vst v63  }
0x11d: {  	_ =	swait.ge [sflag:s11], $0x4000  }
0x11e: {  	[sflag:s11] =	ssyncset.done $0x0  }
0x11f: {  	[sflag:s11] =	ssyncadd.s32 $0xFFFFC000  }
0x120: {  	[hbm4b:s30+s9] =	stream.strided.scatter [tilespmem:s7], [sflag:$0x3], $0x4000, s10, s9, $0x38;
	[tilespmem:$0xF400] =	vst v63  }
0x121: {  	_ =	swait.ge [sflag:s1], $0x4000  }
0x122: {  	[sflag:s1] =	ssyncset.done $0x0  }
0x123: {  	s16 =	simm.s32 $0x7200;
	[sflag:s1] =	ssyncadd.s32 $0xFFFFC000  }
0x124: {  	[tilespmem:s7], [sflag:$0x2] =	stream.indirect.gather [hbm4b:s3+s5], $0x20, s16, s5, $0xb8;
	[tilespmem:$0xF400] =	vst v63  }
0x125: {  	_ =	swait.ge [sflag:s8], $0x4000  }
0x126: {  	[sflag:s8] =	ssyncset.done $0x0  }
0x127: {  	[sflag:s8] =	ssyncadd.s32 $0xFFFFC000  }
0x128: {  	[hbm4b:s31+s9] =	stream.strided.scatter [tilespmem:s6], [sflag:$0x3], $0x4000, s10, s9, $0x38;
	[tilespmem:$0xF400] =	vst v63  }
0x129: {  	_ =	swait.ge [sflag:s1], $0x4000  }
0x12a: {  	[sflag:s1] =	ssyncset.done $0x0  }
0x12b: {  	[sflag:s1] =	ssyncadd.s32 $0xFFFFC000  }
0x12c: {  	s12 =	sadd.s32 $0x1, s12;
	_ =	swait.ge [sflag:s11], $0x4000  }
0x12d: {  	p0 =	sne.s32 s12, s25;
	[sflag:s11] =	ssyncset.done $0x0  }
.Ltmp1:
0x12e: {  	[sflag:s11] =	ssyncadd.s32 $0xFFFFC000;
	(pc) =	sbr.rel @p0 .LBB2_1-.Ltmp1, $4  }
0x12f: {  	[hbm4b:s0+s9] =	stream.strided.scatter [tilespmem:s7], [sflag:$0x3], $0x4000, s10, s9, $0x38;
	[tilespmem:$0xF400] =	vst v63  }
0x130: {  	_ =	swait.ge [sflag:s1], $0x4000  }
0x131: {  	[sflag:s1] =	ssyncset.done $0x0  }
0x132: {  	[sflag:s1] =	ssyncadd.s32 $0xFFFFC000  }
0x133: {  	_ =	sfence.sel $0x180000  }
0x134: {  	[bflag:$0x0] =	sbarrier.arrive $0xFFFF  }
0x135: {  	_ =	strace $0x90000047  }
0x136: {  	s0 =	stileid.u32;
	[bflag:$0x2] =	sbarrier.arrive $0xFFFF  }
0x137: {  	p0 =	sne.s32 s0, $0x0;
	s0 =	rddreg [dreg:$0x2]  }
0x138: {  	s0 =	sadd.s32 @!p0 $0x100000, s0  }
0x139: {  	[sflag:s0] =	ssyncadd.tile.s32 @!p0 $0x1;
	_ =	shalt  }
.Lfunc_end2:
_tile_overlayer_lowered:
.L_overlay_start_2:
0x13a: {  	(tag) =	ssettag $0x2  }
0x13b: {  	s0 =	rddreg [dreg:$0x0];
	s2 =	stileid.u32  }
0x13c: {  	s1 =	rddreg [dreg:$0x1];
	p0 =	sne.s32 s2, $0x0  }
0x13d: {  	s3 =	rddreg [dreg:$0x2];
	[bflag:$0x3] =	sbarrier.arrive $0xFFFF;
	s2 =	simm.s32 @!p0 $0x1C03  }
0x13e: {  	[timem:s3], [sflag:s2] =	dma.local @!p0 [hbm:s0], s1  }
0x13f: {  	s0 =	simm.s32 @!p0 $0x3  }
0x140: {  	_ =	swait.ge @!p0 [sflag:s0], s1  }
0x141: {  	s1 =	ssub.s32 @!p0 $0x0, s1;
	[sflag:s0] =	ssyncset.done @!p0 $0x0  }
0x142: {  	[sflag:s0] =	ssyncadd.s32 @!p0 s1  }
0x143: {  	[bflag:$0x3] =	sbarrier.arrive $0xFFFF  }
0x144: {  	_ =	shalt  }

</sc_bundles>
